<compile_context>
chip_gen: v7x
topology: tpu7x:2x2x1
jax: 0.10.2.dev20260603
libtpu: 0.0.44.dev20260713+nightly
codegen_flags: <defaults>
</compile_context>

<pallas_src>
import functools

import jax
import jax.numpy as jnp
from jax import lax
from jax.experimental import pallas as pl
from jax.experimental.pallas import tpu as pltpu
from jax.experimental.pallas import tpu_sc as plsc

N_NODES = 10000
N_EDGES = 320000
D = 128

NC = 2
NS = 16
NW = NC * NS
CHUNK = 64
EPT = 10240
NCH = EPT // CHUNK
E_PAD = NW * EPT
TROWS = 4096
RPT = 4000
NTB = 3
TRASH = 4000
DROWS = 128
EREP = 64
ZC = TROWS // NS // CHUNK
DZR = DROWS // NS


def _sc_segment_sum(x, eyer, sdm):
  mesh = plsc.VectorSubcoreMesh(core_axis_name="c", subcore_axis_name="s")

  @functools.partial(
      pl.kernel,
      out_type=(
          jax.ShapeDtypeStruct((NC, NTB, TROWS, D), jnp.float32),
          jax.ShapeDtypeStruct((NC, DROWS, D), jnp.float32),
      ),
      mesh=mesh,
      scratch_types=[
          pltpu.VMEM_SHARED((TROWS, D), jnp.float32),
          pltpu.VMEM_SHARED((TROWS, D), jnp.float32),
          pltpu.VMEM_SHARED((TROWS, D), jnp.float32),
          pltpu.VMEM_SHARED((DROWS, D), jnp.float32),
          pltpu.VMEM((2, CHUNK), jnp.int32),
          pltpu.VMEM((2, CHUNK), jnp.int32),
          pltpu.VMEM((CHUNK,), jnp.int32),
          pltpu.VMEM((CHUNK,), jnp.int32),
          pltpu.VMEM((CHUNK,), jnp.int32),
          pltpu.VMEM((CHUNK,), jnp.int32),
          pltpu.VMEM((CHUNK,), jnp.int32),
          pltpu.VMEM((CHUNK, D), jnp.float32),
          pltpu.VMEM((CHUNK, D), jnp.float32),
          pltpu.VMEM((CHUNK, D), jnp.float32),
          pltpu.SemaphoreType.DMA,
          pltpu.SemaphoreType.DMA,
          pltpu.SemaphoreType.DMA,
          pltpu.SemaphoreType.DMA,
          pltpu.SemaphoreType.DMA,
          pltpu.SemaphoreType.DMA,
      ],
  )
  def k(x_hbm, eyer_hbm, sdm_hbm, acc_out, deg_out,
        t0, t1, t2, td, sd0, sd1, x0, x1, x2, xd, dsh, rows0, rows1, aux,
        semg0, semg1, semi0, semi1, sem1, sems):
    c = lax.axis_index("c")
    s = lax.axis_index("s")
    g = c * NS + s
    tabs = (t0, t1, t2)
    tix = (x0, x1, x2)

    def fill(i, _):
      r = i // (D // 16)
      q = i % (D // 16)
      aux[r, pl.ds(q * 16, 16)] = jnp.zeros((16,), jnp.float32)
      return 0
    lax.fori_loop(0, CHUNK * (D // 16), fill, 0)

    for t in tabs:
      for kk in range(ZC):
        lo = (s * ZC + kk) * CHUNK
        pltpu.async_copy(aux, t.at[pl.ds(lo, CHUNK)], sems)
    pltpu.async_copy(aux.at[pl.ds(0, DZR)], td.at[pl.ds(s * DZR, DZR)], sems)
    for t in tabs:
      for kk in range(ZC):
        lo = (s * ZC + kk) * CHUNK
        pltpu.make_async_copy(aux, t.at[pl.ds(lo, CHUNK)], sems).wait()
    pltpu.make_async_copy(aux.at[pl.ds(0, DZR)],
                          td.at[pl.ds(s * DZR, DZR)], sems).wait()

    plsc.subcore_barrier()

    pltpu.sync_copy(sdm_hbm.at[g, 0], sd0)
    pltpu.async_copy(x_hbm.at[sd0.at[0]], rows0, semg0)
    pltpu.async_copy(sdm_hbm.at[g, 1], sd1, semi1)

    def half(j, sd, rows, semg, sd_n, rows_n, semg_n, semi_n, semi_f):
      for v in range(CHUNK // 16):
        d = sd[1, pl.ds(v * 16, 16)]
        one = jnp.ones((16,), jnp.int32)
        zero = jnp.zeros((16,), jnp.int32)
        tv = (jnp.where(d >= RPT, one, zero)
              + jnp.where(d >= 2 * RPT, one, zero))
        spill = TRASH + (d & 63)
        for t in range(NTB):
          tix[t][pl.ds(v * 16, 16)] = jnp.where(tv == t, d - t * RPT, spill)
        lane = lax.broadcasted_iota(jnp.int32, (16,), 0) + v * 16
        xd[pl.ds(v * 16, 16)] = (d & (D - 1)) + lane * D
        dsh[pl.ds(v * 16, 16)] = d >> (D.bit_length() - 1)
      pltpu.async_copy(eyer_hbm.at[xd], aux, sem1)
      pltpu.make_async_copy(x_hbm.at[sd.at[0]], rows, semg).wait()
      for t in range(NTB):
        pltpu.async_copy(rows, tabs[t].at[tix[t]], sems, add=True)
      pltpu.make_async_copy(sdm_hbm.at[g, j + 1], sd_n, semi_n).wait()
      pltpu.async_copy(x_hbm.at[sd_n.at[0]], rows_n, semg_n)
      pltpu.async_copy(sdm_hbm.at[g, j + 2], sd, semi_f)
      pltpu.make_async_copy(eyer_hbm.at[xd], aux, sem1).wait()
      pltpu.async_copy(aux, td.at[dsh], sems, add=True)
      for t in range(NTB):
        pltpu.make_async_copy(rows, tabs[t].at[tix[t]], sems).wait()
      pltpu.make_async_copy(aux, td.at[dsh], sems).wait()

    def chunk(i, _):
      j0 = 2 * i
      half(j0, sd0, rows0, semg0, sd1, rows1, semg1, semi1, semi0)
      half(j0 + 1, sd1, rows1, semg1, sd0, rows0, semg0, semi0, semi1)
      return 0

    lax.fori_loop(0, NCH // 2, chunk, 0)

    pltpu.make_async_copy(x_hbm.at[sd0.at[0]], rows0, semg0).wait()
    pltpu.make_async_copy(sdm_hbm.at[g, 0], sd1, semi1).wait()

    plsc.subcore_barrier()
    pairs = []
    for t in range(NTB):
      for kk in range(ZC):
        lo = (s * ZC + kk) * CHUNK
        pairs.append((tabs[t].at[pl.ds(lo, CHUNK)],
                      acc_out.at[c, t, pl.ds(lo, CHUNK)]))
    stage = (rows0, rows1)
    sem = (semg0, semg1)
    for i, (src, dst) in enumerate(pairs):
      if i >= 2:
        pltpu.make_async_copy(stage[i % 2], pairs[i - 2][1], sem[i % 2]).wait()
      pltpu.sync_copy(src, stage[i % 2])
      pltpu.async_copy(stage[i % 2], dst, sem[i % 2])
    n = len(pairs)
    pltpu.make_async_copy(stage[n % 2], pairs[n - 2][1], sem[n % 2]).wait()
    pltpu.make_async_copy(stage[(n + 1) % 2], pairs[n - 1][1],
                          sem[(n + 1) % 2]).wait()
    pltpu.sync_copy(td.at[pl.ds(s * DZR, DZR)], aux.at[pl.ds(0, DZR)])
    pltpu.sync_copy(aux.at[pl.ds(0, DZR)], deg_out.at[c, pl.ds(s * DZR, DZR)])

  return k(x, eyer, sdm)


BLK = 1000


def _tc_body(alpha_ref, bs_ref, acc_ref, deg_ref, x_ref, rr_ref,
             wlt_ref, bl_ref, wrt_ref, ws_ref, o_ref):
  aggsum = acc_ref[0, 0] + acc_ref[1, 0]
  degc = jnp.maximum(deg_ref[...], 1.0)
  hl = jnp.dot(aggsum, wlt_ref[...], preferred_element_type=jnp.float32)
  h = (hl / degc + bl_ref[...]
       + jnp.dot(x_ref[...], wrt_ref[...], preferred_element_type=jnp.float32))
  h = jnp.maximum(h, 0.0)
  gnn = jnp.dot(h, ws_ref[...], preferred_element_type=jnp.float32) + bs_ref[0, 0]
  a = 1.0 / (1.0 + jnp.exp(-alpha_ref[0, 0]))
  o_ref[...] = a * rr_ref[...] + (1.0 - a) * gnn


def _tc_dense(alpha, b_s, acc, deg2, x, rr2, wl_t, bl2, wr_t, ws_col):
  grid = (N_NODES // BLK,)
  return pl.pallas_call(
      _tc_body,
      grid=grid,
      in_specs=[
          pl.BlockSpec(memory_space=pltpu.SMEM),
          pl.BlockSpec(memory_space=pltpu.SMEM),
          pl.BlockSpec((NC, 1, BLK, D), lambda i: (0, i // 4, i % 4, 0)),
          pl.BlockSpec((BLK, 1), lambda i: (i, 0)),
          pl.BlockSpec((BLK, D), lambda i: (i, 0)),
          pl.BlockSpec((BLK, 1), lambda i: (i, 0)),
          pl.BlockSpec((D, D), lambda i: (0, 0)),
          pl.BlockSpec((1, D), lambda i: (0, 0)),
          pl.BlockSpec((D, D), lambda i: (0, 0)),
          pl.BlockSpec((D, 1), lambda i: (0, 0)),
      ],
      out_specs=pl.BlockSpec((BLK, 1), lambda i: (i, 0)),
      out_shape=jax.ShapeDtypeStruct((N_NODES, 1), jnp.float32),
  )(alpha, b_s, acc, deg2, x, rr2, wl_t, bl2, wr_t, ws_col)


@jax.jit
def kernel(x, edge_index, reranker_scores, W_l, b_l, W_r, W_s, b_s, alpha):
  src = edge_index[0].astype(jnp.int32)
  dst = edge_index[1].astype(jnp.int32)
  pad = E_PAD - N_EDGES
  pad_ids = jnp.arange(pad, dtype=jnp.int32)
  src_p = jnp.concatenate([src, (pad_ids * 997) % N_NODES])
  dst_p = jnp.concatenate([dst, N_NODES + (pad_ids % 240)])
  sdm = jnp.stack([src_p.reshape(NW, NCH, CHUNK),
                   dst_p.reshape(NW, NCH, CHUNK)], axis=2)
  sdm = jnp.concatenate([sdm, sdm[:, :2]], axis=1)
  eyer = jnp.tile(jnp.eye(D, dtype=jnp.float32), (EREP, 1))

  acc, degp = _sc_segment_sum(x, eyer, sdm)

  deg2 = (degp[0] + degp[1]).reshape(DROWS * D)[:N_NODES].reshape(N_NODES, 1)

  alpha2 = alpha.reshape(1, 1)
  bs2 = b_s.reshape(1, 1)
  rr2 = reranker_scores.reshape(N_NODES, 1)
  out2 = _tc_dense(alpha2, bs2, acc, deg2, x, rr2,
                   W_l.T, b_l.reshape(1, D), W_r.T, W_s.T)
  return out2.reshape(N_NODES)

# --- scband reference (transcript-rebuilt; emitter-appended) ---
"""Pipeline reference for scband-flexible-sagereranker-48885317763297 (READ-ONLY COPY).

The authoritative reference and input builder live on the scoring server;
editing this copy changes nothing except your own understanding.
"""

import jax, jax.numpy as jnp
import numpy as np

N_NODES = 10000
N_EDGES = 320000
D_IN = 128
D_HID = 128

def setup_inputs(seed: int = 0) -> dict:
    key = jax.random.key(seed)
    ks = jax.random.split(key, 8)
    x = jax.random.normal(ks[0], (N_NODES, D_IN), dtype=jnp.float32)
    edge_index = jax.random.randint(ks[1], (2, N_EDGES), 0, N_NODES, dtype=jnp.int64)
    reranker_scores = jax.random.normal(ks[2], (N_NODES,), dtype=jnp.float32)
    # SAGEConv params (PyG: lin_l applied to aggregated neighbors w/ bias, lin_r root weight no bias)
    s = 1.0 / np.sqrt(D_IN)
    W_l = jax.random.uniform(ks[3], (D_HID, D_IN), minval=-s, maxval=s, dtype=jnp.float32)
    b_l = jax.random.uniform(ks[4], (D_HID,), minval=-s, maxval=s, dtype=jnp.float32)
    W_r = jax.random.uniform(ks[5], (D_HID, D_IN), minval=-s, maxval=s, dtype=jnp.float32)
    sh = 1.0 / np.sqrt(D_HID)
    W_s = jax.random.uniform(ks[6], (1, D_HID), minval=-sh, maxval=sh, dtype=jnp.float32)
    b_s = jax.random.uniform(ks[7], (1,), minval=-sh, maxval=sh, dtype=jnp.float32)
    alpha = jnp.asarray(0.65, dtype=jnp.float32)
    return {"x": x, "edge_index": edge_index, "reranker_scores": reranker_scores,
            "W_l": W_l, "b_l": b_l, "W_r": W_r, "W_s": W_s, "b_s": b_s, "alpha": alpha}

def reference(x, edge_index, reranker_scores, W_l, b_l, W_r, W_s, b_s, alpha):
    src = edge_index[0]
    dst = edge_index[1]
    # mean aggregation over incoming edges at dst nodes
    msgs = jnp.take(x, src, axis=0)                      # gather [E, D_IN]
    agg = jax.ops.segment_sum(msgs, dst, num_segments=N_NODES)
    deg = jax.ops.segment_sum(jnp.ones((msgs.shape[0],), dtype=x.dtype), dst, num_segments=N_NODES)
    agg = agg / jnp.clip(deg, 1.0)[:, None]
    # SAGEConv: lin_l(agg) + lin_r(x)
    h = agg @ W_l.T + b_l + x @ W_r.T
    h = jax.nn.relu(h)
    # dropout p=0.0 -> identity
    gnn_scores = (h @ W_s.T + b_s).squeeze(-1)
    a = jax.nn.sigmoid(alpha)
    return a * reranker_scores + (1.0 - a) * gnn_scores

if __name__ == "__main__":
    import jax
    _d = setup_inputs()
    print(jax.jit(kernel)(*tuple(_d.values())))

</pallas_src>

<mosaic_0001>
#map = affine_map<(d0, d1) -> (0, 0)>
#map1 = affine_map<(d0, d1) -> (0, 0, 0, 0)>
#map2 = affine_map<(d0, d1) -> (0, 0, 0)>
module attributes {stable_mosaic.version = 14 : i64} {
  func.func @k(%arg0: i32, %arg1: i32, %arg2: memref<10000x128xf32, #tpu.memory_space<hbm>>, %arg3: memref<8192x128xf32, #tpu.memory_space<hbm>>, %arg4: memref<32x162x2x64xi32, #tpu.memory_space<hbm>>, %arg5: memref<2x3x4096x128xf32, #tpu.memory_space<hbm>>, %arg6: memref<2x128x128xf32, #tpu.memory_space<hbm>>, %arg7: memref<4096x128xf32, #tpu.memory_space<vmem_shared>>, %arg8: memref<4096x128xf32, #tpu.memory_space<vmem_shared>>, %arg9: memref<4096x128xf32, #tpu.memory_space<vmem_shared>>, %arg10: memref<128x128xf32, #tpu.memory_space<vmem_shared>>, %arg11: memref<2x64xi32, #tpu.memory_space<vmem>>, %arg12: memref<2x64xi32, #tpu.memory_space<vmem>>, %arg13: memref<64xi32, #tpu.memory_space<vmem>>, %arg14: memref<64xi32, #tpu.memory_space<vmem>>, %arg15: memref<64xi32, #tpu.memory_space<vmem>>, %arg16: memref<64xi32, #tpu.memory_space<vmem>>, %arg17: memref<64xi32, #tpu.memory_space<vmem>>, %arg18: memref<64x128xf32, #tpu.memory_space<vmem>>, %arg19: memref<64x128xf32, #tpu.memory_space<vmem>>, %arg20: memref<64x128xf32, #tpu.memory_space<vmem>>, %arg21: memref<!tpu.dma_semaphore, #tpu.memory_space<semaphore_mem>>, %arg22: memref<!tpu.dma_semaphore, #tpu.memory_space<semaphore_mem>>, %arg23: memref<!tpu.dma_semaphore, #tpu.memory_space<semaphore_mem>>, %arg24: memref<!tpu.dma_semaphore, #tpu.memory_space<semaphore_mem>>, %arg25: memref<!tpu.dma_semaphore, #tpu.memory_space<semaphore_mem>>, %arg26: memref<!tpu.dma_semaphore, #tpu.memory_space<semaphore_mem>>) attributes {dimension_semantics = [#tpu.dimension_semantics<core_parallel>, #tpu.dimension_semantics<subcore_parallel>], iteration_bounds = array<i64: 2, 16>, scalar_prefetch = 0 : i64, scratch_operands = 20 : i64, tpu.core_type = #tpu.core_type<sc_vector_subcore>, window_params = [{transform_indices = #map}, {transform_indices = #map}, {transform_indices = #map1}, {transform_indices = #map1}, {transform_indices = #map2}]} {
    %mul3A = arith.constant 16 : i32
    %mul3A_0 = arith.muli %arg0, %mul3A : i32
    %add3A = arith.addi %mul3A_0, %arg1 : i32
    %scan3A = arith.constant 0 : i32
    %scan3A_1 = arith.constant 0 : i32
    %scan3A_2 = arith.constant 512 : i32
    %scan3A_3 = arith.addi %scan3A_1, %scan3A_2 : i32
    %scan3A_4 = arith.constant 1 : i32
    %scan3A_5 = scf.for %scan3A_553 = %scan3A_1 to %scan3A_3 step %scan3A_4 iter_args(%scan3A_554 = %scan3A) -> (i32)  : i32 {
      %jit3A = arith.constant 8 : i32
      %div3A = arith.divsi %scan3A_553, %jit3A : i32
      %sign3A = arith.constant 0 : i32
      %sign3A_555 = arith.cmpi sgt, %scan3A_553, %sign3A : i32
      %sign3A_556 = arith.extui %sign3A_555 : i1 to i32
      %sign3A_557 = arith.constant 0 : i32
      %sign3A_558 = arith.cmpi slt, %scan3A_553, %sign3A_557 : i32
      %sign3A_559 = arith.extui %sign3A_558 : i1 to i32
      %sign3A_560 = arith.subi %sign3A_556, %sign3A_559 : i32
      %sign3A_561 = arith.constant 0 : i32
      %sign3A_562 = arith.cmpi sgt, %jit3A, %sign3A_561 : i32
      %sign3A_563 = arith.extui %sign3A_562 : i1 to i32
      %sign3A_564 = arith.constant 0 : i32
      %sign3A_565 = arith.cmpi slt, %jit3A, %sign3A_564 : i32
      %sign3A_566 = arith.extui %sign3A_565 : i1 to i32
      %sign3A_567 = arith.subi %sign3A_563, %sign3A_566 : i32
      %ne3A = arith.cmpi ne, %sign3A_560, %sign3A_567 : i32
      %rem3A = arith.remsi %scan3A_553, %jit3A : i32
      %ne3A_568 = arith.constant 0 : i32
      %ne3A_569 = arith.cmpi ne, %rem3A, %ne3A_568 : i32
      %and3A = arith.andi %ne3A, %ne3A_569 : i1
      %sub3A = arith.constant 1 : i32
      %sub3A_570 = arith.subi %div3A, %sub3A : i32
      %select_n3A = arith.select %and3A, %sub3A_570, %div3A : i32
      %jit3A_571 = arith.constant 8 : i32
      %eq3A = arith.constant 0 : i32
      %eq3A_572 = arith.cmpi eq, %jit3A_571, %eq3A : i32
      %jit3A_573 = arith.constant 1 : i32
      %select_n3A_574 = arith.select %eq3A_572, %jit3A_573, %jit3A_571 : i32
      %rem3A_575 = arith.remsi %scan3A_553, %select_n3A_574 : i32
      %ne3A_576 = arith.constant 0 : i32
      %ne3A_577 = arith.cmpi ne, %rem3A_575, %ne3A_576 : i32
      %lt3A = arith.constant 0 : i32
      %lt3A_578 = arith.cmpi slt, %rem3A_575, %lt3A : i32
      %lt3A_579 = arith.constant 0 : i32
      %lt3A_580 = arith.cmpi slt, %select_n3A_574, %lt3A_579 : i32
      %ne3A_581 = arith.xori %lt3A_578, %lt3A_580 : i1
      %and3A_582 = arith.andi %ne3A_581, %ne3A_577 : i1
      %add3A_583 = arith.addi %rem3A_575, %select_n3A_574 : i32
      %select_n3A_584 = arith.select %and3A_582, %add3A_583, %rem3A_575 : i32
      %broadcast_in_dim3A = arith.constant 0.000000e+00 : f32
      %broadcast_in_dim3A_585 = vector.broadcast %broadcast_in_dim3A : f32 to vector<16xf32>
      %mul3A_586 = arith.constant 16 : i32
      %mul3A_587 = arith.muli %select_n3A_584, %mul3A_586 : i32
      %swap3A = arith.index_cast %select_n3A : i32 to index
      %swap3A_588 = arith.index_cast %mul3A_587 : i32 to index
      %swap3A_589 = tpu.vector_load %arg20[%swap3A, %swap3A_588] {strides = array<i32>} : memref<64x128xf32, #tpu.memory_space<vmem>>, vector<1x16xf32>,
      %swap3A_590 = vector.shape_cast %swap3A_589 : vector<1x16xf32> to vector<16xf32>
      %swap3A_591 = vector.shape_cast %broadcast_in_dim3A_585 : vector<16xf32> to vector<1x16xf32>
      tpu.vector_store %arg20[%swap3A, %swap3A_588], %swap3A_591 {strides = array<i32>} : memref<64x128xf32, #tpu.memory_space<vmem>>, vector<1x16xf32>,
      %scan3A_592 = arith.constant 0 : i32
      scf.yield %scan3A_592 : i32
    }
    %scan3A_6 = arith.constant 512 : i32
    %mul3A_7 = arith.constant 4 : i32
    %mul3A_8 = arith.muli %arg1, %mul3A_7 : i32
    %add3A_9 = arith.constant 0 : i32
    %add3A_10 = arith.addi %mul3A_8, %add3A_9 : i32
    %mul3A_11 = arith.constant 64 : i32
    %mul3A_12 = arith.muli %add3A_10, %mul3A_11 : i32
    %dma_start3A = arith.constant 0 : i32
    %dma_start3A_13 = tpu.memref_slice %arg7[%mul3A_12, %dma_start3A] : memref<4096x128xf32, #tpu.memory_space<vmem_shared>> -> memref<64x128xf32, #tpu.memory_space<vmem_shared>>
    %dma_start3A_14 = arith.constant 0 : i32
    %dma_start3A_15 = tpu.memref_slice %arg7[%mul3A_12, %dma_start3A_14] : memref<4096x128xf32, #tpu.memory_space<vmem_shared>> -> memref<64x128xf32, #tpu.memory_space<vmem_shared>>
    tpu.enqueue_dma source(%arg20 : memref<64x128xf32, #tpu.memory_space<vmem>>) target(%dma_start3A_15 : memref<64x128xf32, #tpu.memory_space<vmem_shared>>) target_semaphore(%arg26 : memref<!tpu.dma_semaphore, #tpu.memory_space<semaphore_mem>>)
    %mul3A_16 = arith.constant 4 : i32
    %mul3A_17 = arith.muli %arg1, %mul3A_16 : i32
    %add3A_18 = arith.constant 1 : i32
    %add3A_19 = arith.addi %mul3A_17, %add3A_18 : i32
    %mul3A_20 = arith.constant 64 : i32
    %mul3A_21 = arith.muli %add3A_19, %mul3A_20 : i32
    %dma_start3A_22 = arith.constant 0 : i32
    %dma_start3A_23 = tpu.memref_slice %arg7[%mul3A_21, %dma_start3A_22] : memref<4096x128xf32, #tpu.memory_space<vmem_shared>> -> memref<64x128xf32, #tpu.memory_space<vmem_shared>>
    %dma_start3A_24 = arith.constant 0 : i32
    %dma_start3A_25 = tpu.memref_slice %arg7[%mul3A_21, %dma_start3A_24] : memref<4096x128xf32, #tpu.memory_space<vmem_shared>> -> memref<64x128xf32, #tpu.memory_space<vmem_shared>>
    tpu.enqueue_dma source(%arg20 : memref<64x128xf32, #tpu.memory_space<vmem>>) target(%dma_start3A_25 : memref<64x128xf32, #tpu.memory_space<vmem_shared>>) target_semaphore(%arg26 : memref<!tpu.dma_semaphore, #tpu.memory_space<semaphore_mem>>)
    %mul3A_26 = arith.constant 4 : i32
    %mul3A_27 = arith.muli %arg1, %mul3A_26 : i32
    %add3A_28 = arith.constant 2 : i32
    %add3A_29 = arith.addi %mul3A_27, %add3A_28 : i32
    %mul3A_30 = arith.constant 64 : i32
    %mul3A_31 = arith.muli %add3A_29, %mul3A_30 : i32
    %dma_start3A_32 = arith.constant 0 : i32
    %dma_start3A_33 = tpu.memref_slice %arg7[%mul3A_31, %dma_start3A_32] : memref<4096x128xf32, #tpu.memory_space<vmem_shared>> -> memref<64x128xf32, #tpu.memory_space<vmem_shared>>
    %dma_start3A_34 = arith.constant 0 : i32
    %dma_start3A_35 = tpu.memref_slice %arg7[%mul3A_31, %dma_start3A_34] : memref<4096x128xf32, #tpu.memory_space<vmem_shared>> -> memref<64x128xf32, #tpu.memory_space<vmem_shared>>
    tpu.enqueue_dma source(%arg20 : memref<64x128xf32, #tpu.memory_space<vmem>>) target(%dma_start3A_35 : memref<64x128xf32, #tpu.memory_space<vmem_shared>>) target_semaphore(%arg26 : memref<!tpu.dma_semaphore, #tpu.memory_space<semaphore_mem>>)
    %mul3A_36 = arith.constant 4 : i32
    %mul3A_37 = arith.muli %arg1, %mul3A_36 : i32
    %add3A_38 = arith.constant 3 : i32
    %add3A_39 = arith.addi %mul3A_37, %add3A_38 : i32
    %mul3A_40 = arith.constant 64 : i32
    %mul3A_41 = arith.muli %add3A_39, %mul3A_40 : i32
    %dma_start3A_42 = arith.constant 0 : i32
    %dma_start3A_43 = tpu.memref_slice %arg7[%mul3A_41, %dma_start3A_42] : memref<4096x128xf32, #tpu.memory_space<vmem_shared>> -> memref<64x128xf32, #tpu.memory_space<vmem_shared>>
    %dma_start3A_44 = arith.constant 0 : i32
    %dma_start3A_45 = tpu.memref_slice %arg7[%mul3A_41, %dma_start3A_44] : memref<4096x128xf32, #tpu.memory_space<vmem_shared>> -> memref<64x128xf32, #tpu.memory_space<vmem_shared>>
    tpu.enqueue_dma source(%arg20 : memref<64x128xf32, #tpu.memory_space<vmem>>) target(%dma_start3A_45 : memref<64x128xf32, #tpu.memory_space<vmem_shared>>) target_semaphore(%arg26 : memref<!tpu.dma_semaphore, #tpu.memory_space<semaphore_mem>>)
    %mul3A_46 = arith.constant 4 : i32
    %mul3A_47 = arith.muli %arg1, %mul3A_46 : i32
    %add3A_48 = arith.constant 0 : i32
    %add3A_49 = arith.addi %mul3A_47, %add3A_48 : i32
    %mul3A_50 = arith.constant 64 : i32
    %mul3A_51 = arith.muli %add3A_49, %mul3A_50 : i32
    %dma_start3A_52 = arith.constant 0 : i32
    %dma_start3A_53 = tpu.memref_slice %arg8[%mul3A_51, %dma_start3A_52] : memref<4096x128xf32, #tpu.memory_space<vmem_shared>> -> memref<64x128xf32, #tpu.memory_space<vmem_shared>>
    %dma_start3A_54 = arith.constant 0 : i32
    %dma_start3A_55 = tpu.memref_slice %arg8[%mul3A_51, %dma_start3A_54] : memref<4096x128xf32, #tpu.memory_space<vmem_shared>> -> memref<64x128xf32, #tpu.memory_space<vmem_shared>>
    tpu.enqueue_dma source(%arg20 : memref<64x128xf32, #tpu.memory_space<vmem>>) target(%dma_start3A_55 : memref<64x128xf32, #tpu.memory_space<vmem_shared>>) target_semaphore(%arg26 : memref<!tpu.dma_semaphore, #tpu.memory_space<semaphore_mem>>)
    %mul3A_56 = arith.constant 4 : i32
    %mul3A_57 = arith.muli %arg1, %mul3A_56 : i32
    %add3A_58 = arith.constant 1 : i32
    %add3A_59 = arith.addi %mul3A_57, %add3A_58 : i32
    %mul3A_60 = arith.constant 64 : i32
    %mul3A_61 = arith.muli %add3A_59, %mul3A_60 : i32
    %dma_start3A_62 = arith.constant 0 : i32
    %dma_start3A_63 = tpu.memref_slice %arg8[%mul3A_61, %dma_start3A_62] : memref<4096x128xf32, #tpu.memory_space<vmem_shared>> -> memref<64x128xf32, #tpu.memory_space<vmem_shared>>
    %dma_start3A_64 = arith.constant 0 : i32
    %dma_start3A_65 = tpu.memref_slice %arg8[%mul3A_61, %dma_start3A_64] : memref<4096x128xf32, #tpu.memory_space<vmem_shared>> -> memref<64x128xf32, #tpu.memory_space<vmem_shared>>
    tpu.enqueue_dma source(%arg20 : memref<64x128xf32, #tpu.memory_space<vmem>>) target(%dma_start3A_65 : memref<64x128xf32, #tpu.memory_space<vmem_shared>>) target_semaphore(%arg26 : memref<!tpu.dma_semaphore, #tpu.memory_space<semaphore_mem>>)
    %mul3A_66 = arith.constant 4 : i32
    %mul3A_67 = arith.muli %arg1, %mul3A_66 : i32
    %add3A_68 = arith.constant 2 : i32
    %add3A_69 = arith.addi %mul3A_67, %add3A_68 : i32
    %mul3A_70 = arith.constant 64 : i32
    %mul3A_71 = arith.muli %add3A_69, %mul3A_70 : i32
    %dma_start3A_72 = arith.constant 0 : i32
    %dma_start3A_73 = tpu.memref_slice %arg8[%mul3A_71, %dma_start3A_72] : memref<4096x128xf32, #tpu.memory_space<vmem_shared>> -> memref<64x128xf32, #tpu.memory_space<vmem_shared>>
    %dma_start3A_74 = arith.constant 0 : i32
    %dma_start3A_75 = tpu.memref_slice %arg8[%mul3A_71, %dma_start3A_74] : memref<4096x128xf32, #tpu.memory_space<vmem_shared>> -> memref<64x128xf32, #tpu.memory_space<vmem_shared>>
    tpu.enqueue_dma source(%arg20 : memref<64x128xf32, #tpu.memory_space<vmem>>) target(%dma_start3A_75 : memref<64x128xf32, #tpu.memory_space<vmem_shared>>) target_semaphore(%arg26 : memref<!tpu.dma_semaphore, #tpu.memory_space<semaphore_mem>>)
    %mul3A_76 = arith.constant 4 : i32
    %mul3A_77 = arith.muli %arg1, %mul3A_76 : i32
    %add3A_78 = arith.constant 3 : i32
    %add3A_79 = arith.addi %mul3A_77, %add3A_78 : i32
    %mul3A_80 = arith.constant 64 : i32
    %mul3A_81 = arith.muli %add3A_79, %mul3A_80 : i32
    %dma_start3A_82 = arith.constant 0 : i32
    %dma_start3A_83 = tpu.memref_slice %arg8[%mul3A_81, %dma_start3A_82] : memref<4096x128xf32, #tpu.memory_space<vmem_shared>> -> memref<64x128xf32, #tpu.memory_space<vmem_shared>>
    %dma_start3A_84 = arith.constant 0 : i32
    %dma_start3A_85 = tpu.memref_slice %arg8[%mul3A_81, %dma_start3A_84] : memref<4096x128xf32, #tpu.memory_space<vmem_shared>> -> memref<64x128xf32, #tpu.memory_space<vmem_shared>>
    tpu.enqueue_dma source(%arg20 : memref<64x128xf32, #tpu.memory_space<vmem>>) target(%dma_start3A_85 : memref<64x128xf32, #tpu.memory_space<vmem_shared>>) target_semaphore(%arg26 : memref<!tpu.dma_semaphore, #tpu.memory_space<semaphore_mem>>)
    %mul3A_86 = arith.constant 4 : i32
    %mul3A_87 = arith.muli %arg1, %mul3A_86 : i32
    %add3A_88 = arith.constant 0 : i32
    %add3A_89 = arith.addi %mul3A_87, %add3A_88 : i32
    %mul3A_90 = arith.constant 64 : i32
    %mul3A_91 = arith.muli %add3A_89, %mul3A_90 : i32
    %dma_start3A_92 = arith.constant 0 : i32
    %dma_start3A_93 = tpu.memref_slice %arg9[%mul3A_91, %dma_start3A_92] : memref<4096x128xf32, #tpu.memory_space<vmem_shared>> -> memref<64x128xf32, #tpu.memory_space<vmem_shared>>
    %dma_start3A_94 = arith.constant 0 : i32
    %dma_start3A_95 = tpu.memref_slice %arg9[%mul3A_91, %dma_start3A_94] : memref<4096x128xf32, #tpu.memory_space<vmem_shared>> -> memref<64x128xf32, #tpu.memory_space<vmem_shared>>
    tpu.enqueue_dma source(%arg20 : memref<64x128xf32, #tpu.memory_space<vmem>>) target(%dma_start3A_95 : memref<64x128xf32, #tpu.memory_space<vmem_shared>>) target_semaphore(%arg26 : memref<!tpu.dma_semaphore, #tpu.memory_space<semaphore_mem>>)
    %mul3A_96 = arith.constant 4 : i32
    %mul3A_97 = arith.muli %arg1, %mul3A_96 : i32
    %add3A_98 = arith.constant 1 : i32
    %add3A_99 = arith.addi %mul3A_97, %add3A_98 : i32
    %mul3A_100 = arith.constant 64 : i32
    %mul3A_101 = arith.muli %add3A_99, %mul3A_100 : i32
    %dma_start3A_102 = arith.constant 0 : i32
    %dma_start3A_103 = tpu.memref_slice %arg9[%mul3A_101, %dma_start3A_102] : memref<4096x128xf32, #tpu.memory_space<vmem_shared>> -> memref<64x128xf32, #tpu.memory_space<vmem_shared>>
    %dma_start3A_104 = arith.constant 0 : i32
    %dma_start3A_105 = tpu.memref_slice %arg9[%mul3A_101, %dma_start3A_104] : memref<4096x128xf32, #tpu.memory_space<vmem_shared>> -> memref<64x128xf32, #tpu.memory_space<vmem_shared>>
    tpu.enqueue_dma source(%arg20 : memref<64x128xf32, #tpu.memory_space<vmem>>) target(%dma_start3A_105 : memref<64x128xf32, #tpu.memory_space<vmem_shared>>) target_semaphore(%arg26 : memref<!tpu.dma_semaphore, #tpu.memory_space<semaphore_mem>>)
    %mul3A_106 = arith.constant 4 : i32
    %mul3A_107 = arith.muli %arg1, %mul3A_106 : i32
    %add3A_108 = arith.constant 2 : i32
    %add3A_109 = arith.addi %mul3A_107, %add3A_108 : i32
    %mul3A_110 = arith.constant 64 : i32
    %mul3A_111 = arith.muli %add3A_109, %mul3A_110 : i32
    %dma_start3A_112 = arith.constant 0 : i32
    %dma_start3A_113 = tpu.memref_slice %arg9[%mul3A_111, %dma_start3A_112] : memref<4096x128xf32, #tpu.memory_space<vmem_shared>> -> memref<64x128xf32, #tpu.memory_space<vmem_shared>>
    %dma_start3A_114 = arith.constant 0 : i32
    %dma_start3A_115 = tpu.memref_slice %arg9[%mul3A_111, %dma_start3A_114] : memref<4096x128xf32, #tpu.memory_space<vmem_shared>> -> memref<64x128xf32, #tpu.memory_space<vmem_shared>>
    tpu.enqueue_dma source(%arg20 : memref<64x128xf32, #tpu.memory_space<vmem>>) target(%dma_start3A_115 : memref<64x128xf32, #tpu.memory_space<vmem_shared>>) target_semaphore(%arg26 : memref<!tpu.dma_semaphore, #tpu.memory_space<semaphore_mem>>)
    %mul3A_116 = arith.constant 4 : i32
    %mul3A_117 = arith.muli %arg1, %mul3A_116 : i32
    %add3A_118 = arith.constant 3 : i32
    %add3A_119 = arith.addi %mul3A_117, %add3A_118 : i32
    %mul3A_120 = arith.constant 64 : i32
    %mul3A_121 = arith.muli %add3A_119, %mul3A_120 : i32
    %dma_start3A_122 = arith.constant 0 : i32
    %dma_start3A_123 = tpu.memref_slice %arg9[%mul3A_121, %dma_start3A_122] : memref<4096x128xf32, #tpu.memory_space<vmem_shared>> -> memref<64x128xf32, #tpu.memory_space<vmem_shared>>
    %dma_start3A_124 = arith.constant 0 : i32
    %dma_start3A_125 = tpu.memref_slice %arg9[%mul3A_121, %dma_start3A_124] : memref<4096x128xf32, #tpu.memory_space<vmem_shared>> -> memref<64x128xf32, #tpu.memory_space<vmem_shared>>
    tpu.enqueue_dma source(%arg20 : memref<64x128xf32, #tpu.memory_space<vmem>>) target(%dma_start3A_125 : memref<64x128xf32, #tpu.memory_space<vmem_shared>>) target_semaphore(%arg26 : memref<!tpu.dma_semaphore, #tpu.memory_space<semaphore_mem>>)
    %mul3A_126 = arith.constant 8 : i32
    %mul3A_127 = arith.muli %arg1, %mul3A_126 : i32
    %dma_start3A_128 = arith.constant 0 : i32
    %dma_start3A_129 = arith.constant 0 : i32
    %dma_start3A_130 = tpu.memref_slice %arg20[%dma_start3A_128, %dma_start3A_129] : memref<64x128xf32, #tpu.memory_space<vmem>> -> memref<8x128xf32, #tpu.memory_space<vmem>>
    %dma_start3A_131 = arith.constant 0 : i32
    %dma_start3A_132 = tpu.memref_slice %arg10[%mul3A_127, %dma_start3A_131] : memref<128x128xf32, #tpu.memory_space<vmem_shared>> -> memref<8x128xf32, #tpu.memory_space<vmem_shared>>
    %dma_start3A_133 = arith.constant 0 : i32
    %dma_start3A_134 = tpu.memref_slice %arg10[%mul3A_127, %dma_start3A_133] : memref<128x128xf32, #tpu.memory_space<vmem_shared>> -> memref<8x128xf32, #tpu.memory_space<vmem_shared>>
    %dma_start3A_135 = arith.constant 0 : i32
    %dma_start3A_136 = arith.constant 0 : i32
    %dma_start3A_137 = tpu.memref_slice %arg20[%dma_start3A_135, %dma_start3A_136] : memref<64x128xf32, #tpu.memory_space<vmem>> -> memref<8x128xf32, #tpu.memory_space<vmem>>
    tpu.enqueue_dma source(%dma_start3A_137 : memref<8x128xf32, #tpu.memory_space<vmem>>) target(%dma_start3A_134 : memref<8x128xf32, #tpu.memory_space<vmem_shared>>) target_semaphore(%arg26 : memref<!tpu.dma_semaphore, #tpu.memory_space<semaphore_mem>>)
    %mul3A_138 = arith.constant 4 : i32
    %mul3A_139 = arith.muli %arg1, %mul3A_138 : i32
    %add3A_140 = arith.constant 0 : i32
    %add3A_141 = arith.addi %mul3A_139, %add3A_140 : i32
    %mul3A_142 = arith.constant 64 : i32
    %mul3A_143 = arith.muli %add3A_141, %mul3A_142 : i32
    %dma_wait3A = arith.constant 0 : i32
    %dma_wait3A_144 = tpu.memref_slice %arg7[%mul3A_143, %dma_wait3A] : memref<4096x128xf32, #tpu.memory_space<vmem_shared>> -> memref<64x128xf32, #tpu.memory_space<vmem_shared>>
    %dma_wait3A_145 = arith.constant 0 : i32
    %dma_wait3A_146 = tpu.memref_slice %arg7[%mul3A_143, %dma_wait3A_145] : memref<4096x128xf32, #tpu.memory_space<vmem_shared>> -> memref<64x128xf32, #tpu.memory_space<vmem_shared>>
    tpu.wait_dma2 semaphore(%arg26 : memref<!tpu.dma_semaphore, #tpu.memory_space<semaphore_mem>>) src(%arg20 : memref<64x128xf32, #tpu.memory_space<vmem>>) dst(%dma_wait3A_146 : memref<64x128xf32, #tpu.memory_space<vmem_shared>>)
    %mul3A_147 = arith.constant 4 : i32
    %mul3A_148 = arith.muli %arg1, %mul3A_147 : i32
    %add3A_149 = arith.constant 1 : i32
    %add3A_150 = arith.addi %mul3A_148, %add3A_149 : i32
    %mul3A_151 = arith.constant 64 : i32
    %mul3A_152 = arith.muli %add3A_150, %mul3A_151 : i32
    %dma_wait3A_153 = arith.constant 0 : i32
    %dma_wait3A_154 = tpu.memref_slice %arg7[%mul3A_152, %dma_wait3A_153] : memref<4096x128xf32, #tpu.memory_space<vmem_shared>> -> memref<64x128xf32, #tpu.memory_space<vmem_shared>>
    %dma_wait3A_155 = arith.constant 0 : i32
    %dma_wait3A_156 = tpu.memref_slice %arg7[%mul3A_152, %dma_wait3A_155] : memref<4096x128xf32, #tpu.memory_space<vmem_shared>> -> memref<64x128xf32, #tpu.memory_space<vmem_shared>>
    tpu.wait_dma2 semaphore(%arg26 : memref<!tpu.dma_semaphore, #tpu.memory_space<semaphore_mem>>) src(%arg20 : memref<64x128xf32, #tpu.memory_space<vmem>>) dst(%dma_wait3A_156 : memref<64x128xf32, #tpu.memory_space<vmem_shared>>)
    %mul3A_157 = arith.constant 4 : i32
    %mul3A_158 = arith.muli %arg1, %mul3A_157 : i32
    %add3A_159 = arith.constant 2 : i32
    %add3A_160 = arith.addi %mul3A_158, %add3A_159 : i32
    %mul3A_161 = arith.constant 64 : i32
    %mul3A_162 = arith.muli %add3A_160, %mul3A_161 : i32
    %dma_wait3A_163 = arith.constant 0 : i32
    %dma_wait3A_164 = tpu.memref_slice %arg7[%mul3A_162, %dma_wait3A_163] : memref<4096x128xf32, #tpu.memory_space<vmem_shared>> -> memref<64x128xf32, #tpu.memory_space<vmem_shared>>
    %dma_wait3A_165 = arith.constant 0 : i32
    %dma_wait3A_166 = tpu.memref_slice %arg7[%mul3A_162, %dma_wait3A_165] : memref<4096x128xf32, #tpu.memory_space<vmem_shared>> -> memref<64x128xf32, #tpu.memory_space<vmem_shared>>
    tpu.wait_dma2 semaphore(%arg26 : memref<!tpu.dma_semaphore, #tpu.memory_space<semaphore_mem>>) src(%arg20 : memref<64x128xf32, #tpu.memory_space<vmem>>) dst(%dma_wait3A_166 : memref<64x128xf32, #tpu.memory_space<vmem_shared>>)
    %mul3A_167 = arith.constant 4 : i32
    %mul3A_168 = arith.muli %arg1, %mul3A_167 : i32
    %add3A_169 = arith.constant 3 : i32
    %add3A_170 = arith.addi %mul3A_168, %add3A_169 : i32
    %mul3A_171 = arith.constant 64 : i32
    %mul3A_172 = arith.muli %add3A_170, %mul3A_171 : i32
    %dma_wait3A_173 = arith.constant 0 : i32
    %dma_wait3A_174 = tpu.memref_slice %arg7[%mul3A_172, %dma_wait3A_173] : memref<4096x128xf32, #tpu.memory_space<vmem_shared>> -> memref<64x128xf32, #tpu.memory_space<vmem_shared>>
    %dma_wait3A_175 = arith.constant 0 : i32
    %dma_wait3A_176 = tpu.memref_slice %arg7[%mul3A_172, %dma_wait3A_175] : memref<4096x128xf32, #tpu.memory_space<vmem_shared>> -> memref<64x128xf32, #tpu.memory_space<vmem_shared>>
    tpu.wait_dma2 semaphore(%arg26 : memref<!tpu.dma_semaphore, #tpu.memory_space<semaphore_mem>>) src(%arg20 : memref<64x128xf32, #tpu.memory_space<vmem>>) dst(%dma_wait3A_176 : memref<64x128xf32, #tpu.memory_space<vmem_shared>>)
    %mul3A_177 = arith.constant 4 : i32
    %mul3A_178 = arith.muli %arg1, %mul3A_177 : i32
    %add3A_179 = arith.constant 0 : i32
    %add3A_180 = arith.addi %mul3A_178, %add3A_179 : i32
    %mul3A_181 = arith.constant 64 : i32
    %mul3A_182 = arith.muli %add3A_180, %mul3A_181 : i32
    %dma_wait3A_183 = arith.constant 0 : i32
    %dma_wait3A_184 = tpu.memref_slice %arg8[%mul3A_182, %dma_wait3A_183] : memref<4096x128xf32, #tpu.memory_space<vmem_shared>> -> memref<64x128xf32, #tpu.memory_space<vmem_shared>>
    %dma_wait3A_185 = arith.constant 0 : i32
    %dma_wait3A_186 = tpu.memref_slice %arg8[%mul3A_182, %dma_wait3A_185] : memref<4096x128xf32, #tpu.memory_space<vmem_shared>> -> memref<64x128xf32, #tpu.memory_space<vmem_shared>>
    tpu.wait_dma2 semaphore(%arg26 : memref<!tpu.dma_semaphore, #tpu.memory_space<semaphore_mem>>) src(%arg20 : memref<64x128xf32, #tpu.memory_space<vmem>>) dst(%dma_wait3A_186 : memref<64x128xf32, #tpu.memory_space<vmem_shared>>)
    %mul3A_187 = arith.constant 4 : i32
    %mul3A_188 = arith.muli %arg1, %mul3A_187 : i32
    %add3A_189 = arith.constant 1 : i32
    %add3A_190 = arith.addi %mul3A_188, %add3A_189 : i32
    %mul3A_191 = arith.constant 64 : i32
    %mul3A_192 = arith.muli %add3A_190, %mul3A_191 : i32
    %dma_wait3A_193 = arith.constant 0 : i32
    %dma_wait3A_194 = tpu.memref_slice %arg8[%mul3A_192, %dma_wait3A_193] : memref<4096x128xf32, #tpu.memory_space<vmem_shared>> -> memref<64x128xf32, #tpu.memory_space<vmem_shared>>
    %dma_wait3A_195 = arith.constant 0 : i32
    %dma_wait3A_196 = tpu.memref_slice %arg8[%mul3A_192, %dma_wait3A_195] : memref<4096x128xf32, #tpu.memory_space<vmem_shared>> -> memref<64x128xf32, #tpu.memory_space<vmem_shared>>
    tpu.wait_dma2 semaphore(%arg26 : memref<!tpu.dma_semaphore, #tpu.memory_space<semaphore_mem>>) src(%arg20 : memref<64x128xf32, #tpu.memory_space<vmem>>) dst(%dma_wait3A_196 : memref<64x128xf32, #tpu.memory_space<vmem_shared>>)
    %mul3A_197 = arith.constant 4 : i32
    %mul3A_198 = arith.muli %arg1, %mul3A_197 : i32
    %add3A_199 = arith.constant 2 : i32
    %add3A_200 = arith.addi %mul3A_198, %add3A_199 : i32
    %mul3A_201 = arith.constant 64 : i32
    %mul3A_202 = arith.muli %add3A_200, %mul3A_201 : i32
    %dma_wait3A_203 = arith.constant 0 : i32
    %dma_wait3A_204 = tpu.memref_slice %arg8[%mul3A_202, %dma_wait3A_203] : memref<4096x128xf32, #tpu.memory_space<vmem_shared>> -> memref<64x128xf32, #tpu.memory_space<vmem_shared>>
    %dma_wait3A_205 = arith.constant 0 : i32
    %dma_wait3A_206 = tpu.memref_slice %arg8[%mul3A_202, %dma_wait3A_205] : memref<4096x128xf32, #tpu.memory_space<vmem_shared>> -> memref<64x128xf32, #tpu.memory_space<vmem_shared>>
    tpu.wait_dma2 semaphore(%arg26 : memref<!tpu.dma_semaphore, #tpu.memory_space<semaphore_mem>>) src(%arg20 : memref<64x128xf32, #tpu.memory_space<vmem>>) dst(%dma_wait3A_206 : memref<64x128xf32, #tpu.memory_space<vmem_shared>>)
    %mul3A_207 = arith.constant 4 : i32
    %mul3A_208 = arith.muli %arg1, %mul3A_207 : i32
    %add3A_209 = arith.constant 3 : i32
    %add3A_210 = arith.addi %mul3A_208, %add3A_209 : i32
    %mul3A_211 = arith.constant 64 : i32
    %mul3A_212 = arith.muli %add3A_210, %mul3A_211 : i32
    %dma_wait3A_213 = arith.constant 0 : i32
    %dma_wait3A_214 = tpu.memref_slice %arg8[%mul3A_212, %dma_wait3A_213] : memref<4096x128xf32, #tpu.memory_space<vmem_shared>> -> memref<64x128xf32, #tpu.memory_space<vmem_shared>>
    %dma_wait3A_215 = arith.constant 0 : i32
    %dma_wait3A_216 = tpu.memref_slice %arg8[%mul3A_212, %dma_wait3A_215] : memref<4096x128xf32, #tpu.memory_space<vmem_shared>> -> memref<64x128xf32, #tpu.memory_space<vmem_shared>>
    tpu.wait_dma2 semaphore(%arg26 : memref<!tpu.dma_semaphore, #tpu.memory_space<semaphore_mem>>) src(%arg20 : memref<64x128xf32, #tpu.memory_space<vmem>>) dst(%dma_wait3A_216 : memref<64x128xf32, #tpu.memory_space<vmem_shared>>)
    %mul3A_217 = arith.constant 4 : i32
    %mul3A_218 = arith.muli %arg1, %mul3A_217 : i32
    %add3A_219 = arith.constant 0 : i32
    %add3A_220 = arith.addi %mul3A_218, %add3A_219 : i32
    %mul3A_221 = arith.constant 64 : i32
    %mul3A_222 = arith.muli %add3A_220, %mul3A_221 : i32
    %dma_wait3A_223 = arith.constant 0 : i32
    %dma_wait3A_224 = tpu.memref_slice %arg9[%mul3A_222, %dma_wait3A_223] : memref<4096x128xf32, #tpu.memory_space<vmem_shared>> -> memref<64x128xf32, #tpu.memory_space<vmem_shared>>
    %dma_wait3A_225 = arith.constant 0 : i32
    %dma_wait3A_226 = tpu.memref_slice %arg9[%mul3A_222, %dma_wait3A_225] : memref<4096x128xf32, #tpu.memory_space<vmem_shared>> -> memref<64x128xf32, #tpu.memory_space<vmem_shared>>
    tpu.wait_dma2 semaphore(%arg26 : memref<!tpu.dma_semaphore, #tpu.memory_space<semaphore_mem>>) src(%arg20 : memref<64x128xf32, #tpu.memory_space<vmem>>) dst(%dma_wait3A_226 : memref<64x128xf32, #tpu.memory_space<vmem_shared>>)
    %mul3A_227 = arith.constant 4 : i32
    %mul3A_228 = arith.muli %arg1, %mul3A_227 : i32
    %add3A_229 = arith.constant 1 : i32
    %add3A_230 = arith.addi %mul3A_228, %add3A_229 : i32
    %mul3A_231 = arith.constant 64 : i32
    %mul3A_232 = arith.muli %add3A_230, %mul3A_231 : i32
    %dma_wait3A_233 = arith.constant 0 : i32
    %dma_wait3A_234 = tpu.memref_slice %arg9[%mul3A_232, %dma_wait3A_233] : memref<4096x128xf32, #tpu.memory_space<vmem_shared>> -> memref<64x128xf32, #tpu.memory_space<vmem_shared>>
    %dma_wait3A_235 = arith.constant 0 : i32
    %dma_wait3A_236 = tpu.memref_slice %arg9[%mul3A_232, %dma_wait3A_235] : memref<4096x128xf32, #tpu.memory_space<vmem_shared>> -> memref<64x128xf32, #tpu.memory_space<vmem_shared>>
    tpu.wait_dma2 semaphore(%arg26 : memref<!tpu.dma_semaphore, #tpu.memory_space<semaphore_mem>>) src(%arg20 : memref<64x128xf32, #tpu.memory_space<vmem>>) dst(%dma_wait3A_236 : memref<64x128xf32, #tpu.memory_space<vmem_shared>>)
    %mul3A_237 = arith.constant 4 : i32
    %mul3A_238 = arith.muli %arg1, %mul3A_237 : i32
    %add3A_239 = arith.constant 2 : i32
    %add3A_240 = arith.addi %mul3A_238, %add3A_239 : i32
    %mul3A_241 = arith.constant 64 : i32
    %mul3A_242 = arith.muli %add3A_240, %mul3A_241 : i32
    %dma_wait3A_243 = arith.constant 0 : i32
    %dma_wait3A_244 = tpu.memref_slice %arg9[%mul3A_242, %dma_wait3A_243] : memref<4096x128xf32, #tpu.memory_space<vmem_shared>> -> memref<64x128xf32, #tpu.memory_space<vmem_shared>>
    %dma_wait3A_245 = arith.constant 0 : i32
    %dma_wait3A_246 = tpu.memref_slice %arg9[%mul3A_242, %dma_wait3A_245] : memref<4096x128xf32, #tpu.memory_space<vmem_shared>> -> memref<64x128xf32, #tpu.memory_space<vmem_shared>>
    tpu.wait_dma2 semaphore(%arg26 : memref<!tpu.dma_semaphore, #tpu.memory_space<semaphore_mem>>) src(%arg20 : memref<64x128xf32, #tpu.memory_space<vmem>>) dst(%dma_wait3A_246 : memref<64x128xf32, #tpu.memory_space<vmem_shared>>)
    %mul3A_247 = arith.constant 4 : i32
    %mul3A_248 = arith.muli %arg1, %mul3A_247 : i32
    %add3A_249 = arith.constant 3 : i32
    %add3A_250 = arith.addi %mul3A_248, %add3A_249 : i32
    %mul3A_251 = arith.constant 64 : i32
    %mul3A_252 = arith.muli %add3A_250, %mul3A_251 : i32
    %dma_wait3A_253 = arith.constant 0 : i32
    %dma_wait3A_254 = tpu.memref_slice %arg9[%mul3A_252, %dma_wait3A_253] : memref<4096x128xf32, #tpu.memory_space<vmem_shared>> -> memref<64x128xf32, #tpu.memory_space<vmem_shared>>
    %dma_wait3A_255 = arith.constant 0 : i32
    %dma_wait3A_256 = tpu.memref_slice %arg9[%mul3A_252, %dma_wait3A_255] : memref<4096x128xf32, #tpu.memory_space<vmem_shared>> -> memref<64x128xf32, #tpu.memory_space<vmem_shared>>
    tpu.wait_dma2 semaphore(%arg26 : memref<!tpu.dma_semaphore, #tpu.memory_space<semaphore_mem>>) src(%arg20 : memref<64x128xf32, #tpu.memory_space<vmem>>) dst(%dma_wait3A_256 : memref<64x128xf32, #tpu.memory_space<vmem_shared>>)
    %mul3A_257 = arith.constant 8 : i32
    %mul3A_258 = arith.muli %arg1, %mul3A_257 : i32
    %dma_wait3A_259 = arith.constant 0 : i32
    %dma_wait3A_260 = arith.constant 0 : i32
    %dma_wait3A_261 = tpu.memref_slice %arg20[%dma_wait3A_259, %dma_wait3A_260] : memref<64x128xf32, #tpu.memory_space<vmem>> -> memref<8x128xf32, #tpu.memory_space<vmem>>
    %dma_wait3A_262 = arith.constant 0 : i32
    %dma_wait3A_263 = tpu.memref_slice %arg10[%mul3A_258, %dma_wait3A_262] : memref<128x128xf32, #tpu.memory_space<vmem_shared>> -> memref<8x128xf32, #tpu.memory_space<vmem_shared>>
    %dma_wait3A_264 = arith.constant 0 : i32
    %dma_wait3A_265 = tpu.memref_slice %arg10[%mul3A_258, %dma_wait3A_264] : memref<128x128xf32, #tpu.memory_space<vmem_shared>> -> memref<8x128xf32, #tpu.memory_space<vmem_shared>>
    %dma_wait3A_266 = arith.constant 0 : i32
    %dma_wait3A_267 = arith.constant 0 : i32
    %dma_wait3A_268 = tpu.memref_slice %arg20[%dma_wait3A_266, %dma_wait3A_267] : memref<64x128xf32, #tpu.memory_space<vmem>> -> memref<8x128xf32, #tpu.memory_space<vmem>>
    tpu.wait_dma2 semaphore(%arg26 : memref<!tpu.dma_semaphore, #tpu.memory_space<semaphore_mem>>) src(%dma_wait3A_268 : memref<8x128xf32, #tpu.memory_space<vmem>>) dst(%dma_wait3A_265 : memref<8x128xf32, #tpu.memory_space<vmem_shared>>)
    %barrier3A = arith.constant 0 : index
    tpu.barrier barrier_id(%barrier3A)
    %run_scoped3A = arith.constant 0 : i32
    "tpu.region"() ({
      %run_scoped3A_553 = tpu.sem_alloc : memref<!tpu.dma_semaphore, #tpu.memory_space<semaphore_mem>>
      %dma_start3A_554 = arith.constant 0 : i32
      %dma_start3A_555 = arith.constant 0 : i32
      %dma_start3A_556 = tpu.memref_slice %arg4[%add3A, %run_scoped3A, %dma_start3A_554, %dma_start3A_555] : memref<32x162x2x64xi32, #tpu.memory_space<hbm>> -> memref<1x1x2x64xi32, #tpu.memory_space<hbm>>
      %dma_start3A_557 = tpu.memref_squeeze %dma_start3A_556 : memref<1x1x2x64xi32, #tpu.memory_space<hbm>> -> memref<2x64xi32, #tpu.memory_space<hbm>>
      %dma_start3A_558 = arith.constant 0 : i32
      %dma_start3A_559 = arith.constant 0 : i32
      %dma_start3A_560 = tpu.memref_slice %arg4[%add3A, %run_scoped3A, %dma_start3A_558, %dma_start3A_559] : memref<32x162x2x64xi32, #tpu.memory_space<hbm>> -> memref<1x1x2x64xi32, #tpu.memory_space<hbm>>
      %dma_start3A_561 = tpu.memref_squeeze %dma_start3A_560 : memref<1x1x2x64xi32, #tpu.memory_space<hbm>> -> memref<2x64xi32, #tpu.memory_space<hbm>>
      tpu.enqueue_dma source(%dma_start3A_561 : memref<2x64xi32, #tpu.memory_space<hbm>>) target(%arg11 : memref<2x64xi32, #tpu.memory_space<vmem>>) target_semaphore(%run_scoped3A_553 : memref<!tpu.dma_semaphore, #tpu.memory_space<semaphore_mem>>)
      %dma_wait3A_562 = arith.constant 0 : i32
      %dma_wait3A_563 = arith.constant 0 : i32
      %dma_wait3A_564 = tpu.memref_slice %arg4[%add3A, %run_scoped3A, %dma_wait3A_562, %dma_wait3A_563] : memref<32x162x2x64xi32, #tpu.memory_space<hbm>> -> memref<1x1x2x64xi32, #tpu.memory_space<hbm>>
      %dma_wait3A_565 = tpu.memref_squeeze %dma_wait3A_564 : memref<1x1x2x64xi32, #tpu.memory_space<hbm>> -> memref<2x64xi32, #tpu.memory_space<hbm>>
      %dma_wait3A_566 = arith.constant 0 : i32
      %dma_wait3A_567 = arith.constant 0 : i32
      %dma_wait3A_568 = tpu.memref_slice %arg4[%add3A, %run_scoped3A, %dma_wait3A_566, %dma_wait3A_567] : memref<32x162x2x64xi32, #tpu.memory_space<hbm>> -> memref<1x1x2x64xi32, #tpu.memory_space<hbm>>
      %dma_wait3A_569 = tpu.memref_squeeze %dma_wait3A_568 : memref<1x1x2x64xi32, #tpu.memory_space<hbm>> -> memref<2x64xi32, #tpu.memory_space<hbm>>
      tpu.wait_dma2 semaphore(%run_scoped3A_553 : memref<!tpu.dma_semaphore, #tpu.memory_space<semaphore_mem>>) src(%dma_wait3A_569 : memref<2x64xi32, #tpu.memory_space<hbm>>) dst(%arg11 : memref<2x64xi32, #tpu.memory_space<vmem>>)
      tpu.yield
    }) : () -> ()
    %dma_start3A_269 = arith.constant 0 : i32
    %dma_start3A_270 = arith.constant 0 : i32
    %dma_start3A_271 = tpu.memref_slice %arg11[%dma_start3A_269, %dma_start3A_270] : memref<2x64xi32, #tpu.memory_space<vmem>> -> memref<1x64xi32, #tpu.memory_space<vmem>>
    %dma_start3A_272 = tpu.memref_squeeze %dma_start3A_271 : memref<1x64xi32, #tpu.memory_space<vmem>> -> memref<64xi32, #tpu.memory_space<vmem>>
    %dma_start3A_273 = arith.constant 0 : i32
    %dma_start3A_274 = arith.constant 0 : i32
    %dma_start3A_275 = tpu.memref_slice %arg2[%dma_start3A_273, %dma_start3A_274] : memref<10000x128xf32, #tpu.memory_space<hbm>> -> memref<10000x128xf32, #tpu.memory_space<hbm>>
    tpu.enqueue_indirect_dma source(%dma_start3A_275 : memref<10000x128xf32, #tpu.memory_space<hbm>>) target(%arg18 : memref<64x128xf32, #tpu.memory_space<vmem>>) offsets(%dma_start3A_272 : memref<64xi32, #tpu.memory_space<vmem>>) semaphore(%arg21 : memref<!tpu.dma_semaphore, #tpu.memory_space<semaphore_mem>>)
    %dma_start3A_276 = arith.constant 1 : i32
    %dma_start3A_277 = arith.constant 0 : i32
    %dma_start3A_278 = arith.constant 0 : i32
    %dma_start3A_279 = tpu.memref_slice %arg4[%add3A, %dma_start3A_276, %dma_start3A_277, %dma_start3A_278] : memref<32x162x2x64xi32, #tpu.memory_space<hbm>> -> memref<1x1x2x64xi32, #tpu.memory_space<hbm>>
    %dma_start3A_280 = tpu.memref_squeeze %dma_start3A_279 : memref<1x1x2x64xi32, #tpu.memory_space<hbm>> -> memref<2x64xi32, #tpu.memory_space<hbm>>
    %dma_start3A_281 = arith.constant 0 : i32
    %dma_start3A_282 = arith.constant 0 : i32
    %dma_start3A_283 = tpu.memref_slice %arg4[%add3A, %dma_start3A_276, %dma_start3A_281, %dma_start3A_282] : memref<32x162x2x64xi32, #tpu.memory_space<hbm>> -> memref<1x1x2x64xi32, #tpu.memory_space<hbm>>
    %dma_start3A_284 = tpu.memref_squeeze %dma_start3A_283 : memref<1x1x2x64xi32, #tpu.memory_space<hbm>> -> memref<2x64xi32, #tpu.memory_space<hbm>>
    tpu.enqueue_dma source(%dma_start3A_284 : memref<2x64xi32, #tpu.memory_space<hbm>>) target(%arg12 : memref<2x64xi32, #tpu.memory_space<vmem>>) target_semaphore(%arg24 : memref<!tpu.dma_semaphore, #tpu.memory_space<semaphore_mem>>)
    %scan3A_285 = arith.constant 0 : i32
    %scan3A_286 = arith.constant 0 : i32
    %scan3A_287 = arith.constant 80 : i32
    %scan3A_288 = arith.addi %scan3A_286, %scan3A_287 : i32
    %scan3A_289 = arith.constant 1 : i32
    %scan3A_290 = scf.for %scan3A_553 = %scan3A_286 to %scan3A_288 step %scan3A_289 iter_args(%scan3A_554 = %scan3A_285) -> (i32)  : i32 {
      %mul3A_555 = arith.constant 2 : i32
      %mul3A_556 = arith.muli %mul3A_555, %scan3A_553 : i32
      %get3A = arith.constant 1 : i32
      %get3A_557 = arith.index_cast %get3A : i32 to index
      %get3A_558 = arith.constant 0 : index
      %get3A_559 = tpu.vector_load %arg11[%get3A_557, %get3A_558] {strides = array<i32>} : memref<2x64xi32, #tpu.memory_space<vmem>>, vector<1x16xi32>,
      %get3A_560 = vector.shape_cast %get3A_559 : vector<1x16xi32> to vector<16xi32>
      %broadcast_in_dim3A = arith.constant 1 : i32
      %broadcast_in_dim3A_561 = vector.broadcast %broadcast_in_dim3A : i32 to vector<16xi32>
      %broadcast_in_dim3A_562 = arith.constant 0 : i32
      %broadcast_in_dim3A_563 = vector.broadcast %broadcast_in_dim3A_562 : i32 to vector<16xi32>
      %ge3A = arith.constant 4000 : i32
      %ge3A_564 = vector.broadcast %ge3A : i32 to vector<16xi32>
      %ge3A_565 = arith.cmpi sge, %get3A_560, %ge3A_564 : vector<16xi32>
      %select_n3A = arith.select %ge3A_565, %broadcast_in_dim3A_561, %broadcast_in_dim3A_563 : vector<16xi1>, vector<16xi32>
      %ge3A_566 = arith.constant 8000 : i32
      %ge3A_567 = vector.broadcast %ge3A_566 : i32 to vector<16xi32>
      %ge3A_568 = arith.cmpi sge, %get3A_560, %ge3A_567 : vector<16xi32>
      %select_n3A_569 = arith.select %ge3A_568, %broadcast_in_dim3A_561, %broadcast_in_dim3A_563 : vector<16xi1>, vector<16xi32>
      %add3A_570 = arith.addi %select_n3A, %select_n3A_569 : vector<16xi32>
      %and3A = arith.constant 63 : i32
      %and3A_571 = vector.broadcast %and3A : i32 to vector<16xi32>
      %and3A_572 = arith.andi %get3A_560, %and3A_571 : vector<16xi32>
      %add3A_573 = arith.constant 4000 : i32
      %add3A_574 = vector.broadcast %add3A_573 : i32 to vector<16xi32>
      %add3A_575 = arith.addi %add3A_574, %and3A_572 : vector<16xi32>
      %eq3A = arith.constant 0 : i32
      %eq3A_576 = vector.broadcast %eq3A : i32 to vector<16xi32>
      %eq3A_577 = arith.cmpi eq, %add3A_570, %eq3A_576 : vector<16xi32>
      %sub3A = arith.constant 0 : i32
      %sub3A_578 = vector.broadcast %sub3A : i32 to vector<16xi32>
      %sub3A_579 = arith.subi %get3A_560, %sub3A_578 : vector<16xi32>
      %select_n3A_580 = arith.select %eq3A_577, %sub3A_579, %add3A_575 : vector<16xi1>, vector<16xi32>
      %swap3A = arith.constant 0 : index
      %swap3A_581 = tpu.vector_load %arg13[%swap3A] {strides = array<i32>} : memref<64xi32, #tpu.memory_space<vmem>>, vector<16xi32>,
      %swap3A_582 = vector.shape_cast %swap3A_581 : vector<16xi32> to vector<16xi32>
      %swap3A_583 = vector.shape_cast %select_n3A_580 : vector<16xi32> to vector<16xi32>
      tpu.vector_store %arg13[%swap3A], %swap3A_583 {strides = array<i32>} : memref<64xi32, #tpu.memory_space<vmem>>, vector<16xi32>,
      %eq3A_584 = arith.constant 1 : i32
      %eq3A_585 = vector.broadcast %eq3A_584 : i32 to vector<16xi32>
      %eq3A_586 = arith.cmpi eq, %add3A_570, %eq3A_585 : vector<16xi32>
      %sub3A_587 = arith.constant 4000 : i32
      %sub3A_588 = vector.broadcast %sub3A_587 : i32 to vector<16xi32>
      %sub3A_589 = arith.subi %get3A_560, %sub3A_588 : vector<16xi32>
      %select_n3A_590 = arith.select %eq3A_586, %sub3A_589, %add3A_575 : vector<16xi1>, vector<16xi32>
      %swap3A_591 = arith.constant 0 : index
      %swap3A_592 = tpu.vector_load %arg14[%swap3A_591] {strides = array<i32>} : memref<64xi32, #tpu.memory_space<vmem>>, vector<16xi32>,
      %swap3A_593 = vector.shape_cast %swap3A_592 : vector<16xi32> to vector<16xi32>
      %swap3A_594 = vector.shape_cast %select_n3A_590 : vector<16xi32> to vector<16xi32>
      tpu.vector_store %arg14[%swap3A_591], %swap3A_594 {strides = array<i32>} : memref<64xi32, #tpu.memory_space<vmem>>, vector<16xi32>,
      %eq3A_595 = arith.constant 2 : i32
      %eq3A_596 = vector.broadcast %eq3A_595 : i32 to vector<16xi32>
      %eq3A_597 = arith.cmpi eq, %add3A_570, %eq3A_596 : vector<16xi32>
      %sub3A_598 = arith.constant 8000 : i32
      %sub3A_599 = vector.broadcast %sub3A_598 : i32 to vector<16xi32>
      %sub3A_600 = arith.subi %get3A_560, %sub3A_599 : vector<16xi32>
      %select_n3A_601 = arith.select %eq3A_597, %sub3A_600, %add3A_575 : vector<16xi1>, vector<16xi32>
      %swap3A_602 = arith.constant 0 : index
      %swap3A_603 = tpu.vector_load %arg15[%swap3A_602] {strides = array<i32>} : memref<64xi32, #tpu.memory_space<vmem>>, vector<16xi32>,
      %swap3A_604 = vector.shape_cast %swap3A_603 : vector<16xi32> to vector<16xi32>
      %swap3A_605 = vector.shape_cast %select_n3A_601 : vector<16xi32> to vector<16xi32>
      tpu.vector_store %arg15[%swap3A_602], %swap3A_605 {strides = array<i32>} : memref<64xi32, #tpu.memory_space<vmem>>, vector<16xi32>,
      %iota3A = tpu.iota {dimensions = array<i32: 0>} : vector<16xi32>
      %add3A_606 = arith.constant 0 : i32
      %add3A_607 = vector.broadcast %add3A_606 : i32 to vector<16xi32>
      %add3A_608 = arith.addi %iota3A, %add3A_607 : vector<16xi32>
      %and3A_609 = arith.constant 127 : i32
      %and3A_610 = vector.broadcast %and3A_609 : i32 to vector<16xi32>
      %and3A_611 = arith.andi %get3A_560, %and3A_610 : vector<16xi32>
      %mul3A_612 = arith.constant 128 : i32
      %mul3A_613 = vector.broadcast %mul3A_612 : i32 to vector<16xi32>
      %mul3A_614 = arith.muli %add3A_608, %mul3A_613 : vector<16xi32>
      %add3A_615 = arith.addi %and3A_611, %mul3A_614 : vector<16xi32>
      %swap3A_616 = arith.constant 0 : index
      %swap3A_617 = tpu.vector_load %arg16[%swap3A_616] {strides = array<i32>} : memref<64xi32, #tpu.memory_space<vmem>>, vector<16xi32>,
      %swap3A_618 = vector.shape_cast %swap3A_617 : vector<16xi32> to vector<16xi32>
      %swap3A_619 = vector.shape_cast %add3A_615 : vector<16xi32> to vector<16xi32>
      tpu.vector_store %arg16[%swap3A_616], %swap3A_619 {strides = array<i32>} : memref<64xi32, #tpu.memory_space<vmem>>, vector<16xi32>,
      %shift_right_arithmetic3A = arith.constant 7 : i32
      %shift_right_arithmetic3A_620 = vector.broadcast %shift_right_arithmetic3A : i32 to vector<16xi32>
      %shift_right_arithmetic3A_621 = arith.shrsi %get3A_560, %shift_right_arithmetic3A_620 : vector<16xi32>
      %swap3A_622 = arith.constant 0 : index
      %swap3A_623 = tpu.vector_load %arg17[%swap3A_622] {strides = array<i32>} : memref<64xi32, #tpu.memory_space<vmem>>, vector<16xi32>,
      %swap3A_624 = vector.shape_cast %swap3A_623 : vector<16xi32> to vector<16xi32>
      %swap3A_625 = vector.shape_cast %shift_right_arithmetic3A_621 : vector<16xi32> to vector<16xi32>
      tpu.vector_store %arg17[%swap3A_622], %swap3A_625 {strides = array<i32>} : memref<64xi32, #tpu.memory_space<vmem>>, vector<16xi32>,
      %get3A_626 = arith.constant 1 : i32
      %get3A_627 = arith.index_cast %get3A_626 : i32 to index
      %get3A_628 = arith.constant 16 : index
      %get3A_629 = tpu.vector_load %arg11[%get3A_627, %get3A_628] {strides = array<i32>} : memref<2x64xi32, #tpu.memory_space<vmem>>, vector<1x16xi32>,
      %get3A_630 = vector.shape_cast %get3A_629 : vector<1x16xi32> to vector<16xi32>
      %broadcast_in_dim3A_631 = arith.constant 1 : i32
      %broadcast_in_dim3A_632 = vector.broadcast %broadcast_in_dim3A_631 : i32 to vector<16xi32>
      %broadcast_in_dim3A_633 = arith.constant 0 : i32
      %broadcast_in_dim3A_634 = vector.broadcast %broadcast_in_dim3A_633 : i32 to vector<16xi32>
      %ge3A_635 = arith.constant 4000 : i32
      %ge3A_636 = vector.broadcast %ge3A_635 : i32 to vector<16xi32>
      %ge3A_637 = arith.cmpi sge, %get3A_630, %ge3A_636 : vector<16xi32>
      %select_n3A_638 = arith.select %ge3A_637, %broadcast_in_dim3A_632, %broadcast_in_dim3A_634 : vector<16xi1>, vector<16xi32>
      %ge3A_639 = arith.constant 8000 : i32
      %ge3A_640 = vector.broadcast %ge3A_639 : i32 to vector<16xi32>
      %ge3A_641 = arith.cmpi sge, %get3A_630, %ge3A_640 : vector<16xi32>
      %select_n3A_642 = arith.select %ge3A_641, %broadcast_in_dim3A_632, %broadcast_in_dim3A_634 : vector<16xi1>, vector<16xi32>
      %add3A_643 = arith.addi %select_n3A_638, %select_n3A_642 : vector<16xi32>
      %and3A_644 = arith.constant 63 : i32
      %and3A_645 = vector.broadcast %and3A_644 : i32 to vector<16xi32>
      %and3A_646 = arith.andi %get3A_630, %and3A_645 : vector<16xi32>
      %add3A_647 = arith.constant 4000 : i32
      %add3A_648 = vector.broadcast %add3A_647 : i32 to vector<16xi32>
      %add3A_649 = arith.addi %add3A_648, %and3A_646 : vector<16xi32>
      %eq3A_650 = arith.constant 0 : i32
      %eq3A_651 = vector.broadcast %eq3A_650 : i32 to vector<16xi32>
      %eq3A_652 = arith.cmpi eq, %add3A_643, %eq3A_651 : vector<16xi32>
      %sub3A_653 = arith.constant 0 : i32
      %sub3A_654 = vector.broadcast %sub3A_653 : i32 to vector<16xi32>
      %sub3A_655 = arith.subi %get3A_630, %sub3A_654 : vector<16xi32>
      %select_n3A_656 = arith.select %eq3A_652, %sub3A_655, %add3A_649 : vector<16xi1>, vector<16xi32>
      %swap3A_657 = arith.constant 16 : index
      %swap3A_658 = tpu.vector_load %arg13[%swap3A_657] {strides = array<i32>} : memref<64xi32, #tpu.memory_space<vmem>>, vector<16xi32>,
      %swap3A_659 = vector.shape_cast %swap3A_658 : vector<16xi32> to vector<16xi32>
      %swap3A_660 = vector.shape_cast %select_n3A_656 : vector<16xi32> to vector<16xi32>
      tpu.vector_store %arg13[%swap3A_657], %swap3A_660 {strides = array<i32>} : memref<64xi32, #tpu.memory_space<vmem>>, vector<16xi32>,
      %eq3A_661 = arith.constant 1 : i32
      %eq3A_662 = vector.broadcast %eq3A_661 : i32 to vector<16xi32>
      %eq3A_663 = arith.cmpi eq, %add3A_643, %eq3A_662 : vector<16xi32>
      %sub3A_664 = arith.constant 4000 : i32
      %sub3A_665 = vector.broadcast %sub3A_664 : i32 to vector<16xi32>
      %sub3A_666 = arith.subi %get3A_630, %sub3A_665 : vector<16xi32>
      %select_n3A_667 = arith.select %eq3A_663, %sub3A_666, %add3A_649 : vector<16xi1>, vector<16xi32>
      %swap3A_668 = arith.constant 16 : index
      %swap3A_669 = tpu.vector_load %arg14[%swap3A_668] {strides = array<i32>} : memref<64xi32, #tpu.memory_space<vmem>>, vector<16xi32>,
      %swap3A_670 = vector.shape_cast %swap3A_669 : vector<16xi32> to vector<16xi32>
      %swap3A_671 = vector.shape_cast %select_n3A_667 : vector<16xi32> to vector<16xi32>
      tpu.vector_store %arg14[%swap3A_668], %swap3A_671 {strides = array<i32>} : memref<64xi32, #tpu.memory_space<vmem>>, vector<16xi32>,
      %eq3A_672 = arith.constant 2 : i32
      %eq3A_673 = vector.broadcast %eq3A_672 : i32 to vector<16xi32>
      %eq3A_674 = arith.cmpi eq, %add3A_643, %eq3A_673 : vector<16xi32>
      %sub3A_675 = arith.constant 8000 : i32
      %sub3A_676 = vector.broadcast %sub3A_675 : i32 to vector<16xi32>
      %sub3A_677 = arith.subi %get3A_630, %sub3A_676 : vector<16xi32>
      %select_n3A_678 = arith.select %eq3A_674, %sub3A_677, %add3A_649 : vector<16xi1>, vector<16xi32>
      %swap3A_679 = arith.constant 16 : index
      %swap3A_680 = tpu.vector_load %arg15[%swap3A_679] {strides = array<i32>} : memref<64xi32, #tpu.memory_space<vmem>>, vector<16xi32>,
      %swap3A_681 = vector.shape_cast %swap3A_680 : vector<16xi32> to vector<16xi32>
      %swap3A_682 = vector.shape_cast %select_n3A_678 : vector<16xi32> to vector<16xi32>
      tpu.vector_store %arg15[%swap3A_679], %swap3A_682 {strides = array<i32>} : memref<64xi32, #tpu.memory_space<vmem>>, vector<16xi32>,
      %iota3A_683 = tpu.iota {dimensions = array<i32: 0>} : vector<16xi32>
      %add3A_684 = arith.constant 16 : i32
      %add3A_685 = vector.broadcast %add3A_684 : i32 to vector<16xi32>
      %add3A_686 = arith.addi %iota3A_683, %add3A_685 : vector<16xi32>
      %and3A_687 = arith.constant 127 : i32
      %and3A_688 = vector.broadcast %and3A_687 : i32 to vector<16xi32>
      %and3A_689 = arith.andi %get3A_630, %and3A_688 : vector<16xi32>
      %mul3A_690 = arith.constant 128 : i32
      %mul3A_691 = vector.broadcast %mul3A_690 : i32 to vector<16xi32>
      %mul3A_692 = arith.muli %add3A_686, %mul3A_691 : vector<16xi32>
      %add3A_693 = arith.addi %and3A_689, %mul3A_692 : vector<16xi32>
      %swap3A_694 = arith.constant 16 : index
      %swap3A_695 = tpu.vector_load %arg16[%swap3A_694] {strides = array<i32>} : memref<64xi32, #tpu.memory_space<vmem>>, vector<16xi32>,
      %swap3A_696 = vector.shape_cast %swap3A_695 : vector<16xi32> to vector<16xi32>
      %swap3A_697 = vector.shape_cast %add3A_693 : vector<16xi32> to vector<16xi32>
      tpu.vector_store %arg16[%swap3A_694], %swap3A_697 {strides = array<i32>} : memref<64xi32, #tpu.memory_space<vmem>>, vector<16xi32>,
      %shift_right_arithmetic3A_698 = arith.constant 7 : i32
      %shift_right_arithmetic3A_699 = vector.broadcast %shift_right_arithmetic3A_698 : i32 to vector<16xi32>
      %shift_right_arithmetic3A_700 = arith.shrsi %get3A_630, %shift_right_arithmetic3A_699 : vector<16xi32>
      %swap3A_701 = arith.constant 16 : index
      %swap3A_702 = tpu.vector_load %arg17[%swap3A_701] {strides = array<i32>} : memref<64xi32, #tpu.memory_space<vmem>>, vector<16xi32>,
      %swap3A_703 = vector.shape_cast %swap3A_702 : vector<16xi32> to vector<16xi32>
      %swap3A_704 = vector.shape_cast %shift_right_arithmetic3A_700 : vector<16xi32> to vector<16xi32>
      tpu.vector_store %arg17[%swap3A_701], %swap3A_704 {strides = array<i32>} : memref<64xi32, #tpu.memory_space<vmem>>, vector<16xi32>,
      %get3A_705 = arith.constant 1 : i32
      %get3A_706 = arith.index_cast %get3A_705 : i32 to index
      %get3A_707 = arith.constant 32 : index
      %get3A_708 = tpu.vector_load %arg11[%get3A_706, %get3A_707] {strides = array<i32>} : memref<2x64xi32, #tpu.memory_space<vmem>>, vector<1x16xi32>,
      %get3A_709 = vector.shape_cast %get3A_708 : vector<1x16xi32> to vector<16xi32>
      %broadcast_in_dim3A_710 = arith.constant 1 : i32
      %broadcast_in_dim3A_711 = vector.broadcast %broadcast_in_dim3A_710 : i32 to vector<16xi32>
      %broadcast_in_dim3A_712 = arith.constant 0 : i32
      %broadcast_in_dim3A_713 = vector.broadcast %broadcast_in_dim3A_712 : i32 to vector<16xi32>
      %ge3A_714 = arith.constant 4000 : i32
      %ge3A_715 = vector.broadcast %ge3A_714 : i32 to vector<16xi32>
      %ge3A_716 = arith.cmpi sge, %get3A_709, %ge3A_715 : vector<16xi32>
      %select_n3A_717 = arith.select %ge3A_716, %broadcast_in_dim3A_711, %broadcast_in_dim3A_713 : vector<16xi1>, vector<16xi32>
      %ge3A_718 = arith.constant 8000 : i32
      %ge3A_719 = vector.broadcast %ge3A_718 : i32 to vector<16xi32>
      %ge3A_720 = arith.cmpi sge, %get3A_709, %ge3A_719 : vector<16xi32>
      %select_n3A_721 = arith.select %ge3A_720, %broadcast_in_dim3A_711, %broadcast_in_dim3A_713 : vector<16xi1>, vector<16xi32>
      %add3A_722 = arith.addi %select_n3A_717, %select_n3A_721 : vector<16xi32>
      %and3A_723 = arith.constant 63 : i32
      %and3A_724 = vector.broadcast %and3A_723 : i32 to vector<16xi32>
      %and3A_725 = arith.andi %get3A_709, %and3A_724 : vector<16xi32>
      %add3A_726 = arith.constant 4000 : i32
      %add3A_727 = vector.broadcast %add3A_726 : i32 to vector<16xi32>
      %add3A_728 = arith.addi %add3A_727, %and3A_725 : vector<16xi32>
      %eq3A_729 = arith.constant 0 : i32
      %eq3A_730 = vector.broadcast %eq3A_729 : i32 to vector<16xi32>
      %eq3A_731 = arith.cmpi eq, %add3A_722, %eq3A_730 : vector<16xi32>
      %sub3A_732 = arith.constant 0 : i32
      %sub3A_733 = vector.broadcast %sub3A_732 : i32 to vector<16xi32>
      %sub3A_734 = arith.subi %get3A_709, %sub3A_733 : vector<16xi32>
      %select_n3A_735 = arith.select %eq3A_731, %sub3A_734, %add3A_728 : vector<16xi1>, vector<16xi32>
      %swap3A_736 = arith.constant 32 : index
      %swap3A_737 = tpu.vector_load %arg13[%swap3A_736] {strides = array<i32>} : memref<64xi32, #tpu.memory_space<vmem>>, vector<16xi32>,
      %swap3A_738 = vector.shape_cast %swap3A_737 : vector<16xi32> to vector<16xi32>
      %swap3A_739 = vector.shape_cast %select_n3A_735 : vector<16xi32> to vector<16xi32>
      tpu.vector_store %arg13[%swap3A_736], %swap3A_739 {strides = array<i32>} : memref<64xi32, #tpu.memory_space<vmem>>, vector<16xi32>,
      %eq3A_740 = arith.constant 1 : i32
      %eq3A_741 = vector.broadcast %eq3A_740 : i32 to vector<16xi32>
      %eq3A_742 = arith.cmpi eq, %add3A_722, %eq3A_741 : vector<16xi32>
      %sub3A_743 = arith.constant 4000 : i32
      %sub3A_744 = vector.broadcast %sub3A_743 : i32 to vector<16xi32>
      %sub3A_745 = arith.subi %get3A_709, %sub3A_744 : vector<16xi32>
      %select_n3A_746 = arith.select %eq3A_742, %sub3A_745, %add3A_728 : vector<16xi1>, vector<16xi32>
      %swap3A_747 = arith.constant 32 : index
      %swap3A_748 = tpu.vector_load %arg14[%swap3A_747] {strides = array<i32>} : memref<64xi32, #tpu.memory_space<vmem>>, vector<16xi32>,
      %swap3A_749 = vector.shape_cast %swap3A_748 : vector<16xi32> to vector<16xi32>
      %swap3A_750 = vector.shape_cast %select_n3A_746 : vector<16xi32> to vector<16xi32>
      tpu.vector_store %arg14[%swap3A_747], %swap3A_750 {strides = array<i32>} : memref<64xi32, #tpu.memory_space<vmem>>, vector<16xi32>,
      %eq3A_751 = arith.constant 2 : i32
      %eq3A_752 = vector.broadcast %eq3A_751 : i32 to vector<16xi32>
      %eq3A_753 = arith.cmpi eq, %add3A_722, %eq3A_752 : vector<16xi32>
      %sub3A_754 = arith.constant 8000 : i32
      %sub3A_755 = vector.broadcast %sub3A_754 : i32 to vector<16xi32>
      %sub3A_756 = arith.subi %get3A_709, %sub3A_755 : vector<16xi32>
      %select_n3A_757 = arith.select %eq3A_753, %sub3A_756, %add3A_728 : vector<16xi1>, vector<16xi32>
      %swap3A_758 = arith.constant 32 : index
      %swap3A_759 = tpu.vector_load %arg15[%swap3A_758] {strides = array<i32>} : memref<64xi32, #tpu.memory_space<vmem>>, vector<16xi32>,
      %swap3A_760 = vector.shape_cast %swap3A_759 : vector<16xi32> to vector<16xi32>
      %swap3A_761 = vector.shape_cast %select_n3A_757 : vector<16xi32> to vector<16xi32>
      tpu.vector_store %arg15[%swap3A_758], %swap3A_761 {strides = array<i32>} : memref<64xi32, #tpu.memory_space<vmem>>, vector<16xi32>,
      %iota3A_762 = tpu.iota {dimensions = array<i32: 0>} : vector<16xi32>
      %add3A_763 = arith.constant 32 : i32
      %add3A_764 = vector.broadcast %add3A_763 : i32 to vector<16xi32>
      %add3A_765 = arith.addi %iota3A_762, %add3A_764 : vector<16xi32>
      %and3A_766 = arith.constant 127 : i32
      %and3A_767 = vector.broadcast %and3A_766 : i32 to vector<16xi32>
      %and3A_768 = arith.andi %get3A_709, %and3A_767 : vector<16xi32>
      %mul3A_769 = arith.constant 128 : i32
      %mul3A_770 = vector.broadcast %mul3A_769 : i32 to vector<16xi32>
      %mul3A_771 = arith.muli %add3A_765, %mul3A_770 : vector<16xi32>
      %add3A_772 = arith.addi %and3A_768, %mul3A_771 : vector<16xi32>
      %swap3A_773 = arith.constant 32 : index
      %swap3A_774 = tpu.vector_load %arg16[%swap3A_773] {strides = array<i32>} : memref<64xi32, #tpu.memory_space<vmem>>, vector<16xi32>,
      %swap3A_775 = vector.shape_cast %swap3A_774 : vector<16xi32> to vector<16xi32>
      %swap3A_776 = vector.shape_cast %add3A_772 : vector<16xi32> to vector<16xi32>
      tpu.vector_store %arg16[%swap3A_773], %swap3A_776 {strides = array<i32>} : memref<64xi32, #tpu.memory_space<vmem>>, vector<16xi32>,
      %shift_right_arithmetic3A_777 = arith.constant 7 : i32
      %shift_right_arithmetic3A_778 = vector.broadcast %shift_right_arithmetic3A_777 : i32 to vector<16xi32>
      %shift_right_arithmetic3A_779 = arith.shrsi %get3A_709, %shift_right_arithmetic3A_778 : vector<16xi32>
      %swap3A_780 = arith.constant 32 : index
      %swap3A_781 = tpu.vector_load %arg17[%swap3A_780] {strides = array<i32>} : memref<64xi32, #tpu.memory_space<vmem>>, vector<16xi32>,
      %swap3A_782 = vector.shape_cast %swap3A_781 : vector<16xi32> to vector<16xi32>
      %swap3A_783 = vector.shape_cast %shift_right_arithmetic3A_779 : vector<16xi32> to vector<16xi32>
      tpu.vector_store %arg17[%swap3A_780], %swap3A_783 {strides = array<i32>} : memref<64xi32, #tpu.memory_space<vmem>>, vector<16xi32>,
      %get3A_784 = arith.constant 1 : i32
      %get3A_785 = arith.index_cast %get3A_784 : i32 to index
      %get3A_786 = arith.constant 48 : index
      %get3A_787 = tpu.vector_load %arg11[%get3A_785, %get3A_786] {strides = array<i32>} : memref<2x64xi32, #tpu.memory_space<vmem>>, vector<1x16xi32>,
      %get3A_788 = vector.shape_cast %get3A_787 : vector<1x16xi32> to vector<16xi32>
      %broadcast_in_dim3A_789 = arith.constant 1 : i32
      %broadcast_in_dim3A_790 = vector.broadcast %broadcast_in_dim3A_789 : i32 to vector<16xi32>
      %broadcast_in_dim3A_791 = arith.constant 0 : i32
      %broadcast_in_dim3A_792 = vector.broadcast %broadcast_in_dim3A_791 : i32 to vector<16xi32>
      %ge3A_793 = arith.constant 4000 : i32
      %ge3A_794 = vector.broadcast %ge3A_793 : i32 to vector<16xi32>
      %ge3A_795 = arith.cmpi sge, %get3A_788, %ge3A_794 : vector<16xi32>
      %select_n3A_796 = arith.select %ge3A_795, %broadcast_in_dim3A_790, %broadcast_in_dim3A_792 : vector<16xi1>, vector<16xi32>
      %ge3A_797 = arith.constant 8000 : i32
      %ge3A_798 = vector.broadcast %ge3A_797 : i32 to vector<16xi32>
      %ge3A_799 = arith.cmpi sge, %get3A_788, %ge3A_798 : vector<16xi32>
      %select_n3A_800 = arith.select %ge3A_799, %broadcast_in_dim3A_790, %broadcast_in_dim3A_792 : vector<16xi1>, vector<16xi32>
      %add3A_801 = arith.addi %select_n3A_796, %select_n3A_800 : vector<16xi32>
      %and3A_802 = arith.constant 63 : i32
      %and3A_803 = vector.broadcast %and3A_802 : i32 to vector<16xi32>
      %and3A_804 = arith.andi %get3A_788, %and3A_803 : vector<16xi32>
      %add3A_805 = arith.constant 4000 : i32
      %add3A_806 = vector.broadcast %add3A_805 : i32 to vector<16xi32>
      %add3A_807 = arith.addi %add3A_806, %and3A_804 : vector<16xi32>
      %eq3A_808 = arith.constant 0 : i32
      %eq3A_809 = vector.broadcast %eq3A_808 : i32 to vector<16xi32>
      %eq3A_810 = arith.cmpi eq, %add3A_801, %eq3A_809 : vector<16xi32>
      %sub3A_811 = arith.constant 0 : i32
      %sub3A_812 = vector.broadcast %sub3A_811 : i32 to vector<16xi32>
      %sub3A_813 = arith.subi %get3A_788, %sub3A_812 : vector<16xi32>
      %select_n3A_814 = arith.select %eq3A_810, %sub3A_813, %add3A_807 : vector<16xi1>, vector<16xi32>
      %swap3A_815 = arith.constant 48 : index
      %swap3A_816 = tpu.vector_load %arg13[%swap3A_815] {strides = array<i32>} : memref<64xi32, #tpu.memory_space<vmem>>, vector<16xi32>,
      %swap3A_817 = vector.shape_cast %swap3A_816 : vector<16xi32> to vector<16xi32>
      %swap3A_818 = vector.shape_cast %select_n3A_814 : vector<16xi32> to vector<16xi32>
      tpu.vector_store %arg13[%swap3A_815], %swap3A_818 {strides = array<i32>} : memref<64xi32, #tpu.memory_space<vmem>>, vector<16xi32>,
      %eq3A_819 = arith.constant 1 : i32
      %eq3A_820 = vector.broadcast %eq3A_819 : i32 to vector<16xi32>
      %eq3A_821 = arith.cmpi eq, %add3A_801, %eq3A_820 : vector<16xi32>
      %sub3A_822 = arith.constant 4000 : i32
      %sub3A_823 = vector.broadcast %sub3A_822 : i32 to vector<16xi32>
      %sub3A_824 = arith.subi %get3A_788, %sub3A_823 : vector<16xi32>
      %select_n3A_825 = arith.select %eq3A_821, %sub3A_824, %add3A_807 : vector<16xi1>, vector<16xi32>
      %swap3A_826 = arith.constant 48 : index
      %swap3A_827 = tpu.vector_load %arg14[%swap3A_826] {strides = array<i32>} : memref<64xi32, #tpu.memory_space<vmem>>, vector<16xi32>,
      %swap3A_828 = vector.shape_cast %swap3A_827 : vector<16xi32> to vector<16xi32>
      %swap3A_829 = vector.shape_cast %select_n3A_825 : vector<16xi32> to vector<16xi32>
      tpu.vector_store %arg14[%swap3A_826], %swap3A_829 {strides = array<i32>} : memref<64xi32, #tpu.memory_space<vmem>>, vector<16xi32>,
      %eq3A_830 = arith.constant 2 : i32
      %eq3A_831 = vector.broadcast %eq3A_830 : i32 to vector<16xi32>
      %eq3A_832 = arith.cmpi eq, %add3A_801, %eq3A_831 : vector<16xi32>
      %sub3A_833 = arith.constant 8000 : i32
      %sub3A_834 = vector.broadcast %sub3A_833 : i32 to vector<16xi32>
      %sub3A_835 = arith.subi %get3A_788, %sub3A_834 : vector<16xi32>
      %select_n3A_836 = arith.select %eq3A_832, %sub3A_835, %add3A_807 : vector<16xi1>, vector<16xi32>
      %swap3A_837 = arith.constant 48 : index
      %swap3A_838 = tpu.vector_load %arg15[%swap3A_837] {strides = array<i32>} : memref<64xi32, #tpu.memory_space<vmem>>, vector<16xi32>,
      %swap3A_839 = vector.shape_cast %swap3A_838 : vector<16xi32> to vector<16xi32>
      %swap3A_840 = vector.shape_cast %select_n3A_836 : vector<16xi32> to vector<16xi32>
      tpu.vector_store %arg15[%swap3A_837], %swap3A_840 {strides = array<i32>} : memref<64xi32, #tpu.memory_space<vmem>>, vector<16xi32>,
      %iota3A_841 = tpu.iota {dimensions = array<i32: 0>} : vector<16xi32>
      %add3A_842 = arith.constant 48 : i32
      %add3A_843 = vector.broadcast %add3A_842 : i32 to vector<16xi32>
      %add3A_844 = arith.addi %iota3A_841, %add3A_843 : vector<16xi32>
      %and3A_845 = arith.constant 127 : i32
      %and3A_846 = vector.broadcast %and3A_845 : i32 to vector<16xi32>
      %and3A_847 = arith.andi %get3A_788, %and3A_846 : vector<16xi32>
      %mul3A_848 = arith.constant 128 : i32
      %mul3A_849 = vector.broadcast %mul3A_848 : i32 to vector<16xi32>
      %mul3A_850 = arith.muli %add3A_844, %mul3A_849 : vector<16xi32>
      %add3A_851 = arith.addi %and3A_847, %mul3A_850 : vector<16xi32>
      %swap3A_852 = arith.constant 48 : index
      %swap3A_853 = tpu.vector_load %arg16[%swap3A_852] {strides = array<i32>} : memref<64xi32, #tpu.memory_space<vmem>>, vector<16xi32>,
      %swap3A_854 = vector.shape_cast %swap3A_853 : vector<16xi32> to vector<16xi32>
      %swap3A_855 = vector.shape_cast %add3A_851 : vector<16xi32> to vector<16xi32>
      tpu.vector_store %arg16[%swap3A_852], %swap3A_855 {strides = array<i32>} : memref<64xi32, #tpu.memory_space<vmem>>, vector<16xi32>,
      %shift_right_arithmetic3A_856 = arith.constant 7 : i32
      %shift_right_arithmetic3A_857 = vector.broadcast %shift_right_arithmetic3A_856 : i32 to vector<16xi32>
      %shift_right_arithmetic3A_858 = arith.shrsi %get3A_788, %shift_right_arithmetic3A_857 : vector<16xi32>
      %swap3A_859 = arith.constant 48 : index
      %swap3A_860 = tpu.vector_load %arg17[%swap3A_859] {strides = array<i32>} : memref<64xi32, #tpu.memory_space<vmem>>, vector<16xi32>,
      %swap3A_861 = vector.shape_cast %swap3A_860 : vector<16xi32> to vector<16xi32>
      %swap3A_862 = vector.shape_cast %shift_right_arithmetic3A_858 : vector<16xi32> to vector<16xi32>
      tpu.vector_store %arg17[%swap3A_859], %swap3A_862 {strides = array<i32>} : memref<64xi32, #tpu.memory_space<vmem>>, vector<16xi32>,
      %dma_start3A_863 = arith.constant 0 : i32
      %dma_start3A_864 = arith.constant 0 : i32
      %dma_start3A_865 = tpu.memref_slice %arg3[%dma_start3A_863, %dma_start3A_864] : memref<8192x128xf32, #tpu.memory_space<hbm>> -> memref<8192x128xf32, #tpu.memory_space<hbm>>
      tpu.enqueue_indirect_dma source(%dma_start3A_865 : memref<8192x128xf32, #tpu.memory_space<hbm>>) target(%arg20 : memref<64x128xf32, #tpu.memory_space<vmem>>) offsets(%arg16 : memref<64xi32, #tpu.memory_space<vmem>>) semaphore(%arg25 : memref<!tpu.dma_semaphore, #tpu.memory_space<semaphore_mem>>)
      %dma_wait3A_866 = arith.constant 0 : i32
      %dma_wait3A_867 = arith.constant 0 : i32
      %dma_wait3A_868 = tpu.memref_slice %arg11[%dma_wait3A_866, %dma_wait3A_867] : memref<2x64xi32, #tpu.memory_space<vmem>> -> memref<1x64xi32, #tpu.memory_space<vmem>>
      %dma_wait3A_869 = tpu.memref_squeeze %dma_wait3A_868 : memref<1x64xi32, #tpu.memory_space<vmem>> -> memref<64xi32, #tpu.memory_space<vmem>>
      %dma_wait3A_870 = arith.constant 0 : i32
      %dma_wait3A_871 = arith.constant 0 : i32
      %dma_wait3A_872 = tpu.memref_slice %arg2[%dma_wait3A_870, %dma_wait3A_871] : memref<10000x128xf32, #tpu.memory_space<hbm>> -> memref<10000x128xf32, #tpu.memory_space<hbm>>
      tpu.wait_indirect_dma semaphore(%arg21 : memref<!tpu.dma_semaphore, #tpu.memory_space<semaphore_mem>>) src(%dma_wait3A_872 : memref<10000x128xf32, #tpu.memory_space<hbm>>) dst(%arg18 : memref<64x128xf32, #tpu.memory_space<vmem>>)
      %dma_start3A_873 = arith.constant 0 : i32
      %dma_start3A_874 = arith.constant 0 : i32
      %dma_start3A_875 = tpu.memref_slice %arg7[%dma_start3A_873, %dma_start3A_874] : memref<4096x128xf32, #tpu.memory_space<vmem_shared>> -> memref<4096x128xf32, #tpu.memory_space<vmem_shared>>
      tpu.enqueue_indirect_dma source(%arg18 : memref<64x128xf32, #tpu.memory_space<vmem>>) target(%dma_start3A_875 : memref<4096x128xf32, #tpu.memory_space<vmem_shared>>) offsets(%arg13 : memref<64xi32, #tpu.memory_space<vmem>>) semaphore(%arg26 : memref<!tpu.dma_semaphore, #tpu.memory_space<semaphore_mem>>) {add = true}
      %dma_start3A_876 = arith.constant 0 : i32
      %dma_start3A_877 = arith.constant 0 : i32
      %dma_start3A_878 = tpu.memref_slice %arg8[%dma_start3A_876, %dma_start3A_877] : memref<4096x128xf32, #tpu.memory_space<vmem_shared>> -> memref<4096x128xf32, #tpu.memory_space<vmem_shared>>
      tpu.enqueue_indirect_dma source(%arg18 : memref<64x128xf32, #tpu.memory_space<vmem>>) target(%dma_start3A_878 : memref<4096x128xf32, #tpu.memory_space<vmem_shared>>) offsets(%arg14 : memref<64xi32, #tpu.memory_space<vmem>>) semaphore(%arg26 : memref<!tpu.dma_semaphore, #tpu.memory_space<semaphore_mem>>) {add = true}
      %dma_start3A_879 = arith.constant 0 : i32
      %dma_start3A_880 = arith.constant 0 : i32
      %dma_start3A_881 = tpu.memref_slice %arg9[%dma_start3A_879, %dma_start3A_880] : memref<4096x128xf32, #tpu.memory_space<vmem_shared>> -> memref<4096x128xf32, #tpu.memory_space<vmem_shared>>
      tpu.enqueue_indirect_dma source(%arg18 : memref<64x128xf32, #tpu.memory_space<vmem>>) target(%dma_start3A_881 : memref<4096x128xf32, #tpu.memory_space<vmem_shared>>) offsets(%arg15 : memref<64xi32, #tpu.memory_space<vmem>>) semaphore(%arg26 : memref<!tpu.dma_semaphore, #tpu.memory_space<semaphore_mem>>) {add = true}
      %add3A_882 = arith.constant 1 : i32
      %add3A_883 = arith.addi %mul3A_556, %add3A_882 : i32
      %dma_wait3A_884 = arith.constant 0 : i32
      %dma_wait3A_885 = arith.constant 0 : i32
      %dma_wait3A_886 = tpu.memref_slice %arg4[%add3A, %add3A_883, %dma_wait3A_884, %dma_wait3A_885] : memref<32x162x2x64xi32, #tpu.memory_space<hbm>> -> memref<1x1x2x64xi32, #tpu.memory_space<hbm>>
      %dma_wait3A_887 = tpu.memref_squeeze %dma_wait3A_886 : memref<1x1x2x64xi32, #tpu.memory_space<hbm>> -> memref<2x64xi32, #tpu.memory_space<hbm>>
      %dma_wait3A_888 = arith.constant 0 : i32
      %dma_wait3A_889 = arith.constant 0 : i32
      %dma_wait3A_890 = tpu.memref_slice %arg4[%add3A, %add3A_883, %dma_wait3A_888, %dma_wait3A_889] : memref<32x162x2x64xi32, #tpu.memory_space<hbm>> -> memref<1x1x2x64xi32, #tpu.memory_space<hbm>>
      %dma_wait3A_891 = tpu.memref_squeeze %dma_wait3A_890 : memref<1x1x2x64xi32, #tpu.memory_space<hbm>> -> memref<2x64xi32, #tpu.memory_space<hbm>>
      tpu.wait_dma2 semaphore(%arg24 : memref<!tpu.dma_semaphore, #tpu.memory_space<semaphore_mem>>) src(%dma_wait3A_891 : memref<2x64xi32, #tpu.memory_space<hbm>>) dst(%arg12 : memref<2x64xi32, #tpu.memory_space<vmem>>)
      %dma_start3A_892 = arith.constant 0 : i32
      %dma_start3A_893 = arith.constant 0 : i32
      %dma_start3A_894 = tpu.memref_slice %arg12[%dma_start3A_892, %dma_start3A_893] : memref<2x64xi32, #tpu.memory_space<vmem>> -> memref<1x64xi32, #tpu.memory_space<vmem>>
      %dma_start3A_895 = tpu.memref_squeeze %dma_start3A_894 : memref<1x64xi32, #tpu.memory_space<vmem>> -> memref<64xi32, #tpu.memory_space<vmem>>
      %dma_start3A_896 = arith.constant 0 : i32
      %dma_start3A_897 = arith.constant 0 : i32
      %dma_start3A_898 = tpu.memref_slice %arg2[%dma_start3A_896, %dma_start3A_897] : memref<10000x128xf32, #tpu.memory_space<hbm>> -> memref<10000x128xf32, #tpu.memory_space<hbm>>
      tpu.enqueue_indirect_dma source(%dma_start3A_898 : memref<10000x128xf32, #tpu.memory_space<hbm>>) target(%arg19 : memref<64x128xf32, #tpu.memory_space<vmem>>) offsets(%dma_start3A_895 : memref<64xi32, #tpu.memory_space<vmem>>) semaphore(%arg22 : memref<!tpu.dma_semaphore, #tpu.memory_space<semaphore_mem>>)
      %add3A_899 = arith.constant 2 : i32
      %add3A_900 = arith.addi %mul3A_556, %add3A_899 : i32
      %dma_start3A_901 = arith.constant 0 : i32
      %dma_start3A_902 = arith.constant 0 : i32
      %dma_start3A_903 = tpu.memref_slice %arg4[%add3A, %add3A_900, %dma_start3A_901, %dma_start3A_902] : memref<32x162x2x64xi32, #tpu.memory_space<hbm>> -> memref<1x1x2x64xi32, #tpu.memory_space<hbm>>
      %dma_start3A_904 = tpu.memref_squeeze %dma_start3A_903 : memref<1x1x2x64xi32, #tpu.memory_space<hbm>> -> memref<2x64xi32, #tpu.memory_space<hbm>>
      %dma_start3A_905 = arith.constant 0 : i32
      %dma_start3A_906 = arith.constant 0 : i32
      %dma_start3A_907 = tpu.memref_slice %arg4[%add3A, %add3A_900, %dma_start3A_905, %dma_start3A_906] : memref<32x162x2x64xi32, #tpu.memory_space<hbm>> -> memref<1x1x2x64xi32, #tpu.memory_space<hbm>>
      %dma_start3A_908 = tpu.memref_squeeze %dma_start3A_907 : memref<1x1x2x64xi32, #tpu.memory_space<hbm>> -> memref<2x64xi32, #tpu.memory_space<hbm>>
      tpu.enqueue_dma source(%dma_start3A_908 : memref<2x64xi32, #tpu.memory_space<hbm>>) target(%arg11 : memref<2x64xi32, #tpu.memory_space<vmem>>) target_semaphore(%arg23 : memref<!tpu.dma_semaphore, #tpu.memory_space<semaphore_mem>>)
      %dma_wait3A_909 = arith.constant 0 : i32
      %dma_wait3A_910 = arith.constant 0 : i32
      %dma_wait3A_911 = tpu.memref_slice %arg3[%dma_wait3A_909, %dma_wait3A_910] : memref<8192x128xf32, #tpu.memory_space<hbm>> -> memref<8192x128xf32, #tpu.memory_space<hbm>>
      tpu.wait_indirect_dma semaphore(%arg25 : memref<!tpu.dma_semaphore, #tpu.memory_space<semaphore_mem>>) src(%dma_wait3A_911 : memref<8192x128xf32, #tpu.memory_space<hbm>>) dst(%arg20 : memref<64x128xf32, #tpu.memory_space<vmem>>)
      %dma_start3A_912 = arith.constant 0 : i32
      %dma_start3A_913 = arith.constant 0 : i32
      %dma_start3A_914 = tpu.memref_slice %arg10[%dma_start3A_912, %dma_start3A_913] : memref<128x128xf32, #tpu.memory_space<vmem_shared>> -> memref<128x128xf32, #tpu.memory_space<vmem_shared>>
      tpu.enqueue_indirect_dma source(%arg20 : memref<64x128xf32, #tpu.memory_space<vmem>>) target(%dma_start3A_914 : memref<128x128xf32, #tpu.memory_space<vmem_shared>>) offsets(%arg17 : memref<64xi32, #tpu.memory_space<vmem>>) semaphore(%arg26 : memref<!tpu.dma_semaphore, #tpu.memory_space<semaphore_mem>>) {add = true}
      %dma_wait3A_915 = arith.constant 0 : i32
      %dma_wait3A_916 = arith.constant 0 : i32
      %dma_wait3A_917 = tpu.memref_slice %arg7[%dma_wait3A_915, %dma_wait3A_916] : memref<4096x128xf32, #tpu.memory_space<vmem_shared>> -> memref<4096x128xf32, #tpu.memory_space<vmem_shared>>
      tpu.wait_indirect_dma semaphore(%arg26 : memref<!tpu.dma_semaphore, #tpu.memory_space<semaphore_mem>>) src(%arg18 : memref<64x128xf32, #tpu.memory_space<vmem>>) dst(%dma_wait3A_917 : memref<4096x128xf32, #tpu.memory_space<vmem_shared>>)
      %dma_wait3A_918 = arith.constant 0 : i32
      %dma_wait3A_919 = arith.constant 0 : i32
      %dma_wait3A_920 = tpu.memref_slice %arg8[%dma_wait3A_918, %dma_wait3A_919] : memref<4096x128xf32, #tpu.memory_space<vmem_shared>> -> memref<4096x128xf32, #tpu.memory_space<vmem_shared>>
      tpu.wait_indirect_dma semaphore(%arg26 : memref<!tpu.dma_semaphore, #tpu.memory_space<semaphore_mem>>) src(%arg18 : memref<64x128xf32, #tpu.memory_space<vmem>>) dst(%dma_wait3A_920 : memref<4096x128xf32, #tpu.memory_space<vmem_shared>>)
      %dma_wait3A_921 = arith.constant 0 : i32
      %dma_wait3A_922 = arith.constant 0 : i32
      %dma_wait3A_923 = tpu.memref_slice %arg9[%dma_wait3A_921, %dma_wait3A_922] : memref<4096x128xf32, #tpu.memory_space<vmem_shared>> -> memref<4096x128xf32, #tpu.memory_space<vmem_shared>>
      tpu.wait_indirect_dma semaphore(%arg26 : memref<!tpu.dma_semaphore, #tpu.memory_space<semaphore_mem>>) src(%arg18 : memref<64x128xf32, #tpu.memory_space<vmem>>) dst(%dma_wait3A_923 : memref<4096x128xf32, #tpu.memory_space<vmem_shared>>)
      %dma_wait3A_924 = arith.constant 0 : i32
      %dma_wait3A_925 = arith.constant 0 : i32
      %dma_wait3A_926 = tpu.memref_slice %arg10[%dma_wait3A_924, %dma_wait3A_925] : memref<128x128xf32, #tpu.memory_space<vmem_shared>> -> memref<128x128xf32, #tpu.memory_space<vmem_shared>>
      tpu.wait_indirect_dma semaphore(%arg26 : memref<!tpu.dma_semaphore, #tpu.memory_space<semaphore_mem>>) src(%arg20 : memref<64x128xf32, #tpu.memory_space<vmem>>) dst(%dma_wait3A_926 : memref<128x128xf32, #tpu.memory_space<vmem_shared>>)
      %add3A_927 = arith.constant 1 : i32
      %add3A_928 = arith.addi %mul3A_556, %add3A_927 : i32
      %get3A_929 = arith.constant 1 : i32
      %get3A_930 = arith.index_cast %get3A_929 : i32 to index
      %get3A_931 = arith.constant 0 : index
      %get3A_932 = tpu.vector_load %arg12[%get3A_930, %get3A_931] {strides = array<i32>} : memref<2x64xi32, #tpu.memory_space<vmem>>, vector<1x16xi32>,
      %get3A_933 = vector.shape_cast %get3A_932 : vector<1x16xi32> to vector<16xi32>
      %broadcast_in_dim3A_934 = arith.constant 1 : i32
      %broadcast_in_dim3A_935 = vector.broadcast %broadcast_in_dim3A_934 : i32 to vector<16xi32>
      %broadcast_in_dim3A_936 = arith.constant 0 : i32
      %broadcast_in_dim3A_937 = vector.broadcast %broadcast_in_dim3A_936 : i32 to vector<16xi32>
      %ge3A_938 = arith.constant 4000 : i32
      %ge3A_939 = vector.broadcast %ge3A_938 : i32 to vector<16xi32>
      %ge3A_940 = arith.cmpi sge, %get3A_933, %ge3A_939 : vector<16xi32>
      %select_n3A_941 = arith.select %ge3A_940, %broadcast_in_dim3A_935, %broadcast_in_dim3A_937 : vector<16xi1>, vector<16xi32>
      %ge3A_942 = arith.constant 8000 : i32
      %ge3A_943 = vector.broadcast %ge3A_942 : i32 to vector<16xi32>
      %ge3A_944 = arith.cmpi sge, %get3A_933, %ge3A_943 : vector<16xi32>
      %select_n3A_945 = arith.select %ge3A_944, %broadcast_in_dim3A_935, %broadcast_in_dim3A_937 : vector<16xi1>, vector<16xi32>
      %add3A_946 = arith.addi %select_n3A_941, %select_n3A_945 : vector<16xi32>
      %and3A_947 = arith.constant 63 : i32
      %and3A_948 = vector.broadcast %and3A_947 : i32 to vector<16xi32>
      %and3A_949 = arith.andi %get3A_933, %and3A_948 : vector<16xi32>
      %add3A_950 = arith.constant 4000 : i32
      %add3A_951 = vector.broadcast %add3A_950 : i32 to vector<16xi32>
      %add3A_952 = arith.addi %add3A_951, %and3A_949 : vector<16xi32>
      %eq3A_953 = arith.constant 0 : i32
      %eq3A_954 = vector.broadcast %eq3A_953 : i32 to vector<16xi32>
      %eq3A_955 = arith.cmpi eq, %add3A_946, %eq3A_954 : vector<16xi32>
      %sub3A_956 = arith.constant 0 : i32
      %sub3A_957 = vector.broadcast %sub3A_956 : i32 to vector<16xi32>
      %sub3A_958 = arith.subi %get3A_933, %sub3A_957 : vector<16xi32>
      %select_n3A_959 = arith.select %eq3A_955, %sub3A_958, %add3A_952 : vector<16xi1>, vector<16xi32>
      %swap3A_960 = arith.constant 0 : index
      %swap3A_961 = tpu.vector_load %arg13[%swap3A_960] {strides = array<i32>} : memref<64xi32, #tpu.memory_space<vmem>>, vector<16xi32>,
      %swap3A_962 = vector.shape_cast %swap3A_961 : vector<16xi32> to vector<16xi32>
      %swap3A_963 = vector.shape_cast %select_n3A_959 : vector<16xi32> to vector<16xi32>
      tpu.vector_store %arg13[%swap3A_960], %swap3A_963 {strides = array<i32>} : memref<64xi32, #tpu.memory_space<vmem>>, vector<16xi32>,
      %eq3A_964 = arith.constant 1 : i32
      %eq3A_965 = vector.broadcast %eq3A_964 : i32 to vector<16xi32>
      %eq3A_966 = arith.cmpi eq, %add3A_946, %eq3A_965 : vector<16xi32>
      %sub3A_967 = arith.constant 4000 : i32
      %sub3A_968 = vector.broadcast %sub3A_967 : i32 to vector<16xi32>
      %sub3A_969 = arith.subi %get3A_933, %sub3A_968 : vector<16xi32>
      %select_n3A_970 = arith.select %eq3A_966, %sub3A_969, %add3A_952 : vector<16xi1>, vector<16xi32>
      %swap3A_971 = arith.constant 0 : index
      %swap3A_972 = tpu.vector_load %arg14[%swap3A_971] {strides = array<i32>} : memref<64xi32, #tpu.memory_space<vmem>>, vector<16xi32>,
      %swap3A_973 = vector.shape_cast %swap3A_972 : vector<16xi32> to vector<16xi32>
      %swap3A_974 = vector.shape_cast %select_n3A_970 : vector<16xi32> to vector<16xi32>
      tpu.vector_store %arg14[%swap3A_971], %swap3A_974 {strides = array<i32>} : memref<64xi32, #tpu.memory_space<vmem>>, vector<16xi32>,
      %eq3A_975 = arith.constant 2 : i32
      %eq3A_976 = vector.broadcast %eq3A_975 : i32 to vector<16xi32>
      %eq3A_977 = arith.cmpi eq, %add3A_946, %eq3A_976 : vector<16xi32>
      %sub3A_978 = arith.constant 8000 : i32
      %sub3A_979 = vector.broadcast %sub3A_978 : i32 to vector<16xi32>
      %sub3A_980 = arith.subi %get3A_933, %sub3A_979 : vector<16xi32>
      %select_n3A_981 = arith.select %eq3A_977, %sub3A_980, %add3A_952 : vector<16xi1>, vector<16xi32>
      %swap3A_982 = arith.constant 0 : index
      %swap3A_983 = tpu.vector_load %arg15[%swap3A_982] {strides = array<i32>} : memref<64xi32, #tpu.memory_space<vmem>>, vector<16xi32>,
      %swap3A_984 = vector.shape_cast %swap3A_983 : vector<16xi32> to vector<16xi32>
      %swap3A_985 = vector.shape_cast %select_n3A_981 : vector<16xi32> to vector<16xi32>
      tpu.vector_store %arg15[%swap3A_982], %swap3A_985 {strides = array<i32>} : memref<64xi32, #tpu.memory_space<vmem>>, vector<16xi32>,
      %iota3A_986 = tpu.iota {dimensions = array<i32: 0>} : vector<16xi32>
      %add3A_987 = arith.constant 0 : i32
      %add3A_988 = vector.broadcast %add3A_987 : i32 to vector<16xi32>
      %add3A_989 = arith.addi %iota3A_986, %add3A_988 : vector<16xi32>
      %and3A_990 = arith.constant 127 : i32
      %and3A_991 = vector.broadcast %and3A_990 : i32 to vector<16xi32>
      %and3A_992 = arith.andi %get3A_933, %and3A_991 : vector<16xi32>
      %mul3A_993 = arith.constant 128 : i32
      %mul3A_994 = vector.broadcast %mul3A_993 : i32 to vector<16xi32>
      %mul3A_995 = arith.muli %add3A_989, %mul3A_994 : vector<16xi32>
      %add3A_996 = arith.addi %and3A_992, %mul3A_995 : vector<16xi32>
      %swap3A_997 = arith.constant 0 : index
      %swap3A_998 = tpu.vector_load %arg16[%swap3A_997] {strides = array<i32>} : memref<64xi32, #tpu.memory_space<vmem>>, vector<16xi32>,
      %swap3A_999 = vector.shape_cast %swap3A_998 : vector<16xi32> to vector<16xi32>
      %swap3A_1000 = vector.shape_cast %add3A_996 : vector<16xi32> to vector<16xi32>
      tpu.vector_store %arg16[%swap3A_997], %swap3A_1000 {strides = array<i32>} : memref<64xi32, #tpu.memory_space<vmem>>, vector<16xi32>,
      %shift_right_arithmetic3A_1001 = arith.constant 7 : i32
      %shift_right_arithmetic3A_1002 = vector.broadcast %shift_right_arithmetic3A_1001 : i32 to vector<16xi32>
      %shift_right_arithmetic3A_1003 = arith.shrsi %get3A_933, %shift_right_arithmetic3A_1002 : vector<16xi32>
      %swap3A_1004 = arith.constant 0 : index
      %swap3A_1005 = tpu.vector_load %arg17[%swap3A_1004] {strides = array<i32>} : memref<64xi32, #tpu.memory_space<vmem>>, vector<16xi32>,
      %swap3A_1006 = vector.shape_cast %swap3A_1005 : vector<16xi32> to vector<16xi32>
      %swap3A_1007 = vector.shape_cast %shift_right_arithmetic3A_1003 : vector<16xi32> to vector<16xi32>
      tpu.vector_store %arg17[%swap3A_1004], %swap3A_1007 {strides = array<i32>} : memref<64xi32, #tpu.memory_space<vmem>>, vector<16xi32>,
      %get3A_1008 = arith.constant 1 : i32
      %get3A_1009 = arith.index_cast %get3A_1008 : i32 to index
      %get3A_1010 = arith.constant 16 : index
      %get3A_1011 = tpu.vector_load %arg12[%get3A_1009, %get3A_1010] {strides = array<i32>} : memref<2x64xi32, #tpu.memory_space<vmem>>, vector<1x16xi32>,
      %get3A_1012 = vector.shape_cast %get3A_1011 : vector<1x16xi32> to vector<16xi32>
      %broadcast_in_dim3A_1013 = arith.constant 1 : i32
      %broadcast_in_dim3A_1014 = vector.broadcast %broadcast_in_dim3A_1013 : i32 to vector<16xi32>
      %broadcast_in_dim3A_1015 = arith.constant 0 : i32
      %broadcast_in_dim3A_1016 = vector.broadcast %broadcast_in_dim3A_1015 : i32 to vector<16xi32>
      %ge3A_1017 = arith.constant 4000 : i32
      %ge3A_1018 = vector.broadcast %ge3A_1017 : i32 to vector<16xi32>
      %ge3A_1019 = arith.cmpi sge, %get3A_1012, %ge3A_1018 : vector<16xi32>
      %select_n3A_1020 = arith.select %ge3A_1019, %broadcast_in_dim3A_1014, %broadcast_in_dim3A_1016 : vector<16xi1>, vector<16xi32>
      %ge3A_1021 = arith.constant 8000 : i32
      %ge3A_1022 = vector.broadcast %ge3A_1021 : i32 to vector<16xi32>
      %ge3A_1023 = arith.cmpi sge, %get3A_1012, %ge3A_1022 : vector<16xi32>
      %select_n3A_1024 = arith.select %ge3A_1023, %broadcast_in_dim3A_1014, %broadcast_in_dim3A_1016 : vector<16xi1>, vector<16xi32>
      %add3A_1025 = arith.addi %select_n3A_1020, %select_n3A_1024 : vector<16xi32>
      %and3A_1026 = arith.constant 63 : i32
      %and3A_1027 = vector.broadcast %and3A_1026 : i32 to vector<16xi32>
      %and3A_1028 = arith.andi %get3A_1012, %and3A_1027 : vector<16xi32>
      %add3A_1029 = arith.constant 4000 : i32
      %add3A_1030 = vector.broadcast %add3A_1029 : i32 to vector<16xi32>
      %add3A_1031 = arith.addi %add3A_1030, %and3A_1028 : vector<16xi32>
      %eq3A_1032 = arith.constant 0 : i32
      %eq3A_1033 = vector.broadcast %eq3A_1032 : i32 to vector<16xi32>
      %eq3A_1034 = arith.cmpi eq, %add3A_1025, %eq3A_1033 : vector<16xi32>
      %sub3A_1035 = arith.constant 0 : i32
      %sub3A_1036 = vector.broadcast %sub3A_1035 : i32 to vector<16xi32>
      %sub3A_1037 = arith.subi %get3A_1012, %sub3A_1036 : vector<16xi32>
      %select_n3A_1038 = arith.select %eq3A_1034, %sub3A_1037, %add3A_1031 : vector<16xi1>, vector<16xi32>
      %swap3A_1039 = arith.constant 16 : index
      %swap3A_1040 = tpu.vector_load %arg13[%swap3A_1039] {strides = array<i32>} : memref<64xi32, #tpu.memory_space<vmem>>, vector<16xi32>,
      %swap3A_1041 = vector.shape_cast %swap3A_1040 : vector<16xi32> to vector<16xi32>
      %swap3A_1042 = vector.shape_cast %select_n3A_1038 : vector<16xi32> to vector<16xi32>
      tpu.vector_store %arg13[%swap3A_1039], %swap3A_1042 {strides = array<i32>} : memref<64xi32, #tpu.memory_space<vmem>>, vector<16xi32>,
      %eq3A_1043 = arith.constant 1 : i32
      %eq3A_1044 = vector.broadcast %eq3A_1043 : i32 to vector<16xi32>
      %eq3A_1045 = arith.cmpi eq, %add3A_1025, %eq3A_1044 : vector<16xi32>
      %sub3A_1046 = arith.constant 4000 : i32
      %sub3A_1047 = vector.broadcast %sub3A_1046 : i32 to vector<16xi32>
      %sub3A_1048 = arith.subi %get3A_1012, %sub3A_1047 : vector<16xi32>
      %select_n3A_1049 = arith.select %eq3A_1045, %sub3A_1048, %add3A_1031 : vector<16xi1>, vector<16xi32>
      %swap3A_1050 = arith.constant 16 : index
      %swap3A_1051 = tpu.vector_load %arg14[%swap3A_1050] {strides = array<i32>} : memref<64xi32, #tpu.memory_space<vmem>>, vector<16xi32>,
      %swap3A_1052 = vector.shape_cast %swap3A_1051 : vector<16xi32> to vector<16xi32>
      %swap3A_1053 = vector.shape_cast %select_n3A_1049 : vector<16xi32> to vector<16xi32>
      tpu.vector_store %arg14[%swap3A_1050], %swap3A_1053 {strides = array<i32>} : memref<64xi32, #tpu.memory_space<vmem>>, vector<16xi32>,
      %eq3A_1054 = arith.constant 2 : i32
      %eq3A_1055 = vector.broadcast %eq3A_1054 : i32 to vector<16xi32>
      %eq3A_1056 = arith.cmpi eq, %add3A_1025, %eq3A_1055 : vector<16xi32>
      %sub3A_1057 = arith.constant 8000 : i32
      %sub3A_1058 = vector.broadcast %sub3A_1057 : i32 to vector<16xi32>
      %sub3A_1059 = arith.subi %get3A_1012, %sub3A_1058 : vector<16xi32>
      %select_n3A_1060 = arith.select %eq3A_1056, %sub3A_1059, %add3A_1031 : vector<16xi1>, vector<16xi32>
      %swap3A_1061 = arith.constant 16 : index
      %swap3A_1062 = tpu.vector_load %arg15[%swap3A_1061] {strides = array<i32>} : memref<64xi32, #tpu.memory_space<vmem>>, vector<16xi32>,
      %swap3A_1063 = vector.shape_cast %swap3A_1062 : vector<16xi32> to vector<16xi32>
      %swap3A_1064 = vector.shape_cast %select_n3A_1060 : vector<16xi32> to vector<16xi32>
      tpu.vector_store %arg15[%swap3A_1061], %swap3A_1064 {strides = array<i32>} : memref<64xi32, #tpu.memory_space<vmem>>, vector<16xi32>,
      %iota3A_1065 = tpu.iota {dimensions = array<i32: 0>} : vector<16xi32>
      %add3A_1066 = arith.constant 16 : i32
      %add3A_1067 = vector.broadcast %add3A_1066 : i32 to vector<16xi32>
      %add3A_1068 = arith.addi %iota3A_1065, %add3A_1067 : vector<16xi32>
      %and3A_1069 = arith.constant 127 : i32
      %and3A_1070 = vector.broadcast %and3A_1069 : i32 to vector<16xi32>
      %and3A_1071 = arith.andi %get3A_1012, %and3A_1070 : vector<16xi32>
      %mul3A_1072 = arith.constant 128 : i32
      %mul3A_1073 = vector.broadcast %mul3A_1072 : i32 to vector<16xi32>
      %mul3A_1074 = arith.muli %add3A_1068, %mul3A_1073 : vector<16xi32>
      %add3A_1075 = arith.addi %and3A_1071, %mul3A_1074 : vector<16xi32>
      %swap3A_1076 = arith.constant 16 : index
      %swap3A_1077 = tpu.vector_load %arg16[%swap3A_1076] {strides = array<i32>} : memref<64xi32, #tpu.memory_space<vmem>>, vector<16xi32>,
      %swap3A_1078 = vector.shape_cast %swap3A_1077 : vector<16xi32> to vector<16xi32>
      %swap3A_1079 = vector.shape_cast %add3A_1075 : vector<16xi32> to vector<16xi32>
      tpu.vector_store %arg16[%swap3A_1076], %swap3A_1079 {strides = array<i32>} : memref<64xi32, #tpu.memory_space<vmem>>, vector<16xi32>,
      %shift_right_arithmetic3A_1080 = arith.constant 7 : i32
      %shift_right_arithmetic3A_1081 = vector.broadcast %shift_right_arithmetic3A_1080 : i32 to vector<16xi32>
      %shift_right_arithmetic3A_1082 = arith.shrsi %get3A_1012, %shift_right_arithmetic3A_1081 : vector<16xi32>
      %swap3A_1083 = arith.constant 16 : index
      %swap3A_1084 = tpu.vector_load %arg17[%swap3A_1083] {strides = array<i32>} : memref<64xi32, #tpu.memory_space<vmem>>, vector<16xi32>,
      %swap3A_1085 = vector.shape_cast %swap3A_1084 : vector<16xi32> to vector<16xi32>
      %swap3A_1086 = vector.shape_cast %shift_right_arithmetic3A_1082 : vector<16xi32> to vector<16xi32>
      tpu.vector_store %arg17[%swap3A_1083], %swap3A_1086 {strides = array<i32>} : memref<64xi32, #tpu.memory_space<vmem>>, vector<16xi32>,
      %get3A_1087 = arith.constant 1 : i32
      %get3A_1088 = arith.index_cast %get3A_1087 : i32 to index
      %get3A_1089 = arith.constant 32 : index
      %get3A_1090 = tpu.vector_load %arg12[%get3A_1088, %get3A_1089] {strides = array<i32>} : memref<2x64xi32, #tpu.memory_space<vmem>>, vector<1x16xi32>,
      %get3A_1091 = vector.shape_cast %get3A_1090 : vector<1x16xi32> to vector<16xi32>
      %broadcast_in_dim3A_1092 = arith.constant 1 : i32
      %broadcast_in_dim3A_1093 = vector.broadcast %broadcast_in_dim3A_1092 : i32 to vector<16xi32>
      %broadcast_in_dim3A_1094 = arith.constant 0 : i32
      %broadcast_in_dim3A_1095 = vector.broadcast %broadcast_in_dim3A_1094 : i32 to vector<16xi32>
      %ge3A_1096 = arith.constant 4000 : i32
      %ge3A_1097 = vector.broadcast %ge3A_1096 : i32 to vector<16xi32>
      %ge3A_1098 = arith.cmpi sge, %get3A_1091, %ge3A_1097 : vector<16xi32>
      %select_n3A_1099 = arith.select %ge3A_1098, %broadcast_in_dim3A_1093, %broadcast_in_dim3A_1095 : vector<16xi1>, vector<16xi32>
      %ge3A_1100 = arith.constant 8000 : i32
      %ge3A_1101 = vector.broadcast %ge3A_1100 : i32 to vector<16xi32>
      %ge3A_1102 = arith.cmpi sge, %get3A_1091, %ge3A_1101 : vector<16xi32>
      %select_n3A_1103 = arith.select %ge3A_1102, %broadcast_in_dim3A_1093, %broadcast_in_dim3A_1095 : vector<16xi1>, vector<16xi32>
      %add3A_1104 = arith.addi %select_n3A_1099, %select_n3A_1103 : vector<16xi32>
      %and3A_1105 = arith.constant 63 : i32
      %and3A_1106 = vector.broadcast %and3A_1105 : i32 to vector<16xi32>
      %and3A_1107 = arith.andi %get3A_1091, %and3A_1106 : vector<16xi32>
      %add3A_1108 = arith.constant 4000 : i32
      %add3A_1109 = vector.broadcast %add3A_1108 : i32 to vector<16xi32>
      %add3A_1110 = arith.addi %add3A_1109, %and3A_1107 : vector<16xi32>
      %eq3A_1111 = arith.constant 0 : i32
      %eq3A_1112 = vector.broadcast %eq3A_1111 : i32 to vector<16xi32>
      %eq3A_1113 = arith.cmpi eq, %add3A_1104, %eq3A_1112 : vector<16xi32>
      %sub3A_1114 = arith.constant 0 : i32
      %sub3A_1115 = vector.broadcast %sub3A_1114 : i32 to vector<16xi32>
      %sub3A_1116 = arith.subi %get3A_1091, %sub3A_1115 : vector<16xi32>
      %select_n3A_1117 = arith.select %eq3A_1113, %sub3A_1116, %add3A_1110 : vector<16xi1>, vector<16xi32>
      %swap3A_1118 = arith.constant 32 : index
      %swap3A_1119 = tpu.vector_load %arg13[%swap3A_1118] {strides = array<i32>} : memref<64xi32, #tpu.memory_space<vmem>>, vector<16xi32>,
      %swap3A_1120 = vector.shape_cast %swap3A_1119 : vector<16xi32> to vector<16xi32>
      %swap3A_1121 = vector.shape_cast %select_n3A_1117 : vector<16xi32> to vector<16xi32>
      tpu.vector_store %arg13[%swap3A_1118], %swap3A_1121 {strides = array<i32>} : memref<64xi32, #tpu.memory_space<vmem>>, vector<16xi32>,
      %eq3A_1122 = arith.constant 1 : i32
      %eq3A_1123 = vector.broadcast %eq3A_1122 : i32 to vector<16xi32>
      %eq3A_1124 = arith.cmpi eq, %add3A_1104, %eq3A_1123 : vector<16xi32>
      %sub3A_1125 = arith.constant 4000 : i32
      %sub3A_1126 = vector.broadcast %sub3A_1125 : i32 to vector<16xi32>
      %sub3A_1127 = arith.subi %get3A_1091, %sub3A_1126 : vector<16xi32>
      %select_n3A_1128 = arith.select %eq3A_1124, %sub3A_1127, %add3A_1110 : vector<16xi1>, vector<16xi32>
      %swap3A_1129 = arith.constant 32 : index
      %swap3A_1130 = tpu.vector_load %arg14[%swap3A_1129] {strides = array<i32>} : memref<64xi32, #tpu.memory_space<vmem>>, vector<16xi32>,
      %swap3A_1131 = vector.shape_cast %swap3A_1130 : vector<16xi32> to vector<16xi32>
      %swap3A_1132 = vector.shape_cast %select_n3A_1128 : vector<16xi32> to vector<16xi32>
      tpu.vector_store %arg14[%swap3A_1129], %swap3A_1132 {strides = array<i32>} : memref<64xi32, #tpu.memory_space<vmem>>, vector<16xi32>,
      %eq3A_1133 = arith.constant 2 : i32
      %eq3A_1134 = vector.broadcast %eq3A_1133 : i32 to vector<16xi32>
      %eq3A_1135 = arith.cmpi eq, %add3A_1104, %eq3A_1134 : vector<16xi32>
      %sub3A_1136 = arith.constant 8000 : i32
      %sub3A_1137 = vector.broadcast %sub3A_1136 : i32 to vector<16xi32>
      %sub3A_1138 = arith.subi %get3A_1091, %sub3A_1137 : vector<16xi32>
      %select_n3A_1139 = arith.select %eq3A_1135, %sub3A_1138, %add3A_1110 : vector<16xi1>, vector<16xi32>
      %swap3A_1140 = arith.constant 32 : index
      %swap3A_1141 = tpu.vector_load %arg15[%swap3A_1140] {strides = array<i32>} : memref<64xi32, #tpu.memory_space<vmem>>, vector<16xi32>,
      %swap3A_1142 = vector.shape_cast %swap3A_1141 : vector<16xi32> to vector<16xi32>
      %swap3A_1143 = vector.shape_cast %select_n3A_1139 : vector<16xi32> to vector<16xi32>
      tpu.vector_store %arg15[%swap3A_1140], %swap3A_1143 {strides = array<i32>} : memref<64xi32, #tpu.memory_space<vmem>>, vector<16xi32>,
      %iota3A_1144 = tpu.iota {dimensions = array<i32: 0>} : vector<16xi32>
      %add3A_1145 = arith.constant 32 : i32
      %add3A_1146 = vector.broadcast %add3A_1145 : i32 to vector<16xi32>
      %add3A_1147 = arith.addi %iota3A_1144, %add3A_1146 : vector<16xi32>
      %and3A_1148 = arith.constant 127 : i32
      %and3A_1149 = vector.broadcast %and3A_1148 : i32 to vector<16xi32>
      %and3A_1150 = arith.andi %get3A_1091, %and3A_1149 : vector<16xi32>
      %mul3A_1151 = arith.constant 128 : i32
      %mul3A_1152 = vector.broadcast %mul3A_1151 : i32 to vector<16xi32>
      %mul3A_1153 = arith.muli %add3A_1147, %mul3A_1152 : vector<16xi32>
      %add3A_1154 = arith.addi %and3A_1150, %mul3A_1153 : vector<16xi32>
      %swap3A_1155 = arith.constant 32 : index
      %swap3A_1156 = tpu.vector_load %arg16[%swap3A_1155] {strides = array<i32>} : memref<64xi32, #tpu.memory_space<vmem>>, vector<16xi32>,
      %swap3A_1157 = vector.shape_cast %swap3A_1156 : vector<16xi32> to vector<16xi32>
      %swap3A_1158 = vector.shape_cast %add3A_1154 : vector<16xi32> to vector<16xi32>
      tpu.vector_store %arg16[%swap3A_1155], %swap3A_1158 {strides = array<i32>} : memref<64xi32, #tpu.memory_space<vmem>>, vector<16xi32>,
      %shift_right_arithmetic3A_1159 = arith.constant 7 : i32
      %shift_right_arithmetic3A_1160 = vector.broadcast %shift_right_arithmetic3A_1159 : i32 to vector<16xi32>
      %shift_right_arithmetic3A_1161 = arith.shrsi %get3A_1091, %shift_right_arithmetic3A_1160 : vector<16xi32>
      %swap3A_1162 = arith.constant 32 : index
      %swap3A_1163 = tpu.vector_load %arg17[%swap3A_1162] {strides = array<i32>} : memref<64xi32, #tpu.memory_space<vmem>>, vector<16xi32>,
      %swap3A_1164 = vector.shape_cast %swap3A_1163 : vector<16xi32> to vector<16xi32>
      %swap3A_1165 = vector.shape_cast %shift_right_arithmetic3A_1161 : vector<16xi32> to vector<16xi32>
      tpu.vector_store %arg17[%swap3A_1162], %swap3A_1165 {strides = array<i32>} : memref<64xi32, #tpu.memory_space<vmem>>, vector<16xi32>,
      %get3A_1166 = arith.constant 1 : i32
      %get3A_1167 = arith.index_cast %get3A_1166 : i32 to index
      %get3A_1168 = arith.constant 48 : index
      %get3A_1169 = tpu.vector_load %arg12[%get3A_1167, %get3A_1168] {strides = array<i32>} : memref<2x64xi32, #tpu.memory_space<vmem>>, vector<1x16xi32>,
      %get3A_1170 = vector.shape_cast %get3A_1169 : vector<1x16xi32> to vector<16xi32>
      %broadcast_in_dim3A_1171 = arith.constant 1 : i32
      %broadcast_in_dim3A_1172 = vector.broadcast %broadcast_in_dim3A_1171 : i32 to vector<16xi32>
      %broadcast_in_dim3A_1173 = arith.constant 0 : i32
      %broadcast_in_dim3A_1174 = vector.broadcast %broadcast_in_dim3A_1173 : i32 to vector<16xi32>
      %ge3A_1175 = arith.constant 4000 : i32
      %ge3A_1176 = vector.broadcast %ge3A_1175 : i32 to vector<16xi32>
      %ge3A_1177 = arith.cmpi sge, %get3A_1170, %ge3A_1176 : vector<16xi32>
      %select_n3A_1178 = arith.select %ge3A_1177, %broadcast_in_dim3A_1172, %broadcast_in_dim3A_1174 : vector<16xi1>, vector<16xi32>
      %ge3A_1179 = arith.constant 8000 : i32
      %ge3A_1180 = vector.broadcast %ge3A_1179 : i32 to vector<16xi32>
      %ge3A_1181 = arith.cmpi sge, %get3A_1170, %ge3A_1180 : vector<16xi32>
      %select_n3A_1182 = arith.select %ge3A_1181, %broadcast_in_dim3A_1172, %broadcast_in_dim3A_1174 : vector<16xi1>, vector<16xi32>
      %add3A_1183 = arith.addi %select_n3A_1178, %select_n3A_1182 : vector<16xi32>
      %and3A_1184 = arith.constant 63 : i32
      %and3A_1185 = vector.broadcast %and3A_1184 : i32 to vector<16xi32>
      %and3A_1186 = arith.andi %get3A_1170, %and3A_1185 : vector<16xi32>
      %add3A_1187 = arith.constant 4000 : i32
      %add3A_1188 = vector.broadcast %add3A_1187 : i32 to vector<16xi32>
      %add3A_1189 = arith.addi %add3A_1188, %and3A_1186 : vector<16xi32>
      %eq3A_1190 = arith.constant 0 : i32
      %eq3A_1191 = vector.broadcast %eq3A_1190 : i32 to vector<16xi32>
      %eq3A_1192 = arith.cmpi eq, %add3A_1183, %eq3A_1191 : vector<16xi32>
      %sub3A_1193 = arith.constant 0 : i32
      %sub3A_1194 = vector.broadcast %sub3A_1193 : i32 to vector<16xi32>
      %sub3A_1195 = arith.subi %get3A_1170, %sub3A_1194 : vector<16xi32>
      %select_n3A_1196 = arith.select %eq3A_1192, %sub3A_1195, %add3A_1189 : vector<16xi1>, vector<16xi32>
      %swap3A_1197 = arith.constant 48 : index
      %swap3A_1198 = tpu.vector_load %arg13[%swap3A_1197] {strides = array<i32>} : memref<64xi32, #tpu.memory_space<vmem>>, vector<16xi32>,
      %swap3A_1199 = vector.shape_cast %swap3A_1198 : vector<16xi32> to vector<16xi32>
      %swap3A_1200 = vector.shape_cast %select_n3A_1196 : vector<16xi32> to vector<16xi32>
      tpu.vector_store %arg13[%swap3A_1197], %swap3A_1200 {strides = array<i32>} : memref<64xi32, #tpu.memory_space<vmem>>, vector<16xi32>,
      %eq3A_1201 = arith.constant 1 : i32
      %eq3A_1202 = vector.broadcast %eq3A_1201 : i32 to vector<16xi32>
      %eq3A_1203 = arith.cmpi eq, %add3A_1183, %eq3A_1202 : vector<16xi32>
      %sub3A_1204 = arith.constant 4000 : i32
      %sub3A_1205 = vector.broadcast %sub3A_1204 : i32 to vector<16xi32>
      %sub3A_1206 = arith.subi %get3A_1170, %sub3A_1205 : vector<16xi32>
      %select_n3A_1207 = arith.select %eq3A_1203, %sub3A_1206, %add3A_1189 : vector<16xi1>, vector<16xi32>
      %swap3A_1208 = arith.constant 48 : index
      %swap3A_1209 = tpu.vector_load %arg14[%swap3A_1208] {strides = array<i32>} : memref<64xi32, #tpu.memory_space<vmem>>, vector<16xi32>,
      %swap3A_1210 = vector.shape_cast %swap3A_1209 : vector<16xi32> to vector<16xi32>
      %swap3A_1211 = vector.shape_cast %select_n3A_1207 : vector<16xi32> to vector<16xi32>
      tpu.vector_store %arg14[%swap3A_1208], %swap3A_1211 {strides = array<i32>} : memref<64xi32, #tpu.memory_space<vmem>>, vector<16xi32>,
      %eq3A_1212 = arith.constant 2 : i32
      %eq3A_1213 = vector.broadcast %eq3A_1212 : i32 to vector<16xi32>
      %eq3A_1214 = arith.cmpi eq, %add3A_1183, %eq3A_1213 : vector<16xi32>
      %sub3A_1215 = arith.constant 8000 : i32
      %sub3A_1216 = vector.broadcast %sub3A_1215 : i32 to vector<16xi32>
      %sub3A_1217 = arith.subi %get3A_1170, %sub3A_1216 : vector<16xi32>
      %select_n3A_1218 = arith.select %eq3A_1214, %sub3A_1217, %add3A_1189 : vector<16xi1>, vector<16xi32>
      %swap3A_1219 = arith.constant 48 : index
      %swap3A_1220 = tpu.vector_load %arg15[%swap3A_1219] {strides = array<i32>} : memref<64xi32, #tpu.memory_space<vmem>>, vector<16xi32>,
      %swap3A_1221 = vector.shape_cast %swap3A_1220 : vector<16xi32> to vector<16xi32>
      %swap3A_1222 = vector.shape_cast %select_n3A_1218 : vector<16xi32> to vector<16xi32>
      tpu.vector_store %arg15[%swap3A_1219], %swap3A_1222 {strides = array<i32>} : memref<64xi32, #tpu.memory_space<vmem>>, vector<16xi32>,
      %iota3A_1223 = tpu.iota {dimensions = array<i32: 0>} : vector<16xi32>
      %add3A_1224 = arith.constant 48 : i32
      %add3A_1225 = vector.broadcast %add3A_1224 : i32 to vector<16xi32>
      %add3A_1226 = arith.addi %iota3A_1223, %add3A_1225 : vector<16xi32>
      %and3A_1227 = arith.constant 127 : i32
      %and3A_1228 = vector.broadcast %and3A_1227 : i32 to vector<16xi32>
      %and3A_1229 = arith.andi %get3A_1170, %and3A_1228 : vector<16xi32>
      %mul3A_1230 = arith.constant 128 : i32
      %mul3A_1231 = vector.broadcast %mul3A_1230 : i32 to vector<16xi32>
      %mul3A_1232 = arith.muli %add3A_1226, %mul3A_1231 : vector<16xi32>
      %add3A_1233 = arith.addi %and3A_1229, %mul3A_1232 : vector<16xi32>
      %swap3A_1234 = arith.constant 48 : index
      %swap3A_1235 = tpu.vector_load %arg16[%swap3A_1234] {strides = array<i32>} : memref<64xi32, #tpu.memory_space<vmem>>, vector<16xi32>,
      %swap3A_1236 = vector.shape_cast %swap3A_1235 : vector<16xi32> to vector<16xi32>
      %swap3A_1237 = vector.shape_cast %add3A_1233 : vector<16xi32> to vector<16xi32>
      tpu.vector_store %arg16[%swap3A_1234], %swap3A_1237 {strides = array<i32>} : memref<64xi32, #tpu.memory_space<vmem>>, vector<16xi32>,
      %shift_right_arithmetic3A_1238 = arith.constant 7 : i32
      %shift_right_arithmetic3A_1239 = vector.broadcast %shift_right_arithmetic3A_1238 : i32 to vector<16xi32>
      %shift_right_arithmetic3A_1240 = arith.shrsi %get3A_1170, %shift_right_arithmetic3A_1239 : vector<16xi32>
      %swap3A_1241 = arith.constant 48 : index
      %swap3A_1242 = tpu.vector_load %arg17[%swap3A_1241] {strides = array<i32>} : memref<64xi32, #tpu.memory_space<vmem>>, vector<16xi32>,
      %swap3A_1243 = vector.shape_cast %swap3A_1242 : vector<16xi32> to vector<16xi32>
      %swap3A_1244 = vector.shape_cast %shift_right_arithmetic3A_1240 : vector<16xi32> to vector<16xi32>
      tpu.vector_store %arg17[%swap3A_1241], %swap3A_1244 {strides = array<i32>} : memref<64xi32, #tpu.memory_space<vmem>>, vector<16xi32>,
      %dma_start3A_1245 = arith.constant 0 : i32
      %dma_start3A_1246 = arith.constant 0 : i32
      %dma_start3A_1247 = tpu.memref_slice %arg3[%dma_start3A_1245, %dma_start3A_1246] : memref<8192x128xf32, #tpu.memory_space<hbm>> -> memref<8192x128xf32, #tpu.memory_space<hbm>>
      tpu.enqueue_indirect_dma source(%dma_start3A_1247 : memref<8192x128xf32, #tpu.memory_space<hbm>>) target(%arg20 : memref<64x128xf32, #tpu.memory_space<vmem>>) offsets(%arg16 : memref<64xi32, #tpu.memory_space<vmem>>) semaphore(%arg25 : memref<!tpu.dma_semaphore, #tpu.memory_space<semaphore_mem>>)
      %dma_wait3A_1248 = arith.constant 0 : i32
      %dma_wait3A_1249 = arith.constant 0 : i32
      %dma_wait3A_1250 = tpu.memref_slice %arg12[%dma_wait3A_1248, %dma_wait3A_1249] : memref<2x64xi32, #tpu.memory_space<vmem>> -> memref<1x64xi32, #tpu.memory_space<vmem>>
      %dma_wait3A_1251 = tpu.memref_squeeze %dma_wait3A_1250 : memref<1x64xi32, #tpu.memory_space<vmem>> -> memref<64xi32, #tpu.memory_space<vmem>>
      %dma_wait3A_1252 = arith.constant 0 : i32
      %dma_wait3A_1253 = arith.constant 0 : i32
      %dma_wait3A_1254 = tpu.memref_slice %arg2[%dma_wait3A_1252, %dma_wait3A_1253] : memref<10000x128xf32, #tpu.memory_space<hbm>> -> memref<10000x128xf32, #tpu.memory_space<hbm>>
      tpu.wait_indirect_dma semaphore(%arg22 : memref<!tpu.dma_semaphore, #tpu.memory_space<semaphore_mem>>) src(%dma_wait3A_1254 : memref<10000x128xf32, #tpu.memory_space<hbm>>) dst(%arg19 : memref<64x128xf32, #tpu.memory_space<vmem>>)
      %dma_start3A_1255 = arith.constant 0 : i32
      %dma_start3A_1256 = arith.constant 0 : i32
      %dma_start3A_1257 = tpu.memref_slice %arg7[%dma_start3A_1255, %dma_start3A_1256] : memref<4096x128xf32, #tpu.memory_space<vmem_shared>> -> memref<4096x128xf32, #tpu.memory_space<vmem_shared>>
      tpu.enqueue_indirect_dma source(%arg19 : memref<64x128xf32, #tpu.memory_space<vmem>>) target(%dma_start3A_1257 : memref<4096x128xf32, #tpu.memory_space<vmem_shared>>) offsets(%arg13 : memref<64xi32, #tpu.memory_space<vmem>>) semaphore(%arg26 : memref<!tpu.dma_semaphore, #tpu.memory_space<semaphore_mem>>) {add = true}
      %dma_start3A_1258 = arith.constant 0 : i32
      %dma_start3A_1259 = arith.constant 0 : i32
      %dma_start3A_1260 = tpu.memref_slice %arg8[%dma_start3A_1258, %dma_start3A_1259] : memref<4096x128xf32, #tpu.memory_space<vmem_shared>> -> memref<4096x128xf32, #tpu.memory_space<vmem_shared>>
      tpu.enqueue_indirect_dma source(%arg19 : memref<64x128xf32, #tpu.memory_space<vmem>>) target(%dma_start3A_1260 : memref<4096x128xf32, #tpu.memory_space<vmem_shared>>) offsets(%arg14 : memref<64xi32, #tpu.memory_space<vmem>>) semaphore(%arg26 : memref<!tpu.dma_semaphore, #tpu.memory_space<semaphore_mem>>) {add = true}
      %dma_start3A_1261 = arith.constant 0 : i32
      %dma_start3A_1262 = arith.constant 0 : i32
      %dma_start3A_1263 = tpu.memref_slice %arg9[%dma_start3A_1261, %dma_start3A_1262] : memref<4096x128xf32, #tpu.memory_space<vmem_shared>> -> memref<4096x128xf32, #tpu.memory_space<vmem_shared>>
      tpu.enqueue_indirect_dma source(%arg19 : memref<64x128xf32, #tpu.memory_space<vmem>>) target(%dma_start3A_1263 : memref<4096x128xf32, #tpu.memory_space<vmem_shared>>) offsets(%arg15 : memref<64xi32, #tpu.memory_space<vmem>>) semaphore(%arg26 : memref<!tpu.dma_semaphore, #tpu.memory_space<semaphore_mem>>) {add = true}
      %add3A_1264 = arith.constant 1 : i32
      %add3A_1265 = arith.addi %add3A_928, %add3A_1264 : i32
      %dma_wait3A_1266 = arith.constant 0 : i32
      %dma_wait3A_1267 = arith.constant 0 : i32
      %dma_wait3A_1268 = tpu.memref_slice %arg4[%add3A, %add3A_1265, %dma_wait3A_1266, %dma_wait3A_1267] : memref<32x162x2x64xi32, #tpu.memory_space<hbm>> -> memref<1x1x2x64xi32, #tpu.memory_space<hbm>>
      %dma_wait3A_1269 = tpu.memref_squeeze %dma_wait3A_1268 : memref<1x1x2x64xi32, #tpu.memory_space<hbm>> -> memref<2x64xi32, #tpu.memory_space<hbm>>
      %dma_wait3A_1270 = arith.constant 0 : i32
      %dma_wait3A_1271 = arith.constant 0 : i32
      %dma_wait3A_1272 = tpu.memref_slice %arg4[%add3A, %add3A_1265, %dma_wait3A_1270, %dma_wait3A_1271] : memref<32x162x2x64xi32, #tpu.memory_space<hbm>> -> memref<1x1x2x64xi32, #tpu.memory_space<hbm>>
      %dma_wait3A_1273 = tpu.memref_squeeze %dma_wait3A_1272 : memref<1x1x2x64xi32, #tpu.memory_space<hbm>> -> memref<2x64xi32, #tpu.memory_space<hbm>>
      tpu.wait_dma2 semaphore(%arg23 : memref<!tpu.dma_semaphore, #tpu.memory_space<semaphore_mem>>) src(%dma_wait3A_1273 : memref<2x64xi32, #tpu.memory_space<hbm>>) dst(%arg11 : memref<2x64xi32, #tpu.memory_space<vmem>>)
      %dma_start3A_1274 = arith.constant 0 : i32
      %dma_start3A_1275 = arith.constant 0 : i32
      %dma_start3A_1276 = tpu.memref_slice %arg11[%dma_start3A_1274, %dma_start3A_1275] : memref<2x64xi32, #tpu.memory_space<vmem>> -> memref<1x64xi32, #tpu.memory_space<vmem>>
      %dma_start3A_1277 = tpu.memref_squeeze %dma_start3A_1276 : memref<1x64xi32, #tpu.memory_space<vmem>> -> memref<64xi32, #tpu.memory_space<vmem>>
      %dma_start3A_1278 = arith.constant 0 : i32
      %dma_start3A_1279 = arith.constant 0 : i32
      %dma_start3A_1280 = tpu.memref_slice %arg2[%dma_start3A_1278, %dma_start3A_1279] : memref<10000x128xf32, #tpu.memory_space<hbm>> -> memref<10000x128xf32, #tpu.memory_space<hbm>>
      tpu.enqueue_indirect_dma source(%dma_start3A_1280 : memref<10000x128xf32, #tpu.memory_space<hbm>>) target(%arg18 : memref<64x128xf32, #tpu.memory_space<vmem>>) offsets(%dma_start3A_1277 : memref<64xi32, #tpu.memory_space<vmem>>) semaphore(%arg21 : memref<!tpu.dma_semaphore, #tpu.memory_space<semaphore_mem>>)
      %add3A_1281 = arith.constant 2 : i32
      %add3A_1282 = arith.addi %add3A_928, %add3A_1281 : i32
      %dma_start3A_1283 = arith.constant 0 : i32
      %dma_start3A_1284 = arith.constant 0 : i32
      %dma_start3A_1285 = tpu.memref_slice %arg4[%add3A, %add3A_1282, %dma_start3A_1283, %dma_start3A_1284] : memref<32x162x2x64xi32, #tpu.memory_space<hbm>> -> memref<1x1x2x64xi32, #tpu.memory_space<hbm>>
      %dma_start3A_1286 = tpu.memref_squeeze %dma_start3A_1285 : memref<1x1x2x64xi32, #tpu.memory_space<hbm>> -> memref<2x64xi32, #tpu.memory_space<hbm>>
      %dma_start3A_1287 = arith.constant 0 : i32
      %dma_start3A_1288 = arith.constant 0 : i32
      %dma_start3A_1289 = tpu.memref_slice %arg4[%add3A, %add3A_1282, %dma_start3A_1287, %dma_start3A_1288] : memref<32x162x2x64xi32, #tpu.memory_space<hbm>> -> memref<1x1x2x64xi32, #tpu.memory_space<hbm>>
      %dma_start3A_1290 = tpu.memref_squeeze %dma_start3A_1289 : memref<1x1x2x64xi32, #tpu.memory_space<hbm>> -> memref<2x64xi32, #tpu.memory_space<hbm>>
      tpu.enqueue_dma source(%dma_start3A_1290 : memref<2x64xi32, #tpu.memory_space<hbm>>) target(%arg12 : memref<2x64xi32, #tpu.memory_space<vmem>>) target_semaphore(%arg24 : memref<!tpu.dma_semaphore, #tpu.memory_space<semaphore_mem>>)
      %dma_wait3A_1291 = arith.constant 0 : i32
      %dma_wait3A_1292 = arith.constant 0 : i32
      %dma_wait3A_1293 = tpu.memref_slice %arg3[%dma_wait3A_1291, %dma_wait3A_1292] : memref<8192x128xf32, #tpu.memory_space<hbm>> -> memref<8192x128xf32, #tpu.memory_space<hbm>>
      tpu.wait_indirect_dma semaphore(%arg25 : memref<!tpu.dma_semaphore, #tpu.memory_space<semaphore_mem>>) src(%dma_wait3A_1293 : memref<8192x128xf32, #tpu.memory_space<hbm>>) dst(%arg20 : memref<64x128xf32, #tpu.memory_space<vmem>>)
      %dma_start3A_1294 = arith.constant 0 : i32
      %dma_start3A_1295 = arith.constant 0 : i32
      %dma_start3A_1296 = tpu.memref_slice %arg10[%dma_start3A_1294, %dma_start3A_1295] : memref<128x128xf32, #tpu.memory_space<vmem_shared>> -> memref<128x128xf32, #tpu.memory_space<vmem_shared>>
      tpu.enqueue_indirect_dma source(%arg20 : memref<64x128xf32, #tpu.memory_space<vmem>>) target(%dma_start3A_1296 : memref<128x128xf32, #tpu.memory_space<vmem_shared>>) offsets(%arg17 : memref<64xi32, #tpu.memory_space<vmem>>) semaphore(%arg26 : memref<!tpu.dma_semaphore, #tpu.memory_space<semaphore_mem>>) {add = true}
      %dma_wait3A_1297 = arith.constant 0 : i32
      %dma_wait3A_1298 = arith.constant 0 : i32
      %dma_wait3A_1299 = tpu.memref_slice %arg7[%dma_wait3A_1297, %dma_wait3A_1298] : memref<4096x128xf32, #tpu.memory_space<vmem_shared>> -> memref<4096x128xf32, #tpu.memory_space<vmem_shared>>
      tpu.wait_indirect_dma semaphore(%arg26 : memref<!tpu.dma_semaphore, #tpu.memory_space<semaphore_mem>>) src(%arg19 : memref<64x128xf32, #tpu.memory_space<vmem>>) dst(%dma_wait3A_1299 : memref<4096x128xf32, #tpu.memory_space<vmem_shared>>)
      %dma_wait3A_1300 = arith.constant 0 : i32
      %dma_wait3A_1301 = arith.constant 0 : i32
      %dma_wait3A_1302 = tpu.memref_slice %arg8[%dma_wait3A_1300, %dma_wait3A_1301] : memref<4096x128xf32, #tpu.memory_space<vmem_shared>> -> memref<4096x128xf32, #tpu.memory_space<vmem_shared>>
      tpu.wait_indirect_dma semaphore(%arg26 : memref<!tpu.dma_semaphore, #tpu.memory_space<semaphore_mem>>) src(%arg19 : memref<64x128xf32, #tpu.memory_space<vmem>>) dst(%dma_wait3A_1302 : memref<4096x128xf32, #tpu.memory_space<vmem_shared>>)
      %dma_wait3A_1303 = arith.constant 0 : i32
      %dma_wait3A_1304 = arith.constant 0 : i32
      %dma_wait3A_1305 = tpu.memref_slice %arg9[%dma_wait3A_1303, %dma_wait3A_1304] : memref<4096x128xf32, #tpu.memory_space<vmem_shared>> -> memref<4096x128xf32, #tpu.memory_space<vmem_shared>>
      tpu.wait_indirect_dma semaphore(%arg26 : memref<!tpu.dma_semaphore, #tpu.memory_space<semaphore_mem>>) src(%arg19 : memref<64x128xf32, #tpu.memory_space<vmem>>) dst(%dma_wait3A_1305 : memref<4096x128xf32, #tpu.memory_space<vmem_shared>>)
      %dma_wait3A_1306 = arith.constant 0 : i32
      %dma_wait3A_1307 = arith.constant 0 : i32
      %dma_wait3A_1308 = tpu.memref_slice %arg10[%dma_wait3A_1306, %dma_wait3A_1307] : memref<128x128xf32, #tpu.memory_space<vmem_shared>> -> memref<128x128xf32, #tpu.memory_space<vmem_shared>>
      tpu.wait_indirect_dma semaphore(%arg26 : memref<!tpu.dma_semaphore, #tpu.memory_space<semaphore_mem>>) src(%arg20 : memref<64x128xf32, #tpu.memory_space<vmem>>) dst(%dma_wait3A_1308 : memref<128x128xf32, #tpu.memory_space<vmem_shared>>)
      %scan3A_1309 = arith.constant 0 : i32
      scf.yield %scan3A_1309 : i32
    }
    %scan3A_291 = arith.constant 80 : i32
    %dma_wait3A_292 = arith.constant 0 : i32
    %dma_wait3A_293 = arith.constant 0 : i32
    %dma_wait3A_294 = tpu.memref_slice %arg11[%dma_wait3A_292, %dma_wait3A_293] : memref<2x64xi32, #tpu.memory_space<vmem>> -> memref<1x64xi32, #tpu.memory_space<vmem>>
    %dma_wait3A_295 = tpu.memref_squeeze %dma_wait3A_294 : memref<1x64xi32, #tpu.memory_space<vmem>> -> memref<64xi32, #tpu.memory_space<vmem>>
    %dma_wait3A_296 = arith.constant 0 : i32
    %dma_wait3A_297 = arith.constant 0 : i32
    %dma_wait3A_298 = tpu.memref_slice %arg2[%dma_wait3A_296, %dma_wait3A_297] : memref<10000x128xf32, #tpu.memory_space<hbm>> -> memref<10000x128xf32, #tpu.memory_space<hbm>>
    tpu.wait_indirect_dma semaphore(%arg21 : memref<!tpu.dma_semaphore, #tpu.memory_space<semaphore_mem>>) src(%dma_wait3A_298 : memref<10000x128xf32, #tpu.memory_space<hbm>>) dst(%arg18 : memref<64x128xf32, #tpu.memory_space<vmem>>)
    %dma_wait3A_299 = arith.constant 0 : i32
    %dma_wait3A_300 = arith.constant 0 : i32
    %dma_wait3A_301 = arith.constant 0 : i32
    %dma_wait3A_302 = tpu.memref_slice %arg4[%add3A, %dma_wait3A_299, %dma_wait3A_300, %dma_wait3A_301] : memref<32x162x2x64xi32, #tpu.memory_space<hbm>> -> memref<1x1x2x64xi32, #tpu.memory_space<hbm>>
    %dma_wait3A_303 = tpu.memref_squeeze %dma_wait3A_302 : memref<1x1x2x64xi32, #tpu.memory_space<hbm>> -> memref<2x64xi32, #tpu.memory_space<hbm>>
    %dma_wait3A_304 = arith.constant 0 : i32
    %dma_wait3A_305 = arith.constant 0 : i32
    %dma_wait3A_306 = tpu.memref_slice %arg4[%add3A, %dma_wait3A_299, %dma_wait3A_304, %dma_wait3A_305] : memref<32x162x2x64xi32, #tpu.memory_space<hbm>> -> memref<1x1x2x64xi32, #tpu.memory_space<hbm>>
    %dma_wait3A_307 = tpu.memref_squeeze %dma_wait3A_306 : memref<1x1x2x64xi32, #tpu.memory_space<hbm>> -> memref<2x64xi32, #tpu.memory_space<hbm>>
    tpu.wait_dma2 semaphore(%arg24 : memref<!tpu.dma_semaphore, #tpu.memory_space<semaphore_mem>>) src(%dma_wait3A_307 : memref<2x64xi32, #tpu.memory_space<hbm>>) dst(%arg12 : memref<2x64xi32, #tpu.memory_space<vmem>>)
    %barrier3A_308 = arith.constant 0 : index
    tpu.barrier barrier_id(%barrier3A_308)
    %mul3A_309 = arith.constant 4 : i32
    %mul3A_310 = arith.muli %arg1, %mul3A_309 : i32
    %add3A_311 = arith.constant 0 : i32
    %add3A_312 = arith.addi %mul3A_310, %add3A_311 : i32
    %mul3A_313 = arith.constant 64 : i32
    %mul3A_314 = arith.muli %add3A_312, %mul3A_313 : i32
    %mul3A_315 = arith.constant 4 : i32
    %mul3A_316 = arith.muli %arg1, %mul3A_315 : i32
    %add3A_317 = arith.constant 1 : i32
    %add3A_318 = arith.addi %mul3A_316, %add3A_317 : i32
    %mul3A_319 = arith.constant 64 : i32
    %mul3A_320 = arith.muli %add3A_318, %mul3A_319 : i32
    %mul3A_321 = arith.constant 4 : i32
    %mul3A_322 = arith.muli %arg1, %mul3A_321 : i32
    %add3A_323 = arith.constant 2 : i32
    %add3A_324 = arith.addi %mul3A_322, %add3A_323 : i32
    %mul3A_325 = arith.constant 64 : i32
    %mul3A_326 = arith.muli %add3A_324, %mul3A_325 : i32
    %mul3A_327 = arith.constant 4 : i32
    %mul3A_328 = arith.muli %arg1, %mul3A_327 : i32
    %add3A_329 = arith.constant 3 : i32
    %add3A_330 = arith.addi %mul3A_328, %add3A_329 : i32
    %mul3A_331 = arith.constant 64 : i32
    %mul3A_332 = arith.muli %add3A_330, %mul3A_331 : i32
    %mul3A_333 = arith.constant 4 : i32
    %mul3A_334 = arith.muli %arg1, %mul3A_333 : i32
    %add3A_335 = arith.constant 0 : i32
    %add3A_336 = arith.addi %mul3A_334, %add3A_335 : i32
    %mul3A_337 = arith.constant 64 : i32
    %mul3A_338 = arith.muli %add3A_336, %mul3A_337 : i32
    %mul3A_339 = arith.constant 4 : i32
    %mul3A_340 = arith.muli %arg1, %mul3A_339 : i32
    %add3A_341 = arith.constant 1 : i32
    %add3A_342 = arith.addi %mul3A_340, %add3A_341 : i32
    %mul3A_343 = arith.constant 64 : i32
    %mul3A_344 = arith.muli %add3A_342, %mul3A_343 : i32
    %mul3A_345 = arith.constant 4 : i32
    %mul3A_346 = arith.muli %arg1, %mul3A_345 : i32
    %add3A_347 = arith.constant 2 : i32
    %add3A_348 = arith.addi %mul3A_346, %add3A_347 : i32
    %mul3A_349 = arith.constant 64 : i32
    %mul3A_350 = arith.muli %add3A_348, %mul3A_349 : i32
    %mul3A_351 = arith.constant 4 : i32
    %mul3A_352 = arith.muli %arg1, %mul3A_351 : i32
    %add3A_353 = arith.constant 3 : i32
    %add3A_354 = arith.addi %mul3A_352, %add3A_353 : i32
    %mul3A_355 = arith.constant 64 : i32
    %mul3A_356 = arith.muli %add3A_354, %mul3A_355 : i32
    %mul3A_357 = arith.constant 4 : i32
    %mul3A_358 = arith.muli %arg1, %mul3A_357 : i32
    %add3A_359 = arith.constant 0 : i32
    %add3A_360 = arith.addi %mul3A_358, %add3A_359 : i32
    %mul3A_361 = arith.constant 64 : i32
    %mul3A_362 = arith.muli %add3A_360, %mul3A_361 : i32
    %mul3A_363 = arith.constant 4 : i32
    %mul3A_364 = arith.muli %arg1, %mul3A_363 : i32
    %add3A_365 = arith.constant 1 : i32
    %add3A_366 = arith.addi %mul3A_364, %add3A_365 : i32
    %mul3A_367 = arith.constant 64 : i32
    %mul3A_368 = arith.muli %add3A_366, %mul3A_367 : i32
    %mul3A_369 = arith.constant 4 : i32
    %mul3A_370 = arith.muli %arg1, %mul3A_369 : i32
    %add3A_371 = arith.constant 2 : i32
    %add3A_372 = arith.addi %mul3A_370, %add3A_371 : i32
    %mul3A_373 = arith.constant 64 : i32
    %mul3A_374 = arith.muli %add3A_372, %mul3A_373 : i32
    %mul3A_375 = arith.constant 4 : i32
    %mul3A_376 = arith.muli %arg1, %mul3A_375 : i32
    %add3A_377 = arith.constant 3 : i32
    %add3A_378 = arith.addi %mul3A_376, %add3A_377 : i32
    %mul3A_379 = arith.constant 64 : i32
    %mul3A_380 = arith.muli %add3A_378, %mul3A_379 : i32
    "tpu.region"() ({
      %run_scoped3A_553 = tpu.sem_alloc : memref<!tpu.dma_semaphore, #tpu.memory_space<semaphore_mem>>
      %dma_start3A_554 = arith.constant 0 : i32
      %dma_start3A_555 = tpu.memref_slice %arg7[%mul3A_314, %dma_start3A_554] : memref<4096x128xf32, #tpu.memory_space<vmem_shared>> -> memref<64x128xf32, #tpu.memory_space<vmem_shared>>
      %dma_start3A_556 = arith.constant 0 : i32
      %dma_start3A_557 = tpu.memref_slice %arg7[%mul3A_314, %dma_start3A_556] : memref<4096x128xf32, #tpu.memory_space<vmem_shared>> -> memref<64x128xf32, #tpu.memory_space<vmem_shared>>
      tpu.enqueue_dma source(%dma_start3A_557 : memref<64x128xf32, #tpu.memory_space<vmem_shared>>) target(%arg18 : memref<64x128xf32, #tpu.memory_space<vmem>>) target_semaphore(%run_scoped3A_553 : memref<!tpu.dma_semaphore, #tpu.memory_space<semaphore_mem>>)
      %dma_wait3A_558 = arith.constant 0 : i32
      %dma_wait3A_559 = tpu.memref_slice %arg7[%mul3A_314, %dma_wait3A_558] : memref<4096x128xf32, #tpu.memory_space<vmem_shared>> -> memref<64x128xf32, #tpu.memory_space<vmem_shared>>
      %dma_wait3A_560 = arith.constant 0 : i32
      %dma_wait3A_561 = tpu.memref_slice %arg7[%mul3A_314, %dma_wait3A_560] : memref<4096x128xf32, #tpu.memory_space<vmem_shared>> -> memref<64x128xf32, #tpu.memory_space<vmem_shared>>
      tpu.wait_dma2 semaphore(%run_scoped3A_553 : memref<!tpu.dma_semaphore, #tpu.memory_space<semaphore_mem>>) src(%dma_wait3A_561 : memref<64x128xf32, #tpu.memory_space<vmem_shared>>) dst(%arg18 : memref<64x128xf32, #tpu.memory_space<vmem>>)
      tpu.yield
    }) : () -> ()
    %dma_start3A_381 = arith.constant 0 : i32
    %dma_start3A_382 = arith.constant 0 : i32
    %dma_start3A_383 = tpu.memref_slice %arg5[%arg0, %dma_start3A_381, %mul3A_314, %dma_start3A_382] : memref<2x3x4096x128xf32, #tpu.memory_space<hbm>> -> memref<1x1x64x128xf32, #tpu.memory_space<hbm>>
    %dma_start3A_384 = tpu.memref_squeeze %dma_start3A_383 : memref<1x1x64x128xf32, #tpu.memory_space<hbm>> -> memref<64x128xf32, #tpu.memory_space<hbm>>
    %dma_start3A_385 = arith.constant 0 : i32
    %dma_start3A_386 = tpu.memref_slice %arg5[%arg0, %dma_start3A_381, %mul3A_314, %dma_start3A_385] : memref<2x3x4096x128xf32, #tpu.memory_space<hbm>> -> memref<1x1x64x128xf32, #tpu.memory_space<hbm>>
    %dma_start3A_387 = tpu.memref_squeeze %dma_start3A_386 : memref<1x1x64x128xf32, #tpu.memory_space<hbm>> -> memref<64x128xf32, #tpu.memory_space<hbm>>
    tpu.enqueue_dma source(%arg18 : memref<64x128xf32, #tpu.memory_space<vmem>>) target(%dma_start3A_387 : memref<64x128xf32, #tpu.memory_space<hbm>>) target_semaphore(%arg21 : memref<!tpu.dma_semaphore, #tpu.memory_space<semaphore_mem>>)
    "tpu.region"() ({
      %run_scoped3A_553 = tpu.sem_alloc : memref<!tpu.dma_semaphore, #tpu.memory_space<semaphore_mem>>
      %dma_start3A_554 = arith.constant 0 : i32
      %dma_start3A_555 = tpu.memref_slice %arg7[%mul3A_320, %dma_start3A_554] : memref<4096x128xf32, #tpu.memory_space<vmem_shared>> -> memref<64x128xf32, #tpu.memory_space<vmem_shared>>
      %dma_start3A_556 = arith.constant 0 : i32
      %dma_start3A_557 = tpu.memref_slice %arg7[%mul3A_320, %dma_start3A_556] : memref<4096x128xf32, #tpu.memory_space<vmem_shared>> -> memref<64x128xf32, #tpu.memory_space<vmem_shared>>
      tpu.enqueue_dma source(%dma_start3A_557 : memref<64x128xf32, #tpu.memory_space<vmem_shared>>) target(%arg19 : memref<64x128xf32, #tpu.memory_space<vmem>>) target_semaphore(%run_scoped3A_553 : memref<!tpu.dma_semaphore, #tpu.memory_space<semaphore_mem>>)
      %dma_wait3A_558 = arith.constant 0 : i32
      %dma_wait3A_559 = tpu.memref_slice %arg7[%mul3A_320, %dma_wait3A_558] : memref<4096x128xf32, #tpu.memory_space<vmem_shared>> -> memref<64x128xf32, #tpu.memory_space<vmem_shared>>
      %dma_wait3A_560 = arith.constant 0 : i32
      %dma_wait3A_561 = tpu.memref_slice %arg7[%mul3A_320, %dma_wait3A_560] : memref<4096x128xf32, #tpu.memory_space<vmem_shared>> -> memref<64x128xf32, #tpu.memory_space<vmem_shared>>
      tpu.wait_dma2 semaphore(%run_scoped3A_553 : memref<!tpu.dma_semaphore, #tpu.memory_space<semaphore_mem>>) src(%dma_wait3A_561 : memref<64x128xf32, #tpu.memory_space<vmem_shared>>) dst(%arg19 : memref<64x128xf32, #tpu.memory_space<vmem>>)
      tpu.yield
    }) : () -> ()
    %dma_start3A_388 = arith.constant 0 : i32
    %dma_start3A_389 = arith.constant 0 : i32
    %dma_start3A_390 = tpu.memref_slice %arg5[%arg0, %dma_start3A_388, %mul3A_320, %dma_start3A_389] : memref<2x3x4096x128xf32, #tpu.memory_space<hbm>> -> memref<1x1x64x128xf32, #tpu.memory_space<hbm>>
    %dma_start3A_391 = tpu.memref_squeeze %dma_start3A_390 : memref<1x1x64x128xf32, #tpu.memory_space<hbm>> -> memref<64x128xf32, #tpu.memory_space<hbm>>
    %dma_start3A_392 = arith.constant 0 : i32
    %dma_start3A_393 = tpu.memref_slice %arg5[%arg0, %dma_start3A_388, %mul3A_320, %dma_start3A_392] : memref<2x3x4096x128xf32, #tpu.memory_space<hbm>> -> memref<1x1x64x128xf32, #tpu.memory_space<hbm>>
    %dma_start3A_394 = tpu.memref_squeeze %dma_start3A_393 : memref<1x1x64x128xf32, #tpu.memory_space<hbm>> -> memref<64x128xf32, #tpu.memory_space<hbm>>
    tpu.enqueue_dma source(%arg19 : memref<64x128xf32, #tpu.memory_space<vmem>>) target(%dma_start3A_394 : memref<64x128xf32, #tpu.memory_space<hbm>>) target_semaphore(%arg22 : memref<!tpu.dma_semaphore, #tpu.memory_space<semaphore_mem>>)
    %dma_wait3A_395 = arith.constant 0 : i32
    %dma_wait3A_396 = arith.constant 0 : i32
    %dma_wait3A_397 = tpu.memref_slice %arg5[%arg0, %dma_wait3A_395, %mul3A_314, %dma_wait3A_396] : memref<2x3x4096x128xf32, #tpu.memory_space<hbm>> -> memref<1x1x64x128xf32, #tpu.memory_space<hbm>>
    %dma_wait3A_398 = tpu.memref_squeeze %dma_wait3A_397 : memref<1x1x64x128xf32, #tpu.memory_space<hbm>> -> memref<64x128xf32, #tpu.memory_space<hbm>>
    %dma_wait3A_399 = arith.constant 0 : i32
    %dma_wait3A_400 = tpu.memref_slice %arg5[%arg0, %dma_wait3A_395, %mul3A_314, %dma_wait3A_399] : memref<2x3x4096x128xf32, #tpu.memory_space<hbm>> -> memref<1x1x64x128xf32, #tpu.memory_space<hbm>>
    %dma_wait3A_401 = tpu.memref_squeeze %dma_wait3A_400 : memref<1x1x64x128xf32, #tpu.memory_space<hbm>> -> memref<64x128xf32, #tpu.memory_space<hbm>>
    tpu.wait_dma2 semaphore(%arg21 : memref<!tpu.dma_semaphore, #tpu.memory_space<semaphore_mem>>) src(%arg18 : memref<64x128xf32, #tpu.memory_space<vmem>>) dst(%dma_wait3A_401 : memref<64x128xf32, #tpu.memory_space<hbm>>)
    "tpu.region"() ({
      %run_scoped3A_553 = tpu.sem_alloc : memref<!tpu.dma_semaphore, #tpu.memory_space<semaphore_mem>>
      %dma_start3A_554 = arith.constant 0 : i32
      %dma_start3A_555 = tpu.memref_slice %arg7[%mul3A_326, %dma_start3A_554] : memref<4096x128xf32, #tpu.memory_space<vmem_shared>> -> memref<64x128xf32, #tpu.memory_space<vmem_shared>>
      %dma_start3A_556 = arith.constant 0 : i32
      %dma_start3A_557 = tpu.memref_slice %arg7[%mul3A_326, %dma_start3A_556] : memref<4096x128xf32, #tpu.memory_space<vmem_shared>> -> memref<64x128xf32, #tpu.memory_space<vmem_shared>>
      tpu.enqueue_dma source(%dma_start3A_557 : memref<64x128xf32, #tpu.memory_space<vmem_shared>>) target(%arg18 : memref<64x128xf32, #tpu.memory_space<vmem>>) target_semaphore(%run_scoped3A_553 : memref<!tpu.dma_semaphore, #tpu.memory_space<semaphore_mem>>)
      %dma_wait3A_558 = arith.constant 0 : i32
      %dma_wait3A_559 = tpu.memref_slice %arg7[%mul3A_326, %dma_wait3A_558] : memref<4096x128xf32, #tpu.memory_space<vmem_shared>> -> memref<64x128xf32, #tpu.memory_space<vmem_shared>>
      %dma_wait3A_560 = arith.constant 0 : i32
      %dma_wait3A_561 = tpu.memref_slice %arg7[%mul3A_326, %dma_wait3A_560] : memref<4096x128xf32, #tpu.memory_space<vmem_shared>> -> memref<64x128xf32, #tpu.memory_space<vmem_shared>>
      tpu.wait_dma2 semaphore(%run_scoped3A_553 : memref<!tpu.dma_semaphore, #tpu.memory_space<semaphore_mem>>) src(%dma_wait3A_561 : memref<64x128xf32, #tpu.memory_space<vmem_shared>>) dst(%arg18 : memref<64x128xf32, #tpu.memory_space<vmem>>)
      tpu.yield
    }) : () -> ()
    %dma_start3A_402 = arith.constant 0 : i32
    %dma_start3A_403 = arith.constant 0 : i32
    %dma_start3A_404 = tpu.memref_slice %arg5[%arg0, %dma_start3A_402, %mul3A_326, %dma_start3A_403] : memref<2x3x4096x128xf32, #tpu.memory_space<hbm>> -> memref<1x1x64x128xf32, #tpu.memory_space<hbm>>
    %dma_start3A_405 = tpu.memref_squeeze %dma_start3A_404 : memref<1x1x64x128xf32, #tpu.memory_space<hbm>> -> memref<64x128xf32, #tpu.memory_space<hbm>>
    %dma_start3A_406 = arith.constant 0 : i32
    %dma_start3A_407 = tpu.memref_slice %arg5[%arg0, %dma_start3A_402, %mul3A_326, %dma_start3A_406] : memref<2x3x4096x128xf32, #tpu.memory_space<hbm>> -> memref<1x1x64x128xf32, #tpu.memory_space<hbm>>
    %dma_start3A_408 = tpu.memref_squeeze %dma_start3A_407 : memref<1x1x64x128xf32, #tpu.memory_space<hbm>> -> memref<64x128xf32, #tpu.memory_space<hbm>>
    tpu.enqueue_dma source(%arg18 : memref<64x128xf32, #tpu.memory_space<vmem>>) target(%dma_start3A_408 : memref<64x128xf32, #tpu.memory_space<hbm>>) target_semaphore(%arg21 : memref<!tpu.dma_semaphore, #tpu.memory_space<semaphore_mem>>)
    %dma_wait3A_409 = arith.constant 0 : i32
    %dma_wait3A_410 = arith.constant 0 : i32
    %dma_wait3A_411 = tpu.memref_slice %arg5[%arg0, %dma_wait3A_409, %mul3A_320, %dma_wait3A_410] : memref<2x3x4096x128xf32, #tpu.memory_space<hbm>> -> memref<1x1x64x128xf32, #tpu.memory_space<hbm>>
    %dma_wait3A_412 = tpu.memref_squeeze %dma_wait3A_411 : memref<1x1x64x128xf32, #tpu.memory_space<hbm>> -> memref<64x128xf32, #tpu.memory_space<hbm>>
    %dma_wait3A_413 = arith.constant 0 : i32
    %dma_wait3A_414 = tpu.memref_slice %arg5[%arg0, %dma_wait3A_409, %mul3A_320, %dma_wait3A_413] : memref<2x3x4096x128xf32, #tpu.memory_space<hbm>> -> memref<1x1x64x128xf32, #tpu.memory_space<hbm>>
    %dma_wait3A_415 = tpu.memref_squeeze %dma_wait3A_414 : memref<1x1x64x128xf32, #tpu.memory_space<hbm>> -> memref<64x128xf32, #tpu.memory_space<hbm>>
    tpu.wait_dma2 semaphore(%arg22 : memref<!tpu.dma_semaphore, #tpu.memory_space<semaphore_mem>>) src(%arg19 : memref<64x128xf32, #tpu.memory_space<vmem>>) dst(%dma_wait3A_415 : memref<64x128xf32, #tpu.memory_space<hbm>>)
    "tpu.region"() ({
      %run_scoped3A_553 = tpu.sem_alloc : memref<!tpu.dma_semaphore, #tpu.memory_space<semaphore_mem>>
      %dma_start3A_554 = arith.constant 0 : i32
      %dma_start3A_555 = tpu.memref_slice %arg7[%mul3A_332, %dma_start3A_554] : memref<4096x128xf32, #tpu.memory_space<vmem_shared>> -> memref<64x128xf32, #tpu.memory_space<vmem_shared>>
      %dma_start3A_556 = arith.constant 0 : i32
      %dma_start3A_557 = tpu.memref_slice %arg7[%mul3A_332, %dma_start3A_556] : memref<4096x128xf32, #tpu.memory_space<vmem_shared>> -> memref<64x128xf32, #tpu.memory_space<vmem_shared>>
      tpu.enqueue_dma source(%dma_start3A_557 : memref<64x128xf32, #tpu.memory_space<vmem_shared>>) target(%arg19 : memref<64x128xf32, #tpu.memory_space<vmem>>) target_semaphore(%run_scoped3A_553 : memref<!tpu.dma_semaphore, #tpu.memory_space<semaphore_mem>>)
      %dma_wait3A_558 = arith.constant 0 : i32
      %dma_wait3A_559 = tpu.memref_slice %arg7[%mul3A_332, %dma_wait3A_558] : memref<4096x128xf32, #tpu.memory_space<vmem_shared>> -> memref<64x128xf32, #tpu.memory_space<vmem_shared>>
      %dma_wait3A_560 = arith.constant 0 : i32
      %dma_wait3A_561 = tpu.memref_slice %arg7[%mul3A_332, %dma_wait3A_560] : memref<4096x128xf32, #tpu.memory_space<vmem_shared>> -> memref<64x128xf32, #tpu.memory_space<vmem_shared>>
      tpu.wait_dma2 semaphore(%run_scoped3A_553 : memref<!tpu.dma_semaphore, #tpu.memory_space<semaphore_mem>>) src(%dma_wait3A_561 : memref<64x128xf32, #tpu.memory_space<vmem_shared>>) dst(%arg19 : memref<64x128xf32, #tpu.memory_space<vmem>>)
      tpu.yield
    }) : () -> ()
    %dma_start3A_416 = arith.constant 0 : i32
    %dma_start3A_417 = arith.constant 0 : i32
    %dma_start3A_418 = tpu.memref_slice %arg5[%arg0, %dma_start3A_416, %mul3A_332, %dma_start3A_417] : memref<2x3x4096x128xf32, #tpu.memory_space<hbm>> -> memref<1x1x64x128xf32, #tpu.memory_space<hbm>>
    %dma_start3A_419 = tpu.memref_squeeze %dma_start3A_418 : memref<1x1x64x128xf32, #tpu.memory_space<hbm>> -> memref<64x128xf32, #tpu.memory_space<hbm>>
    %dma_start3A_420 = arith.constant 0 : i32
    %dma_start3A_421 = tpu.memref_slice %arg5[%arg0, %dma_start3A_416, %mul3A_332, %dma_start3A_420] : memref<2x3x4096x128xf32, #tpu.memory_space<hbm>> -> memref<1x1x64x128xf32, #tpu.memory_space<hbm>>
    %dma_start3A_422 = tpu.memref_squeeze %dma_start3A_421 : memref<1x1x64x128xf32, #tpu.memory_space<hbm>> -> memref<64x128xf32, #tpu.memory_space<hbm>>
    tpu.enqueue_dma source(%arg19 : memref<64x128xf32, #tpu.memory_space<vmem>>) target(%dma_start3A_422 : memref<64x128xf32, #tpu.memory_space<hbm>>) target_semaphore(%arg22 : memref<!tpu.dma_semaphore, #tpu.memory_space<semaphore_mem>>)
    %dma_wait3A_423 = arith.constant 0 : i32
    %dma_wait3A_424 = arith.constant 0 : i32
    %dma_wait3A_425 = tpu.memref_slice %arg5[%arg0, %dma_wait3A_423, %mul3A_326, %dma_wait3A_424] : memref<2x3x4096x128xf32, #tpu.memory_space<hbm>> -> memref<1x1x64x128xf32, #tpu.memory_space<hbm>>
    %dma_wait3A_426 = tpu.memref_squeeze %dma_wait3A_425 : memref<1x1x64x128xf32, #tpu.memory_space<hbm>> -> memref<64x128xf32, #tpu.memory_space<hbm>>
    %dma_wait3A_427 = arith.constant 0 : i32
    %dma_wait3A_428 = tpu.memref_slice %arg5[%arg0, %dma_wait3A_423, %mul3A_326, %dma_wait3A_427] : memref<2x3x4096x128xf32, #tpu.memory_space<hbm>> -> memref<1x1x64x128xf32, #tpu.memory_space<hbm>>
    %dma_wait3A_429 = tpu.memref_squeeze %dma_wait3A_428 : memref<1x1x64x128xf32, #tpu.memory_space<hbm>> -> memref<64x128xf32, #tpu.memory_space<hbm>>
    tpu.wait_dma2 semaphore(%arg21 : memref<!tpu.dma_semaphore, #tpu.memory_space<semaphore_mem>>) src(%arg18 : memref<64x128xf32, #tpu.memory_space<vmem>>) dst(%dma_wait3A_429 : memref<64x128xf32, #tpu.memory_space<hbm>>)
    "tpu.region"() ({
      %run_scoped3A_553 = tpu.sem_alloc : memref<!tpu.dma_semaphore, #tpu.memory_space<semaphore_mem>>
      %dma_start3A_554 = arith.constant 0 : i32
      %dma_start3A_555 = tpu.memref_slice %arg8[%mul3A_338, %dma_start3A_554] : memref<4096x128xf32, #tpu.memory_space<vmem_shared>> -> memref<64x128xf32, #tpu.memory_space<vmem_shared>>
      %dma_start3A_556 = arith.constant 0 : i32
      %dma_start3A_557 = tpu.memref_slice %arg8[%mul3A_338, %dma_start3A_556] : memref<4096x128xf32, #tpu.memory_space<vmem_shared>> -> memref<64x128xf32, #tpu.memory_space<vmem_shared>>
      tpu.enqueue_dma source(%dma_start3A_557 : memref<64x128xf32, #tpu.memory_space<vmem_shared>>) target(%arg18 : memref<64x128xf32, #tpu.memory_space<vmem>>) target_semaphore(%run_scoped3A_553 : memref<!tpu.dma_semaphore, #tpu.memory_space<semaphore_mem>>)
      %dma_wait3A_558 = arith.constant 0 : i32
      %dma_wait3A_559 = tpu.memref_slice %arg8[%mul3A_338, %dma_wait3A_558] : memref<4096x128xf32, #tpu.memory_space<vmem_shared>> -> memref<64x128xf32, #tpu.memory_space<vmem_shared>>
      %dma_wait3A_560 = arith.constant 0 : i32
      %dma_wait3A_561 = tpu.memref_slice %arg8[%mul3A_338, %dma_wait3A_560] : memref<4096x128xf32, #tpu.memory_space<vmem_shared>> -> memref<64x128xf32, #tpu.memory_space<vmem_shared>>
      tpu.wait_dma2 semaphore(%run_scoped3A_553 : memref<!tpu.dma_semaphore, #tpu.memory_space<semaphore_mem>>) src(%dma_wait3A_561 : memref<64x128xf32, #tpu.memory_space<vmem_shared>>) dst(%arg18 : memref<64x128xf32, #tpu.memory_space<vmem>>)
      tpu.yield
    }) : () -> ()
    %dma_start3A_430 = arith.constant 1 : i32
    %dma_start3A_431 = arith.constant 0 : i32
    %dma_start3A_432 = tpu.memref_slice %arg5[%arg0, %dma_start3A_430, %mul3A_338, %dma_start3A_431] : memref<2x3x4096x128xf32, #tpu.memory_space<hbm>> -> memref<1x1x64x128xf32, #tpu.memory_space<hbm>>
    %dma_start3A_433 = tpu.memref_squeeze %dma_start3A_432 : memref<1x1x64x128xf32, #tpu.memory_space<hbm>> -> memref<64x128xf32, #tpu.memory_space<hbm>>
    %dma_start3A_434 = arith.constant 0 : i32
    %dma_start3A_435 = tpu.memref_slice %arg5[%arg0, %dma_start3A_430, %mul3A_338, %dma_start3A_434] : memref<2x3x4096x128xf32, #tpu.memory_space<hbm>> -> memref<1x1x64x128xf32, #tpu.memory_space<hbm>>
    %dma_start3A_436 = tpu.memref_squeeze %dma_start3A_435 : memref<1x1x64x128xf32, #tpu.memory_space<hbm>> -> memref<64x128xf32, #tpu.memory_space<hbm>>
    tpu.enqueue_dma source(%arg18 : memref<64x128xf32, #tpu.memory_space<vmem>>) target(%dma_start3A_436 : memref<64x128xf32, #tpu.memory_space<hbm>>) target_semaphore(%arg21 : memref<!tpu.dma_semaphore, #tpu.memory_space<semaphore_mem>>)
    %dma_wait3A_437 = arith.constant 0 : i32
    %dma_wait3A_438 = arith.constant 0 : i32
    %dma_wait3A_439 = tpu.memref_slice %arg5[%arg0, %dma_wait3A_437, %mul3A_332, %dma_wait3A_438] : memref<2x3x4096x128xf32, #tpu.memory_space<hbm>> -> memref<1x1x64x128xf32, #tpu.memory_space<hbm>>
    %dma_wait3A_440 = tpu.memref_squeeze %dma_wait3A_439 : memref<1x1x64x128xf32, #tpu.memory_space<hbm>> -> memref<64x128xf32, #tpu.memory_space<hbm>>
    %dma_wait3A_441 = arith.constant 0 : i32
    %dma_wait3A_442 = tpu.memref_slice %arg5[%arg0, %dma_wait3A_437, %mul3A_332, %dma_wait3A_441] : memref<2x3x4096x128xf32, #tpu.memory_space<hbm>> -> memref<1x1x64x128xf32, #tpu.memory_space<hbm>>
    %dma_wait3A_443 = tpu.memref_squeeze %dma_wait3A_442 : memref<1x1x64x128xf32, #tpu.memory_space<hbm>> -> memref<64x128xf32, #tpu.memory_space<hbm>>
    tpu.wait_dma2 semaphore(%arg22 : memref<!tpu.dma_semaphore, #tpu.memory_space<semaphore_mem>>) src(%arg19 : memref<64x128xf32, #tpu.memory_space<vmem>>) dst(%dma_wait3A_443 : memref<64x128xf32, #tpu.memory_space<hbm>>)
    "tpu.region"() ({
      %run_scoped3A_553 = tpu.sem_alloc : memref<!tpu.dma_semaphore, #tpu.memory_space<semaphore_mem>>
      %dma_start3A_554 = arith.constant 0 : i32
      %dma_start3A_555 = tpu.memref_slice %arg8[%mul3A_344, %dma_start3A_554] : memref<4096x128xf32, #tpu.memory_space<vmem_shared>> -> memref<64x128xf32, #tpu.memory_space<vmem_shared>>
      %dma_start3A_556 = arith.constant 0 : i32
      %dma_start3A_557 = tpu.memref_slice %arg8[%mul3A_344, %dma_start3A_556] : memref<4096x128xf32, #tpu.memory_space<vmem_shared>> -> memref<64x128xf32, #tpu.memory_space<vmem_shared>>
      tpu.enqueue_dma source(%dma_start3A_557 : memref<64x128xf32, #tpu.memory_space<vmem_shared>>) target(%arg19 : memref<64x128xf32, #tpu.memory_space<vmem>>) target_semaphore(%run_scoped3A_553 : memref<!tpu.dma_semaphore, #tpu.memory_space<semaphore_mem>>)
      %dma_wait3A_558 = arith.constant 0 : i32
      %dma_wait3A_559 = tpu.memref_slice %arg8[%mul3A_344, %dma_wait3A_558] : memref<4096x128xf32, #tpu.memory_space<vmem_shared>> -> memref<64x128xf32, #tpu.memory_space<vmem_shared>>
      %dma_wait3A_560 = arith.constant 0 : i32
      %dma_wait3A_561 = tpu.memref_slice %arg8[%mul3A_344, %dma_wait3A_560] : memref<4096x128xf32, #tpu.memory_space<vmem_shared>> -> memref<64x128xf32, #tpu.memory_space<vmem_shared>>
      tpu.wait_dma2 semaphore(%run_scoped3A_553 : memref<!tpu.dma_semaphore, #tpu.memory_space<semaphore_mem>>) src(%dma_wait3A_561 : memref<64x128xf32, #tpu.memory_space<vmem_shared>>) dst(%arg19 : memref<64x128xf32, #tpu.memory_space<vmem>>)
      tpu.yield
    }) : () -> ()
    %dma_start3A_444 = arith.constant 1 : i32
    %dma_start3A_445 = arith.constant 0 : i32
    %dma_start3A_446 = tpu.memref_slice %arg5[%arg0, %dma_start3A_444, %mul3A_344, %dma_start3A_445] : memref<2x3x4096x128xf32, #tpu.memory_space<hbm>> -> memref<1x1x64x128xf32, #tpu.memory_space<hbm>>
    %dma_start3A_447 = tpu.memref_squeeze %dma_start3A_446 : memref<1x1x64x128xf32, #tpu.memory_space<hbm>> -> memref<64x128xf32, #tpu.memory_space<hbm>>
    %dma_start3A_448 = arith.constant 0 : i32
    %dma_start3A_449 = tpu.memref_slice %arg5[%arg0, %dma_start3A_444, %mul3A_344, %dma_start3A_448] : memref<2x3x4096x128xf32, #tpu.memory_space<hbm>> -> memref<1x1x64x128xf32, #tpu.memory_space<hbm>>
    %dma_start3A_450 = tpu.memref_squeeze %dma_start3A_449 : memref<1x1x64x128xf32, #tpu.memory_space<hbm>> -> memref<64x128xf32, #tpu.memory_space<hbm>>
    tpu.enqueue_dma source(%arg19 : memref<64x128xf32, #tpu.memory_space<vmem>>) target(%dma_start3A_450 : memref<64x128xf32, #tpu.memory_space<hbm>>) target_semaphore(%arg22 : memref<!tpu.dma_semaphore, #tpu.memory_space<semaphore_mem>>)
    %dma_wait3A_451 = arith.constant 1 : i32
    %dma_wait3A_452 = arith.constant 0 : i32
    %dma_wait3A_453 = tpu.memref_slice %arg5[%arg0, %dma_wait3A_451, %mul3A_338, %dma_wait3A_452] : memref<2x3x4096x128xf32, #tpu.memory_space<hbm>> -> memref<1x1x64x128xf32, #tpu.memory_space<hbm>>
    %dma_wait3A_454 = tpu.memref_squeeze %dma_wait3A_453 : memref<1x1x64x128xf32, #tpu.memory_space<hbm>> -> memref<64x128xf32, #tpu.memory_space<hbm>>
    %dma_wait3A_455 = arith.constant 0 : i32
    %dma_wait3A_456 = tpu.memref_slice %arg5[%arg0, %dma_wait3A_451, %mul3A_338, %dma_wait3A_455] : memref<2x3x4096x128xf32, #tpu.memory_space<hbm>> -> memref<1x1x64x128xf32, #tpu.memory_space<hbm>>
    %dma_wait3A_457 = tpu.memref_squeeze %dma_wait3A_456 : memref<1x1x64x128xf32, #tpu.memory_space<hbm>> -> memref<64x128xf32, #tpu.memory_space<hbm>>
    tpu.wait_dma2 semaphore(%arg21 : memref<!tpu.dma_semaphore, #tpu.memory_space<semaphore_mem>>) src(%arg18 : memref<64x128xf32, #tpu.memory_space<vmem>>) dst(%dma_wait3A_457 : memref<64x128xf32, #tpu.memory_space<hbm>>)
    "tpu.region"() ({
      %run_scoped3A_553 = tpu.sem_alloc : memref<!tpu.dma_semaphore, #tpu.memory_space<semaphore_mem>>
      %dma_start3A_554 = arith.constant 0 : i32
      %dma_start3A_555 = tpu.memref_slice %arg8[%mul3A_350, %dma_start3A_554] : memref<4096x128xf32, #tpu.memory_space<vmem_shared>> -> memref<64x128xf32, #tpu.memory_space<vmem_shared>>
      %dma_start3A_556 = arith.constant 0 : i32
      %dma_start3A_557 = tpu.memref_slice %arg8[%mul3A_350, %dma_start3A_556] : memref<4096x128xf32, #tpu.memory_space<vmem_shared>> -> memref<64x128xf32, #tpu.memory_space<vmem_shared>>
      tpu.enqueue_dma source(%dma_start3A_557 : memref<64x128xf32, #tpu.memory_space<vmem_shared>>) target(%arg18 : memref<64x128xf32, #tpu.memory_space<vmem>>) target_semaphore(%run_scoped3A_553 : memref<!tpu.dma_semaphore, #tpu.memory_space<semaphore_mem>>)
      %dma_wait3A_558 = arith.constant 0 : i32
      %dma_wait3A_559 = tpu.memref_slice %arg8[%mul3A_350, %dma_wait3A_558] : memref<4096x128xf32, #tpu.memory_space<vmem_shared>> -> memref<64x128xf32, #tpu.memory_space<vmem_shared>>
      %dma_wait3A_560 = arith.constant 0 : i32
      %dma_wait3A_561 = tpu.memref_slice %arg8[%mul3A_350, %dma_wait3A_560] : memref<4096x128xf32, #tpu.memory_space<vmem_shared>> -> memref<64x128xf32, #tpu.memory_space<vmem_shared>>
      tpu.wait_dma2 semaphore(%run_scoped3A_553 : memref<!tpu.dma_semaphore, #tpu.memory_space<semaphore_mem>>) src(%dma_wait3A_561 : memref<64x128xf32, #tpu.memory_space<vmem_shared>>) dst(%arg18 : memref<64x128xf32, #tpu.memory_space<vmem>>)
      tpu.yield
    }) : () -> ()
    %dma_start3A_458 = arith.constant 1 : i32
    %dma_start3A_459 = arith.constant 0 : i32
    %dma_start3A_460 = tpu.memref_slice %arg5[%arg0, %dma_start3A_458, %mul3A_350, %dma_start3A_459] : memref<2x3x4096x128xf32, #tpu.memory_space<hbm>> -> memref<1x1x64x128xf32, #tpu.memory_space<hbm>>
    %dma_start3A_461 = tpu.memref_squeeze %dma_start3A_460 : memref<1x1x64x128xf32, #tpu.memory_space<hbm>> -> memref<64x128xf32, #tpu.memory_space<hbm>>
    %dma_start3A_462 = arith.constant 0 : i32
    %dma_start3A_463 = tpu.memref_slice %arg5[%arg0, %dma_start3A_458, %mul3A_350, %dma_start3A_462] : memref<2x3x4096x128xf32, #tpu.memory_space<hbm>> -> memref<1x1x64x128xf32, #tpu.memory_space<hbm>>
    %dma_start3A_464 = tpu.memref_squeeze %dma_start3A_463 : memref<1x1x64x128xf32, #tpu.memory_space<hbm>> -> memref<64x128xf32, #tpu.memory_space<hbm>>
    tpu.enqueue_dma source(%arg18 : memref<64x128xf32, #tpu.memory_space<vmem>>) target(%dma_start3A_464 : memref<64x128xf32, #tpu.memory_space<hbm>>) target_semaphore(%arg21 : memref<!tpu.dma_semaphore, #tpu.memory_space<semaphore_mem>>)
    %dma_wait3A_465 = arith.constant 1 : i32
    %dma_wait3A_466 = arith.constant 0 : i32
    %dma_wait3A_467 = tpu.memref_slice %arg5[%arg0, %dma_wait3A_465, %mul3A_344, %dma_wait3A_466] : memref<2x3x4096x128xf32, #tpu.memory_space<hbm>> -> memref<1x1x64x128xf32, #tpu.memory_space<hbm>>
    %dma_wait3A_468 = tpu.memref_squeeze %dma_wait3A_467 : memref<1x1x64x128xf32, #tpu.memory_space<hbm>> -> memref<64x128xf32, #tpu.memory_space<hbm>>
    %dma_wait3A_469 = arith.constant 0 : i32
    %dma_wait3A_470 = tpu.memref_slice %arg5[%arg0, %dma_wait3A_465, %mul3A_344, %dma_wait3A_469] : memref<2x3x4096x128xf32, #tpu.memory_space<hbm>> -> memref<1x1x64x128xf32, #tpu.memory_space<hbm>>
    %dma_wait3A_471 = tpu.memref_squeeze %dma_wait3A_470 : memref<1x1x64x128xf32, #tpu.memory_space<hbm>> -> memref<64x128xf32, #tpu.memory_space<hbm>>
    tpu.wait_dma2 semaphore(%arg22 : memref<!tpu.dma_semaphore, #tpu.memory_space<semaphore_mem>>) src(%arg19 : memref<64x128xf32, #tpu.memory_space<vmem>>) dst(%dma_wait3A_471 : memref<64x128xf32, #tpu.memory_space<hbm>>)
    "tpu.region"() ({
      %run_scoped3A_553 = tpu.sem_alloc : memref<!tpu.dma_semaphore, #tpu.memory_space<semaphore_mem>>
      %dma_start3A_554 = arith.constant 0 : i32
      %dma_start3A_555 = tpu.memref_slice %arg8[%mul3A_356, %dma_start3A_554] : memref<4096x128xf32, #tpu.memory_space<vmem_shared>> -> memref<64x128xf32, #tpu.memory_space<vmem_shared>>
      %dma_start3A_556 = arith.constant 0 : i32
      %dma_start3A_557 = tpu.memref_slice %arg8[%mul3A_356, %dma_start3A_556] : memref<4096x128xf32, #tpu.memory_space<vmem_shared>> -> memref<64x128xf32, #tpu.memory_space<vmem_shared>>
      tpu.enqueue_dma source(%dma_start3A_557 : memref<64x128xf32, #tpu.memory_space<vmem_shared>>) target(%arg19 : memref<64x128xf32, #tpu.memory_space<vmem>>) target_semaphore(%run_scoped3A_553 : memref<!tpu.dma_semaphore, #tpu.memory_space<semaphore_mem>>)
      %dma_wait3A_558 = arith.constant 0 : i32
      %dma_wait3A_559 = tpu.memref_slice %arg8[%mul3A_356, %dma_wait3A_558] : memref<4096x128xf32, #tpu.memory_space<vmem_shared>> -> memref<64x128xf32, #tpu.memory_space<vmem_shared>>
      %dma_wait3A_560 = arith.constant 0 : i32
      %dma_wait3A_561 = tpu.memref_slice %arg8[%mul3A_356, %dma_wait3A_560] : memref<4096x128xf32, #tpu.memory_space<vmem_shared>> -> memref<64x128xf32, #tpu.memory_space<vmem_shared>>
      tpu.wait_dma2 semaphore(%run_scoped3A_553 : memref<!tpu.dma_semaphore, #tpu.memory_space<semaphore_mem>>) src(%dma_wait3A_561 : memref<64x128xf32, #tpu.memory_space<vmem_shared>>) dst(%arg19 : memref<64x128xf32, #tpu.memory_space<vmem>>)
      tpu.yield
    }) : () -> ()
    %dma_start3A_472 = arith.constant 1 : i32
    %dma_start3A_473 = arith.constant 0 : i32
    %dma_start3A_474 = tpu.memref_slice %arg5[%arg0, %dma_start3A_472, %mul3A_356, %dma_start3A_473] : memref<2x3x4096x128xf32, #tpu.memory_space<hbm>> -> memref<1x1x64x128xf32, #tpu.memory_space<hbm>>
    %dma_start3A_475 = tpu.memref_squeeze %dma_start3A_474 : memref<1x1x64x128xf32, #tpu.memory_space<hbm>> -> memref<64x128xf32, #tpu.memory_space<hbm>>
    %dma_start3A_476 = arith.constant 0 : i32
    %dma_start3A_477 = tpu.memref_slice %arg5[%arg0, %dma_start3A_472, %mul3A_356, %dma_start3A_476] : memref<2x3x4096x128xf32, #tpu.memory_space<hbm>> -> memref<1x1x64x128xf32, #tpu.memory_space<hbm>>
    %dma_start3A_478 = tpu.memref_squeeze %dma_start3A_477 : memref<1x1x64x128xf32, #tpu.memory_space<hbm>> -> memref<64x128xf32, #tpu.memory_space<hbm>>
    tpu.enqueue_dma source(%arg19 : memref<64x128xf32, #tpu.memory_space<vmem>>) target(%dma_start3A_478 : memref<64x128xf32, #tpu.memory_space<hbm>>) target_semaphore(%arg22 : memref<!tpu.dma_semaphore, #tpu.memory_space<semaphore_mem>>)
    %dma_wait3A_479 = arith.constant 1 : i32
    %dma_wait3A_480 = arith.constant 0 : i32
    %dma_wait3A_481 = tpu.memref_slice %arg5[%arg0, %dma_wait3A_479, %mul3A_350, %dma_wait3A_480] : memref<2x3x4096x128xf32, #tpu.memory_space<hbm>> -> memref<1x1x64x128xf32, #tpu.memory_space<hbm>>
    %dma_wait3A_482 = tpu.memref_squeeze %dma_wait3A_481 : memref<1x1x64x128xf32, #tpu.memory_space<hbm>> -> memref<64x128xf32, #tpu.memory_space<hbm>>
    %dma_wait3A_483 = arith.constant 0 : i32
    %dma_wait3A_484 = tpu.memref_slice %arg5[%arg0, %dma_wait3A_479, %mul3A_350, %dma_wait3A_483] : memref<2x3x4096x128xf32, #tpu.memory_space<hbm>> -> memref<1x1x64x128xf32, #tpu.memory_space<hbm>>
    %dma_wait3A_485 = tpu.memref_squeeze %dma_wait3A_484 : memref<1x1x64x128xf32, #tpu.memory_space<hbm>> -> memref<64x128xf32, #tpu.memory_space<hbm>>
    tpu.wait_dma2 semaphore(%arg21 : memref<!tpu.dma_semaphore, #tpu.memory_space<semaphore_mem>>) src(%arg18 : memref<64x128xf32, #tpu.memory_space<vmem>>) dst(%dma_wait3A_485 : memref<64x128xf32, #tpu.memory_space<hbm>>)
    "tpu.region"() ({
      %run_scoped3A_553 = tpu.sem_alloc : memref<!tpu.dma_semaphore, #tpu.memory_space<semaphore_mem>>
      %dma_start3A_554 = arith.constant 0 : i32
      %dma_start3A_555 = tpu.memref_slice %arg9[%mul3A_362, %dma_start3A_554] : memref<4096x128xf32, #tpu.memory_space<vmem_shared>> -> memref<64x128xf32, #tpu.memory_space<vmem_shared>>
      %dma_start3A_556 = arith.constant 0 : i32
      %dma_start3A_557 = tpu.memref_slice %arg9[%mul3A_362, %dma_start3A_556] : memref<4096x128xf32, #tpu.memory_space<vmem_shared>> -> memref<64x128xf32, #tpu.memory_space<vmem_shared>>
      tpu.enqueue_dma source(%dma_start3A_557 : memref<64x128xf32, #tpu.memory_space<vmem_shared>>) target(%arg18 : memref<64x128xf32, #tpu.memory_space<vmem>>) target_semaphore(%run_scoped3A_553 : memref<!tpu.dma_semaphore, #tpu.memory_space<semaphore_mem>>)
      %dma_wait3A_558 = arith.constant 0 : i32
      %dma_wait3A_559 = tpu.memref_slice %arg9[%mul3A_362, %dma_wait3A_558] : memref<4096x128xf32, #tpu.memory_space<vmem_shared>> -> memref<64x128xf32, #tpu.memory_space<vmem_shared>>
      %dma_wait3A_560 = arith.constant 0 : i32
      %dma_wait3A_561 = tpu.memref_slice %arg9[%mul3A_362, %dma_wait3A_560] : memref<4096x128xf32, #tpu.memory_space<vmem_shared>> -> memref<64x128xf32, #tpu.memory_space<vmem_shared>>
      tpu.wait_dma2 semaphore(%run_scoped3A_553 : memref<!tpu.dma_semaphore, #tpu.memory_space<semaphore_mem>>) src(%dma_wait3A_561 : memref<64x128xf32, #tpu.memory_space<vmem_shared>>) dst(%arg18 : memref<64x128xf32, #tpu.memory_space<vmem>>)
      tpu.yield
    }) : () -> ()
    %dma_start3A_486 = arith.constant 2 : i32
    %dma_start3A_487 = arith.constant 0 : i32
    %dma_start3A_488 = tpu.memref_slice %arg5[%arg0, %dma_start3A_486, %mul3A_362, %dma_start3A_487] : memref<2x3x4096x128xf32, #tpu.memory_space<hbm>> -> memref<1x1x64x128xf32, #tpu.memory_space<hbm>>
    %dma_start3A_489 = tpu.memref_squeeze %dma_start3A_488 : memref<1x1x64x128xf32, #tpu.memory_space<hbm>> -> memref<64x128xf32, #tpu.memory_space<hbm>>
    %dma_start3A_490 = arith.constant 0 : i32
    %dma_start3A_491 = tpu.memref_slice %arg5[%arg0, %dma_start3A_486, %mul3A_362, %dma_start3A_490] : memref<2x3x4096x128xf32, #tpu.memory_space<hbm>> -> memref<1x1x64x128xf32, #tpu.memory_space<hbm>>
    %dma_start3A_492 = tpu.memref_squeeze %dma_start3A_491 : memref<1x1x64x128xf32, #tpu.memory_space<hbm>> -> memref<64x128xf32, #tpu.memory_space<hbm>>
    tpu.enqueue_dma source(%arg18 : memref<64x128xf32, #tpu.memory_space<vmem>>) target(%dma_start3A_492 : memref<64x128xf32, #tpu.memory_space<hbm>>) target_semaphore(%arg21 : memref<!tpu.dma_semaphore, #tpu.memory_space<semaphore_mem>>)
    %dma_wait3A_493 = arith.constant 1 : i32
    %dma_wait3A_494 = arith.constant 0 : i32
    %dma_wait3A_495 = tpu.memref_slice %arg5[%arg0, %dma_wait3A_493, %mul3A_356, %dma_wait3A_494] : memref<2x3x4096x128xf32, #tpu.memory_space<hbm>> -> memref<1x1x64x128xf32, #tpu.memory_space<hbm>>
    %dma_wait3A_496 = tpu.memref_squeeze %dma_wait3A_495 : memref<1x1x64x128xf32, #tpu.memory_space<hbm>> -> memref<64x128xf32, #tpu.memory_space<hbm>>
    %dma_wait3A_497 = arith.constant 0 : i32
    %dma_wait3A_498 = tpu.memref_slice %arg5[%arg0, %dma_wait3A_493, %mul3A_356, %dma_wait3A_497] : memref<2x3x4096x128xf32, #tpu.memory_space<hbm>> -> memref<1x1x64x128xf32, #tpu.memory_space<hbm>>
    %dma_wait3A_499 = tpu.memref_squeeze %dma_wait3A_498 : memref<1x1x64x128xf32, #tpu.memory_space<hbm>> -> memref<64x128xf32, #tpu.memory_space<hbm>>
    tpu.wait_dma2 semaphore(%arg22 : memref<!tpu.dma_semaphore, #tpu.memory_space<semaphore_mem>>) src(%arg19 : memref<64x128xf32, #tpu.memory_space<vmem>>) dst(%dma_wait3A_499 : memref<64x128xf32, #tpu.memory_space<hbm>>)
    "tpu.region"() ({
      %run_scoped3A_553 = tpu.sem_alloc : memref<!tpu.dma_semaphore, #tpu.memory_space<semaphore_mem>>
      %dma_start3A_554 = arith.constant 0 : i32
      %dma_start3A_555 = tpu.memref_slice %arg9[%mul3A_368, %dma_start3A_554] : memref<4096x128xf32, #tpu.memory_space<vmem_shared>> -> memref<64x128xf32, #tpu.memory_space<vmem_shared>>
      %dma_start3A_556 = arith.constant 0 : i32
      %dma_start3A_557 = tpu.memref_slice %arg9[%mul3A_368, %dma_start3A_556] : memref<4096x128xf32, #tpu.memory_space<vmem_shared>> -> memref<64x128xf32, #tpu.memory_space<vmem_shared>>
      tpu.enqueue_dma source(%dma_start3A_557 : memref<64x128xf32, #tpu.memory_space<vmem_shared>>) target(%arg19 : memref<64x128xf32, #tpu.memory_space<vmem>>) target_semaphore(%run_scoped3A_553 : memref<!tpu.dma_semaphore, #tpu.memory_space<semaphore_mem>>)
      %dma_wait3A_558 = arith.constant 0 : i32
      %dma_wait3A_559 = tpu.memref_slice %arg9[%mul3A_368, %dma_wait3A_558] : memref<4096x128xf32, #tpu.memory_space<vmem_shared>> -> memref<64x128xf32, #tpu.memory_space<vmem_shared>>
      %dma_wait3A_560 = arith.constant 0 : i32
      %dma_wait3A_561 = tpu.memref_slice %arg9[%mul3A_368, %dma_wait3A_560] : memref<4096x128xf32, #tpu.memory_space<vmem_shared>> -> memref<64x128xf32, #tpu.memory_space<vmem_shared>>
      tpu.wait_dma2 semaphore(%run_scoped3A_553 : memref<!tpu.dma_semaphore, #tpu.memory_space<semaphore_mem>>) src(%dma_wait3A_561 : memref<64x128xf32, #tpu.memory_space<vmem_shared>>) dst(%arg19 : memref<64x128xf32, #tpu.memory_space<vmem>>)
      tpu.yield
    }) : () -> ()
    %dma_start3A_500 = arith.constant 2 : i32
    %dma_start3A_501 = arith.constant 0 : i32
    %dma_start3A_502 = tpu.memref_slice %arg5[%arg0, %dma_start3A_500, %mul3A_368, %dma_start3A_501] : memref<2x3x4096x128xf32, #tpu.memory_space<hbm>> -> memref<1x1x64x128xf32, #tpu.memory_space<hbm>>
    %dma_start3A_503 = tpu.memref_squeeze %dma_start3A_502 : memref<1x1x64x128xf32, #tpu.memory_space<hbm>> -> memref<64x128xf32, #tpu.memory_space<hbm>>
    %dma_start3A_504 = arith.constant 0 : i32
    %dma_start3A_505 = tpu.memref_slice %arg5[%arg0, %dma_start3A_500, %mul3A_368, %dma_start3A_504] : memref<2x3x4096x128xf32, #tpu.memory_space<hbm>> -> memref<1x1x64x128xf32, #tpu.memory_space<hbm>>
    %dma_start3A_506 = tpu.memref_squeeze %dma_start3A_505 : memref<1x1x64x128xf32, #tpu.memory_space<hbm>> -> memref<64x128xf32, #tpu.memory_space<hbm>>
    tpu.enqueue_dma source(%arg19 : memref<64x128xf32, #tpu.memory_space<vmem>>) target(%dma_start3A_506 : memref<64x128xf32, #tpu.memory_space<hbm>>) target_semaphore(%arg22 : memref<!tpu.dma_semaphore, #tpu.memory_space<semaphore_mem>>)
    %dma_wait3A_507 = arith.constant 2 : i32
    %dma_wait3A_508 = arith.constant 0 : i32
    %dma_wait3A_509 = tpu.memref_slice %arg5[%arg0, %dma_wait3A_507, %mul3A_362, %dma_wait3A_508] : memref<2x3x4096x128xf32, #tpu.memory_space<hbm>> -> memref<1x1x64x128xf32, #tpu.memory_space<hbm>>
    %dma_wait3A_510 = tpu.memref_squeeze %dma_wait3A_509 : memref<1x1x64x128xf32, #tpu.memory_space<hbm>> -> memref<64x128xf32, #tpu.memory_space<hbm>>
    %dma_wait3A_511 = arith.constant 0 : i32
    %dma_wait3A_512 = tpu.memref_slice %arg5[%arg0, %dma_wait3A_507, %mul3A_362, %dma_wait3A_511] : memref<2x3x4096x128xf32, #tpu.memory_space<hbm>> -> memref<1x1x64x128xf32, #tpu.memory_space<hbm>>
    %dma_wait3A_513 = tpu.memref_squeeze %dma_wait3A_512 : memref<1x1x64x128xf32, #tpu.memory_space<hbm>> -> memref<64x128xf32, #tpu.memory_space<hbm>>
    tpu.wait_dma2 semaphore(%arg21 : memref<!tpu.dma_semaphore, #tpu.memory_space<semaphore_mem>>) src(%arg18 : memref<64x128xf32, #tpu.memory_space<vmem>>) dst(%dma_wait3A_513 : memref<64x128xf32, #tpu.memory_space<hbm>>)
    "tpu.region"() ({
      %run_scoped3A_553 = tpu.sem_alloc : memref<!tpu.dma_semaphore, #tpu.memory_space<semaphore_mem>>
      %dma_start3A_554 = arith.constant 0 : i32
      %dma_start3A_555 = tpu.memref_slice %arg9[%mul3A_374, %dma_start3A_554] : memref<4096x128xf32, #tpu.memory_space<vmem_shared>> -> memref<64x128xf32, #tpu.memory_space<vmem_shared>>
      %dma_start3A_556 = arith.constant 0 : i32
      %dma_start3A_557 = tpu.memref_slice %arg9[%mul3A_374, %dma_start3A_556] : memref<4096x128xf32, #tpu.memory_space<vmem_shared>> -> memref<64x128xf32, #tpu.memory_space<vmem_shared>>
      tpu.enqueue_dma source(%dma_start3A_557 : memref<64x128xf32, #tpu.memory_space<vmem_shared>>) target(%arg18 : memref<64x128xf32, #tpu.memory_space<vmem>>) target_semaphore(%run_scoped3A_553 : memref<!tpu.dma_semaphore, #tpu.memory_space<semaphore_mem>>)
      %dma_wait3A_558 = arith.constant 0 : i32
      %dma_wait3A_559 = tpu.memref_slice %arg9[%mul3A_374, %dma_wait3A_558] : memref<4096x128xf32, #tpu.memory_space<vmem_shared>> -> memref<64x128xf32, #tpu.memory_space<vmem_shared>>
      %dma_wait3A_560 = arith.constant 0 : i32
      %dma_wait3A_561 = tpu.memref_slice %arg9[%mul3A_374, %dma_wait3A_560] : memref<4096x128xf32, #tpu.memory_space<vmem_shared>> -> memref<64x128xf32, #tpu.memory_space<vmem_shared>>
      tpu.wait_dma2 semaphore(%run_scoped3A_553 : memref<!tpu.dma_semaphore, #tpu.memory_space<semaphore_mem>>) src(%dma_wait3A_561 : memref<64x128xf32, #tpu.memory_space<vmem_shared>>) dst(%arg18 : memref<64x128xf32, #tpu.memory_space<vmem>>)
      tpu.yield
    }) : () -> ()
    %dma_start3A_514 = arith.constant 2 : i32
    %dma_start3A_515 = arith.constant 0 : i32
    %dma_start3A_516 = tpu.memref_slice %arg5[%arg0, %dma_start3A_514, %mul3A_374, %dma_start3A_515] : memref<2x3x4096x128xf32, #tpu.memory_space<hbm>> -> memref<1x1x64x128xf32, #tpu.memory_space<hbm>>
    %dma_start3A_517 = tpu.memref_squeeze %dma_start3A_516 : memref<1x1x64x128xf32, #tpu.memory_space<hbm>> -> memref<64x128xf32, #tpu.memory_space<hbm>>
    %dma_start3A_518 = arith.constant 0 : i32
    %dma_start3A_519 = tpu.memref_slice %arg5[%arg0, %dma_start3A_514, %mul3A_374, %dma_start3A_518] : memref<2x3x4096x128xf32, #tpu.memory_space<hbm>> -> memref<1x1x64x128xf32, #tpu.memory_space<hbm>>
    %dma_start3A_520 = tpu.memref_squeeze %dma_start3A_519 : memref<1x1x64x128xf32, #tpu.memory_space<hbm>> -> memref<64x128xf32, #tpu.memory_space<hbm>>
    tpu.enqueue_dma source(%arg18 : memref<64x128xf32, #tpu.memory_space<vmem>>) target(%dma_start3A_520 : memref<64x128xf32, #tpu.memory_space<hbm>>) target_semaphore(%arg21 : memref<!tpu.dma_semaphore, #tpu.memory_space<semaphore_mem>>)
    %dma_wait3A_521 = arith.constant 2 : i32
    %dma_wait3A_522 = arith.constant 0 : i32
    %dma_wait3A_523 = tpu.memref_slice %arg5[%arg0, %dma_wait3A_521, %mul3A_368, %dma_wait3A_522] : memref<2x3x4096x128xf32, #tpu.memory_space<hbm>> -> memref<1x1x64x128xf32, #tpu.memory_space<hbm>>
    %dma_wait3A_524 = tpu.memref_squeeze %dma_wait3A_523 : memref<1x1x64x128xf32, #tpu.memory_space<hbm>> -> memref<64x128xf32, #tpu.memory_space<hbm>>
    %dma_wait3A_525 = arith.constant 0 : i32
    %dma_wait3A_526 = tpu.memref_slice %arg5[%arg0, %dma_wait3A_521, %mul3A_368, %dma_wait3A_525] : memref<2x3x4096x128xf32, #tpu.memory_space<hbm>> -> memref<1x1x64x128xf32, #tpu.memory_space<hbm>>
    %dma_wait3A_527 = tpu.memref_squeeze %dma_wait3A_526 : memref<1x1x64x128xf32, #tpu.memory_space<hbm>> -> memref<64x128xf32, #tpu.memory_space<hbm>>
    tpu.wait_dma2 semaphore(%arg22 : memref<!tpu.dma_semaphore, #tpu.memory_space<semaphore_mem>>) src(%arg19 : memref<64x128xf32, #tpu.memory_space<vmem>>) dst(%dma_wait3A_527 : memref<64x128xf32, #tpu.memory_space<hbm>>)
    "tpu.region"() ({
      %run_scoped3A_553 = tpu.sem_alloc : memref<!tpu.dma_semaphore, #tpu.memory_space<semaphore_mem>>
      %dma_start3A_554 = arith.constant 0 : i32
      %dma_start3A_555 = tpu.memref_slice %arg9[%mul3A_380, %dma_start3A_554] : memref<4096x128xf32, #tpu.memory_space<vmem_shared>> -> memref<64x128xf32, #tpu.memory_space<vmem_shared>>
      %dma_start3A_556 = arith.constant 0 : i32
      %dma_start3A_557 = tpu.memref_slice %arg9[%mul3A_380, %dma_start3A_556] : memref<4096x128xf32, #tpu.memory_space<vmem_shared>> -> memref<64x128xf32, #tpu.memory_space<vmem_shared>>
      tpu.enqueue_dma source(%dma_start3A_557 : memref<64x128xf32, #tpu.memory_space<vmem_shared>>) target(%arg19 : memref<64x128xf32, #tpu.memory_space<vmem>>) target_semaphore(%run_scoped3A_553 : memref<!tpu.dma_semaphore, #tpu.memory_space<semaphore_mem>>)
      %dma_wait3A_558 = arith.constant 0 : i32
      %dma_wait3A_559 = tpu.memref_slice %arg9[%mul3A_380, %dma_wait3A_558] : memref<4096x128xf32, #tpu.memory_space<vmem_shared>> -> memref<64x128xf32, #tpu.memory_space<vmem_shared>>
      %dma_wait3A_560 = arith.constant 0 : i32
      %dma_wait3A_561 = tpu.memref_slice %arg9[%mul3A_380, %dma_wait3A_560] : memref<4096x128xf32, #tpu.memory_space<vmem_shared>> -> memref<64x128xf32, #tpu.memory_space<vmem_shared>>
      tpu.wait_dma2 semaphore(%run_scoped3A_553 : memref<!tpu.dma_semaphore, #tpu.memory_space<semaphore_mem>>) src(%dma_wait3A_561 : memref<64x128xf32, #tpu.memory_space<vmem_shared>>) dst(%arg19 : memref<64x128xf32, #tpu.memory_space<vmem>>)
      tpu.yield
    }) : () -> ()
    %dma_start3A_528 = arith.constant 2 : i32
    %dma_start3A_529 = arith.constant 0 : i32
    %dma_start3A_530 = tpu.memref_slice %arg5[%arg0, %dma_start3A_528, %mul3A_380, %dma_start3A_529] : memref<2x3x4096x128xf32, #tpu.memory_space<hbm>> -> memref<1x1x64x128xf32, #tpu.memory_space<hbm>>
    %dma_start3A_531 = tpu.memref_squeeze %dma_start3A_530 : memref<1x1x64x128xf32, #tpu.memory_space<hbm>> -> memref<64x128xf32, #tpu.memory_space<hbm>>
    %dma_start3A_532 = arith.constant 0 : i32
    %dma_start3A_533 = tpu.memref_slice %arg5[%arg0, %dma_start3A_528, %mul3A_380, %dma_start3A_532] : memref<2x3x4096x128xf32, #tpu.memory_space<hbm>> -> memref<1x1x64x128xf32, #tpu.memory_space<hbm>>
    %dma_start3A_534 = tpu.memref_squeeze %dma_start3A_533 : memref<1x1x64x128xf32, #tpu.memory_space<hbm>> -> memref<64x128xf32, #tpu.memory_space<hbm>>
    tpu.enqueue_dma source(%arg19 : memref<64x128xf32, #tpu.memory_space<vmem>>) target(%dma_start3A_534 : memref<64x128xf32, #tpu.memory_space<hbm>>) target_semaphore(%arg22 : memref<!tpu.dma_semaphore, #tpu.memory_space<semaphore_mem>>)
    %dma_wait3A_535 = arith.constant 2 : i32
    %dma_wait3A_536 = arith.constant 0 : i32
    %dma_wait3A_537 = tpu.memref_slice %arg5[%arg0, %dma_wait3A_535, %mul3A_374, %dma_wait3A_536] : memref<2x3x4096x128xf32, #tpu.memory_space<hbm>> -> memref<1x1x64x128xf32, #tpu.memory_space<hbm>>
    %dma_wait3A_538 = tpu.memref_squeeze %dma_wait3A_537 : memref<1x1x64x128xf32, #tpu.memory_space<hbm>> -> memref<64x128xf32, #tpu.memory_space<hbm>>
    %dma_wait3A_539 = arith.constant 0 : i32
    %dma_wait3A_540 = tpu.memref_slice %arg5[%arg0, %dma_wait3A_535, %mul3A_374, %dma_wait3A_539] : memref<2x3x4096x128xf32, #tpu.memory_space<hbm>> -> memref<1x1x64x128xf32, #tpu.memory_space<hbm>>
    %dma_wait3A_541 = tpu.memref_squeeze %dma_wait3A_540 : memref<1x1x64x128xf32, #tpu.memory_space<hbm>> -> memref<64x128xf32, #tpu.memory_space<hbm>>
    tpu.wait_dma2 semaphore(%arg21 : memref<!tpu.dma_semaphore, #tpu.memory_space<semaphore_mem>>) src(%arg18 : memref<64x128xf32, #tpu.memory_space<vmem>>) dst(%dma_wait3A_541 : memref<64x128xf32, #tpu.memory_space<hbm>>)
    %dma_wait3A_542 = arith.constant 2 : i32
    %dma_wait3A_543 = arith.constant 0 : i32
    %dma_wait3A_544 = tpu.memref_slice %arg5[%arg0, %dma_wait3A_542, %mul3A_380, %dma_wait3A_543] : memref<2x3x4096x128xf32, #tpu.memory_space<hbm>> -> memref<1x1x64x128xf32, #tpu.memory_space<hbm>>
    %dma_wait3A_545 = tpu.memref_squeeze %dma_wait3A_544 : memref<1x1x64x128xf32, #tpu.memory_space<hbm>> -> memref<64x128xf32, #tpu.memory_space<hbm>>
    %dma_wait3A_546 = arith.constant 0 : i32
    %dma_wait3A_547 = tpu.memref_slice %arg5[%arg0, %dma_wait3A_542, %mul3A_380, %dma_wait3A_546] : memref<2x3x4096x128xf32, #tpu.memory_space<hbm>> -> memref<1x1x64x128xf32, #tpu.memory_space<hbm>>
    %dma_wait3A_548 = tpu.memref_squeeze %dma_wait3A_547 : memref<1x1x64x128xf32, #tpu.memory_space<hbm>> -> memref<64x128xf32, #tpu.memory_space<hbm>>
    tpu.wait_dma2 semaphore(%arg22 : memref<!tpu.dma_semaphore, #tpu.memory_space<semaphore_mem>>) src(%arg19 : memref<64x128xf32, #tpu.memory_space<vmem>>) dst(%dma_wait3A_548 : memref<64x128xf32, #tpu.memory_space<hbm>>)
    %mul3A_549 = arith.constant 8 : i32
    %mul3A_550 = arith.muli %arg1, %mul3A_549 : i32
    "tpu.region"() ({
      %run_scoped3A_553 = tpu.sem_alloc : memref<!tpu.dma_semaphore, #tpu.memory_space<semaphore_mem>>
      %dma_start3A_554 = arith.constant 0 : i32
      %dma_start3A_555 = arith.constant 0 : i32
      %dma_start3A_556 = tpu.memref_slice %arg20[%dma_start3A_554, %dma_start3A_555] : memref<64x128xf32, #tpu.memory_space<vmem>> -> memref<8x128xf32, #tpu.memory_space<vmem>>
      %dma_start3A_557 = arith.constant 0 : i32
      %dma_start3A_558 = tpu.memref_slice %arg10[%mul3A_550, %dma_start3A_557] : memref<128x128xf32, #tpu.memory_space<vmem_shared>> -> memref<8x128xf32, #tpu.memory_space<vmem_shared>>
      %dma_start3A_559 = arith.constant 0 : i32
      %dma_start3A_560 = arith.constant 0 : i32
      %dma_start3A_561 = tpu.memref_slice %arg20[%dma_start3A_559, %dma_start3A_560] : memref<64x128xf32, #tpu.memory_space<vmem>> -> memref<8x128xf32, #tpu.memory_space<vmem>>
      %dma_start3A_562 = arith.constant 0 : i32
      %dma_start3A_563 = tpu.memref_slice %arg10[%mul3A_550, %dma_start3A_562] : memref<128x128xf32, #tpu.memory_space<vmem_shared>> -> memref<8x128xf32, #tpu.memory_space<vmem_shared>>
      tpu.enqueue_dma source(%dma_start3A_563 : memref<8x128xf32, #tpu.memory_space<vmem_shared>>) target(%dma_start3A_561 : memref<8x128xf32, #tpu.memory_space<vmem>>) target_semaphore(%run_scoped3A_553 : memref<!tpu.dma_semaphore, #tpu.memory_space<semaphore_mem>>)
      %dma_wait3A_564 = arith.constant 0 : i32
      %dma_wait3A_565 = arith.constant 0 : i32
      %dma_wait3A_566 = tpu.memref_slice %arg20[%dma_wait3A_564, %dma_wait3A_565] : memref<64x128xf32, #tpu.memory_space<vmem>> -> memref<8x128xf32, #tpu.memory_space<vmem>>
      %dma_wait3A_567 = arith.constant 0 : i32
      %dma_wait3A_568 = tpu.memref_slice %arg10[%mul3A_550, %dma_wait3A_567] : memref<128x128xf32, #tpu.memory_space<vmem_shared>> -> memref<8x128xf32, #tpu.memory_space<vmem_shared>>
      %dma_wait3A_569 = arith.constant 0 : i32
      %dma_wait3A_570 = arith.constant 0 : i32
      %dma_wait3A_571 = tpu.memref_slice %arg20[%dma_wait3A_569, %dma_wait3A_570] : memref<64x128xf32, #tpu.memory_space<vmem>> -> memref<8x128xf32, #tpu.memory_space<vmem>>
      %dma_wait3A_572 = arith.constant 0 : i32
      %dma_wait3A_573 = tpu.memref_slice %arg10[%mul3A_550, %dma_wait3A_572] : memref<128x128xf32, #tpu.memory_space<vmem_shared>> -> memref<8x128xf32, #tpu.memory_space<vmem_shared>>
      tpu.wait_dma2 semaphore(%run_scoped3A_553 : memref<!tpu.dma_semaphore, #tpu.memory_space<semaphore_mem>>) src(%dma_wait3A_573 : memref<8x128xf32, #tpu.memory_space<vmem_shared>>) dst(%dma_wait3A_571 : memref<8x128xf32, #tpu.memory_space<vmem>>)
      tpu.yield
    }) : () -> ()
    %mul3A_551 = arith.constant 8 : i32
    %mul3A_552 = arith.muli %arg1, %mul3A_551 : i32
    "tpu.region"() ({
      %run_scoped3A_553 = tpu.sem_alloc : memref<!tpu.dma_semaphore, #tpu.memory_space<semaphore_mem>>
      %dma_start3A_554 = arith.constant 0 : i32
      %dma_start3A_555 = arith.constant 0 : i32
      %dma_start3A_556 = tpu.memref_slice %arg20[%dma_start3A_554, %dma_start3A_555] : memref<64x128xf32, #tpu.memory_space<vmem>> -> memref<8x128xf32, #tpu.memory_space<vmem>>
      %dma_start3A_557 = arith.constant 0 : i32
      %dma_start3A_558 = tpu.memref_slice %arg6[%arg0, %mul3A_552, %dma_start3A_557] : memref<2x128x128xf32, #tpu.memory_space<hbm>> -> memref<1x8x128xf32, #tpu.memory_space<hbm>>
      %dma_start3A_559 = tpu.memref_squeeze %dma_start3A_558 : memref<1x8x128xf32, #tpu.memory_space<hbm>> -> memref<8x128xf32, #tpu.memory_space<hbm>>
      %dma_start3A_560 = arith.constant 0 : i32
      %dma_start3A_561 = tpu.memref_slice %arg6[%arg0, %mul3A_552, %dma_start3A_560] : memref<2x128x128xf32, #tpu.memory_space<hbm>> -> memref<1x8x128xf32, #tpu.memory_space<hbm>>
      %dma_start3A_562 = tpu.memref_squeeze %dma_start3A_561 : memref<1x8x128xf32, #tpu.memory_space<hbm>> -> memref<8x128xf32, #tpu.memory_space<hbm>>
      %dma_start3A_563 = arith.constant 0 : i32
      %dma_start3A_564 = arith.constant 0 : i32
      %dma_start3A_565 = tpu.memref_slice %arg20[%dma_start3A_563, %dma_start3A_564] : memref<64x128xf32, #tpu.memory_space<vmem>> -> memref<8x128xf32, #tpu.memory_space<vmem>>
      tpu.enqueue_dma source(%dma_start3A_565 : memref<8x128xf32, #tpu.memory_space<vmem>>) target(%dma_start3A_562 : memref<8x128xf32, #tpu.memory_space<hbm>>) target_semaphore(%run_scoped3A_553 : memref<!tpu.dma_semaphore, #tpu.memory_space<semaphore_mem>>)
      %dma_wait3A_566 = arith.constant 0 : i32
      %dma_wait3A_567 = arith.constant 0 : i32
      %dma_wait3A_568 = tpu.memref_slice %arg20[%dma_wait3A_566, %dma_wait3A_567] : memref<64x128xf32, #tpu.memory_space<vmem>> -> memref<8x128xf32, #tpu.memory_space<vmem>>
      %dma_wait3A_569 = arith.constant 0 : i32
      %dma_wait3A_570 = tpu.memref_slice %arg6[%arg0, %mul3A_552, %dma_wait3A_569] : memref<2x128x128xf32, #tpu.memory_space<hbm>> -> memref<1x8x128xf32, #tpu.memory_space<hbm>>
      %dma_wait3A_571 = tpu.memref_squeeze %dma_wait3A_570 : memref<1x8x128xf32, #tpu.memory_space<hbm>> -> memref<8x128xf32, #tpu.memory_space<hbm>>
      %dma_wait3A_572 = arith.constant 0 : i32
      %dma_wait3A_573 = tpu.memref_slice %arg6[%arg0, %mul3A_552, %dma_wait3A_572] : memref<2x128x128xf32, #tpu.memory_space<hbm>> -> memref<1x8x128xf32, #tpu.memory_space<hbm>>
      %dma_wait3A_574 = tpu.memref_squeeze %dma_wait3A_573 : memref<1x8x128xf32, #tpu.memory_space<hbm>> -> memref<8x128xf32, #tpu.memory_space<hbm>>
      %dma_wait3A_575 = arith.constant 0 : i32
      %dma_wait3A_576 = arith.constant 0 : i32
      %dma_wait3A_577 = tpu.memref_slice %arg20[%dma_wait3A_575, %dma_wait3A_576] : memref<64x128xf32, #tpu.memory_space<vmem>> -> memref<8x128xf32, #tpu.memory_space<vmem>>
      tpu.wait_dma2 semaphore(%run_scoped3A_553 : memref<!tpu.dma_semaphore, #tpu.memory_space<semaphore_mem>>) src(%dma_wait3A_577 : memref<8x128xf32, #tpu.memory_space<vmem>>) dst(%dma_wait3A_574 : memref<8x128xf32, #tpu.memory_space<hbm>>)
      tpu.yield
    }) : () -> ()
    return
  }
}

module attributes {stable_mosaic.version = 14 : i64} {
  func.func @_tc_body(%arg0: i32, %arg1: memref<1x1xf32, #tpu.memory_space<smem>>, %arg2: memref<1x1xf32, #tpu.memory_space<smem>>, %arg3: memref<2x1x1000x128xf32, #tpu.memory_space<vmem>>, %arg4: memref<1000x1xf32, #tpu.memory_space<vmem>>, %arg5: memref<1000x128xf32, #tpu.memory_space<vmem>>, %arg6: memref<1000x1xf32, #tpu.memory_space<vmem>>, %arg7: memref<128x128xf32, #tpu.memory_space<vmem>>, %arg8: memref<1x128xf32, #tpu.memory_space<vmem>>, %arg9: memref<128x128xf32, #tpu.memory_space<vmem>>, %arg10: memref<128x1xf32, #tpu.memory_space<vmem>>, %arg11: memref<1000x1xf32, #tpu.memory_space<vmem>>) attributes {dimension_semantics = [#tpu.dimension_semantics<arbitrary>], iteration_bounds = array<i64: 10>, scalar_prefetch = 0 : i64, scratch_operands = 0 : i64, tpu.core_type = #tpu.core_type<tc>, window_params = [{transform_indices = @transform_0, window_bounds = array<i64: 1, 1>}, {transform_indices = @transform_1, window_bounds = array<i64: 1, 1>}, {transform_indices = @transform_2, window_bounds = array<i64: 2, 1, 1000, 128>}, {transform_indices = @transform_3, window_bounds = array<i64: 1000, 1>}, {transform_indices = @transform_4, window_bounds = array<i64: 1000, 128>}, {transform_indices = @transform_5, window_bounds = array<i64: 1000, 1>}, {pipeline_mode = #tpu.pipeline_mode<synchronous>, transform_indices = @transform_6, window_bounds = array<i64: 128, 128>}, {pipeline_mode = #tpu.pipeline_mode<synchronous>, transform_indices = @transform_7, window_bounds = array<i64: 1, 128>}, {pipeline_mode = #tpu.pipeline_mode<synchronous>, transform_indices = @transform_8, window_bounds = array<i64: 128, 128>}, {pipeline_mode = #tpu.pipeline_mode<synchronous>, transform_indices = @transform_9, window_bounds = array<i64: 128, 1>}, {transform_indices = @transform_10, window_bounds = array<i64: 1000, 1>}]} {
    %get3A = arith.constant 0 : index
    %get3A_0 = arith.constant 0 : index
    %get3A_1 = arith.constant 0 : index
    %get3A_2 = arith.constant 0 : index
    %get3A_3 = vector.load %arg3[%get3A, %get3A_0, %get3A_1, %get3A_2] : memref<2x1x1000x128xf32, #tpu.memory_space<vmem>>, vector<1x1x1000x128xf32>
    %get3A_4 = vector.shape_cast %get3A_3 : vector<1x1x1000x128xf32> to vector<1000x128xf32>
    %get3A_5 = arith.constant 1 : index
    %get3A_6 = arith.constant 0 : index
    %get3A_7 = arith.constant 0 : index
    %get3A_8 = arith.constant 0 : index
    %get3A_9 = vector.load %arg3[%get3A_5, %get3A_6, %get3A_7, %get3A_8] : memref<2x1x1000x128xf32, #tpu.memory_space<vmem>>, vector<1x1x1000x128xf32>
    %get3A_10 = vector.shape_cast %get3A_9 : vector<1x1x1000x128xf32> to vector<1000x128xf32>
    %add3A = arith.addf %get3A_4, %get3A_10 : vector<1000x128xf32>
    %get3A_11 = arith.constant 0 : index
    %get3A_12 = arith.constant 0 : index
    %get3A_13 = vector.load %arg4[%get3A_11, %get3A_12] : memref<1000x1xf32, #tpu.memory_space<vmem>>, vector<1000x1xf32>
    %max3A = arith.constant 1.000000e+00 : f32
    %max3A_14 = vector.broadcast %max3A : f32 to vector<1000x1xf32>
    %max3A_15 = arith.maximumf %get3A_13, %max3A_14 : vector<1000x1xf32>
    %get3A_16 = arith.constant 0 : index
    %get3A_17 = arith.constant 0 : index
    %get3A_18 = vector.load %arg7[%get3A_16, %get3A_17] : memref<128x128xf32, #tpu.memory_space<vmem>>, vector<128x128xf32>
    %dot_general3A = arith.constant dense<0.000000e+00> : vector<1000x128xf32>
    %dot_general3A_19 = tpu.matmul %add3A, %get3A_18, %dot_general3A {dimension_numbers = #tpu.dot_dimension_numbers<[1], [0], [0], [1], [0, 0, 1, 1], [], []>, transpose_lhs_hint = false} : vector<1000x128xf32>, vector<128x128xf32>, vector<1000x128xf32> -> vector<1000x128xf32>
    %div3A = vector.broadcast %max3A_15 : vector<1000x1xf32> to vector<1000x128xf32>
    %div3A_20 = arith.divf %dot_general3A_19, %div3A : vector<1000x128xf32>
    %get3A_21 = arith.constant 0 : index
    %get3A_22 = arith.constant 0 : index
    %get3A_23 = vector.load %arg8[%get3A_21, %get3A_22] : memref<1x128xf32, #tpu.memory_space<vmem>>, vector<1x128xf32>
    %add3A_24 = vector.broadcast %get3A_23 : vector<1x128xf32> to vector<1000x128xf32>
    %add3A_25 = arith.addf %div3A_20, %add3A_24 : vector<1000x128xf32>
    %get3A_26 = arith.constant 0 : index
    %get3A_27 = arith.constant 0 : index
    %get3A_28 = vector.load %arg5[%get3A_26, %get3A_27] : memref<1000x128xf32, #tpu.memory_space<vmem>>, vector<1000x128xf32>
    %get3A_29 = arith.constant 0 : index
    %get3A_30 = arith.constant 0 : index
    %get3A_31 = vector.load %arg9[%get3A_29, %get3A_30] : memref<128x128xf32, #tpu.memory_space<vmem>>, vector<128x128xf32>
    %dot_general3A_32 = arith.constant dense<0.000000e+00> : vector<1000x128xf32>
    %dot_general3A_33 = tpu.matmul %get3A_28, %get3A_31, %dot_general3A_32 {dimension_numbers = #tpu.dot_dimension_numbers<[1], [0], [0], [1], [0, 0, 1, 1], [], []>, transpose_lhs_hint = false} : vector<1000x128xf32>, vector<128x128xf32>, vector<1000x128xf32> -> vector<1000x128xf32>
    %add3A_34 = arith.addf %add3A_25, %dot_general3A_33 : vector<1000x128xf32>
    %max3A_35 = arith.constant 0.000000e+00 : f32
    %max3A_36 = vector.broadcast %max3A_35 : f32 to vector<1000x128xf32>
    %max3A_37 = arith.maximumf %add3A_34, %max3A_36 : vector<1000x128xf32>
    %get3A_38 = arith.constant 0 : index
    %get3A_39 = arith.constant 0 : index
    %get3A_40 = vector.load %arg10[%get3A_38, %get3A_39] : memref<128x1xf32, #tpu.memory_space<vmem>>, vector<128x1xf32>
    %dot_general3A_41 = arith.constant dense<0.000000e+00> : vector<1000x1xf32>
    %dot_general3A_42 = tpu.matmul %max3A_37, %get3A_40, %dot_general3A_41 {dimension_numbers = #tpu.dot_dimension_numbers<[1], [0], [0], [1], [0, 0, 1, 1], [], []>, transpose_lhs_hint = false} : vector<1000x128xf32>, vector<128x1xf32>, vector<1000x1xf32> -> vector<1000x1xf32>
    %get3A_43 = arith.constant 0 : index
    %get3A_44 = arith.constant 0 : index
    %get3A_45 = memref.load %arg2[%get3A_43, %get3A_44] : memref<1x1xf32, #tpu.memory_space<smem>>
    %add3A_46 = vector.broadcast %get3A_45 : f32 to vector<1000x1xf32>
    %add3A_47 = arith.addf %dot_general3A_42, %add3A_46 : vector<1000x1xf32>
    %get3A_48 = arith.constant 0 : index
    %get3A_49 = arith.constant 0 : index
    %get3A_50 = memref.load %arg1[%get3A_48, %get3A_49] : memref<1x1xf32, #tpu.memory_space<smem>>
    %neg3A = arith.constant 0.000000e+00 : f32
    %neg3A_51 = arith.subf %neg3A, %get3A_50 : f32
    %exp3A = math.exp %neg3A_51 : f32
    %add3A_52 = arith.constant 1.000000e+00 : f32
    %add3A_53 = arith.addf %add3A_52, %exp3A : f32
    %div3A_54 = arith.constant 1.000000e+00 : f32
    %div3A_55 = arith.divf %div3A_54, %add3A_53 : f32
    %get3A_56 = arith.constant 0 : index
    %get3A_57 = arith.constant 0 : index
    %get3A_58 = vector.load %arg6[%get3A_56, %get3A_57] : memref<1000x1xf32, #tpu.memory_space<vmem>>, vector<1000x1xf32>
    %mul3A = vector.broadcast %div3A_55 : f32 to vector<1000x1xf32>
    %mul3A_59 = arith.mulf %mul3A, %get3A_58 : vector<1000x1xf32>
    %sub3A = arith.constant 1.000000e+00 : f32
    %sub3A_60 = arith.subf %sub3A, %div3A_55 : f32
    %mul3A_61 = vector.broadcast %sub3A_60 : f32 to vector<1000x1xf32>
    %mul3A_62 = arith.mulf %mul3A_61, %add3A_47 : vector<1000x1xf32>
    %add3A_63 = arith.addf %mul3A_59, %mul3A_62 : vector<1000x1xf32>
    %swap3A = arith.constant 0 : index
    %swap3A_64 = arith.constant 0 : index
    %swap3A_65 = vector.load %arg11[%swap3A, %swap3A_64] : memref<1000x1xf32, #tpu.memory_space<vmem>>, vector<1000x1xf32>
    tpu.vector_store %arg11[%swap3A, %swap3A_64], %add3A_63 {strides = array<i32>} : memref<1000x1xf32, #tpu.memory_space<vmem>>, vector<1000x1xf32>,
    return
  }
  func.func @transform_0(%arg0: i32) -> (i32, i32) {
    %c0_i32 = arith.constant 0 : i32
    %c0_i32_0 = arith.constant 0 : i32
    %c0_i32_1 = arith.constant 0 : i32
    return %c0_i32, %c0_i32_0 : i32, i32
  }
  func.func @transform_1(%arg0: i32) -> (i32, i32) {
    %c0_i32 = arith.constant 0 : i32
    %c0_i32_0 = arith.constant 0 : i32
    %c0_i32_1 = arith.constant 0 : i32
    return %c0_i32, %c0_i32_0 : i32, i32
  }
  func.func @transform_2(%arg0: i32) -> (i32, i32, i32, i32) {
    %jit3A = arith.constant 4 : i32
    %div3A = arith.divsi %arg0, %jit3A : i32
    %sign3A = arith.constant 0 : i32
    %sign3A_0 = arith.cmpi sgt, %arg0, %sign3A : i32
    %sign3A_1 = arith.extui %sign3A_0 : i1 to i32
    %sign3A_2 = arith.constant 0 : i32
    %sign3A_3 = arith.cmpi slt, %arg0, %sign3A_2 : i32
    %sign3A_4 = arith.extui %sign3A_3 : i1 to i32
    %sign3A_5 = arith.subi %sign3A_1, %sign3A_4 : i32
    %sign3A_6 = arith.constant 0 : i32
    %sign3A_7 = arith.cmpi sgt, %jit3A, %sign3A_6 : i32
    %sign3A_8 = arith.extui %sign3A_7 : i1 to i32
    %sign3A_9 = arith.constant 0 : i32
    %sign3A_10 = arith.cmpi slt, %jit3A, %sign3A_9 : i32
    %sign3A_11 = arith.extui %sign3A_10 : i1 to i32
    %sign3A_12 = arith.subi %sign3A_8, %sign3A_11 : i32
    %ne3A = arith.cmpi ne, %sign3A_5, %sign3A_12 : i32
    %rem3A = arith.remsi %arg0, %jit3A : i32
    %ne3A_13 = arith.constant 0 : i32
    %ne3A_14 = arith.cmpi ne, %rem3A, %ne3A_13 : i32
    %and3A = arith.andi %ne3A, %ne3A_14 : i1
    %sub3A = arith.constant 1 : i32
    %sub3A_15 = arith.subi %div3A, %sub3A : i32
    %select_n3A = arith.select %and3A, %sub3A_15, %div3A : i32
    %jit3A_16 = arith.constant 4 : i32
    %eq3A = arith.constant 0 : i32
    %eq3A_17 = arith.cmpi eq, %jit3A_16, %eq3A : i32
    %jit3A_18 = arith.constant 1 : i32
    %select_n3A_19 = arith.select %eq3A_17, %jit3A_18, %jit3A_16 : i32
    %rem3A_20 = arith.remsi %arg0, %select_n3A_19 : i32
    %ne3A_21 = arith.constant 0 : i32
    %ne3A_22 = arith.cmpi ne, %rem3A_20, %ne3A_21 : i32
    %lt3A = arith.constant 0 : i32
    %lt3A_23 = arith.cmpi slt, %rem3A_20, %lt3A : i32
    %lt3A_24 = arith.constant 0 : i32
    %lt3A_25 = arith.cmpi slt, %select_n3A_19, %lt3A_24 : i32
    %ne3A_26 = arith.xori %lt3A_23, %lt3A_25 : i1
    %and3A_27 = arith.andi %ne3A_26, %ne3A_22 : i1
    %add3A = arith.addi %rem3A_20, %select_n3A_19 : i32
    %select_n3A_28 = arith.select %and3A_27, %add3A, %rem3A_20 : i32
    %c0_i32 = arith.constant 0 : i32
    %c0_i32_29 = arith.constant 0 : i32
    %c0_i32_30 = arith.constant 0 : i32
    return %c0_i32, %select_n3A, %select_n3A_28, %c0_i32_29 : i32, i32, i32, i32
  }
  func.func @transform_3(%arg0: i32) -> (i32, i32) {
    %c0_i32 = arith.constant 0 : i32
    %c0_i32_0 = arith.constant 0 : i32
    return %arg0, %c0_i32 : i32, i32
  }
  func.func @transform_4(%arg0: i32) -> (i32, i32) {
    %c0_i32 = arith.constant 0 : i32
    %c0_i32_0 = arith.constant 0 : i32
    return %arg0, %c0_i32 : i32, i32
  }
  func.func @transform_5(%arg0: i32) -> (i32, i32) {
    %c0_i32 = arith.constant 0 : i32
    %c0_i32_0 = arith.constant 0 : i32
    return %arg0, %c0_i32 : i32, i32
  }
  func.func @transform_6(%arg0: i32) -> (i32, i32) {
    %c0_i32 = arith.constant 0 : i32
    %c0_i32_0 = arith.constant 0 : i32
    %c0_i32_1 = arith.constant 0 : i32
    return %c0_i32, %c0_i32_0 : i32, i32
  }
  func.func @transform_7(%arg0: i32) -> (i32, i32) {
    %c0_i32 = arith.constant 0 : i32
    %c0_i32_0 = arith.constant 0 : i32
    %c0_i32_1 = arith.constant 0 : i32
    return %c0_i32, %c0_i32_0 : i32, i32
  }
  func.func @transform_8(%arg0: i32) -> (i32, i32) {
    %c0_i32 = arith.constant 0 : i32
    %c0_i32_0 = arith.constant 0 : i32
    %c0_i32_1 = arith.constant 0 : i32
    return %c0_i32, %c0_i32_0 : i32, i32
  }
  func.func @transform_9(%arg0: i32) -> (i32, i32) {
    %c0_i32 = arith.constant 0 : i32
    %c0_i32_0 = arith.constant 0 : i32
    %c0_i32_1 = arith.constant 0 : i32
    return %c0_i32, %c0_i32_0 : i32, i32
  }
  func.func @transform_10(%arg0: i32) -> (i32, i32) {
    %c0_i32 = arith.constant 0 : i32
    %c0_i32_0 = arith.constant 0 : i32
    return %arg0, %c0_i32 : i32, i32
  }
}

</mosaic_0001>

<sc_bundles>
// kernel: kernel.4.cloned.1.call-start
scs
__scs_entry_jumppad:
0x0: {  	(pc) =	sbr.rel $0x88, $3  }
0x1: {  	(tag) =	ssettag $0x0;
	lr =	simm.s32 $0x1  }
0x2: {  	[smem:$0x3F98] =	sst lr;
	_ =	strace $0xD0000000  }
0x3: {  	_ = 	snop  }
0x4: {  	_ = 	snop  }
0x5: {  	_ = 	snop  }
0x6: {  	_ = 	snop  }
0x7: {  	_ = 	snop  }
__scs_overlays_trampoline_lowered:
0x8: {  	[smem:$0x3FA7] =	sst s0  }
0x9: {  	[smem:$0x3FA8] =	sst s1  }
0xa: {  	[smem:$0x3FA9] =	sst s2  }
0xb: {  	[smem:$0x3FAA] =	sst s3  }
0xc: {  	[smem:$0x3FAB] =	sst s4  }
0xd: {  	[smem:$0x3FAC] =	sst s5  }
0xe: {  	[smem:$0x3FAD] =	sst s6  }
0xf: {  	[smem:$0x3FAE] =	sst s7  }
0x10: {  	[smem:$0x3FAF] =	sst s8  }
0x11: {  	[smem:$0x3FB0] =	sst s9;
	s0 =	simm.s32 @!p0 $0x0  }
0x12: {  	s1 =	sld [smem:$0x3F96];
	s0 =	simm.s32 @p0 $0x1  }
0x13: {  	[smem:$0x3FB1] =	sst s0;
	s0 =	simm.s32 @!p1 $0x0  }
0x14: {  	s2 =	sld [smem:$0x3F95];
	s0 =	simm.s32 @p1 $0x1  }
0x15: {  	[smem:$0x3FB2] =	sst s0;
	s0 =	simm.s32 @!p2 $0x0  }
0x16: {  	s3 =	sld [smem:$0x3FDB];
	s0 =	simm.s32 @p2 $0x1  }
0x17: {  	s4 =	simm.s32 $0x1BF5;
	[smem:$0x3FB4] =	sst s0  }
0x18: {  	s0 =	sld [smem:$0x3F97];
	_ =	swait.ge [sflag:s4], $0x0  }
0x19: {  	s7 =	sld [smem:$0x3F98]  }
0x1a: {  	s8 =	sadd.s32 $0xFFFFE003, lr  }
0x1b: {  	s9 =	sadd.s32 $0xFFFFFEF7, lr;
	s5 =	simm.s32 $0xFFFFFFFF;
	p2 =	slt.u32 s8, $0xFFFFF086  }
0x1c: {  	p1 =	slt.u32 s9, $0xF7A;
	s5 =	simm.s32 @!p2 $0x0  }
0x1d: {  	s5 =	simm.s32 @p1 $0x1;
	p0 =	seq.s32 s7, s2  }
0x1e: {  	s7 =	smul.u32 @!p0 $0xF7A, s2;
	p2 =	seq.s32 @!p0 s5, $0x0  }
0x1f: {  	s9 =	smul.u32 $0xF7A, s1;
	s8 =	simm.s32 @!p0 $0x1BF5;
	p2 =	por !p2, p0  }
0x20: {  	[sflag:s8] =	ssyncset.s32 @!p0 $0xFFFFF086;
	s6 =	sadd.s32 @!p0 s3, s7;
	s7 =	simm.s32 @!p0 $0x108  }
0x21: {  	s3 =	sadd.s32 s3, s9;
	s6 =	sadd.s32 @!p0 $0x88, s6;
	s7 =	simm.s32 @p2 $0x1082  }
0x22: {  	[simem:s7], [sflag:s8] =	dma.local @!p0 [hbm:s6], $0xF7A  }
0x23: {  	s9 =	sor.u32 $0xD0000000, s2;
	s6 =	simm.s32 $0x108;
	_ =	swait.ge @!p0 [sflag:s8], $0x0  }
0x24: {  	s3 =	sadd.s32 $0x88, s3;
	s6 =	simm.s32 @!p1 $0x1082;
	[sflag:s4] =	ssyncset.s32 $0xFFFFF086  }
0x25: {  	[simem:s6], [sflag:s4] =	dma.local [hbm:s3], $0xF7A  }
0x26: {  	[smem:$0x3F98] =	sst s1;
	(tag) =	ssettag s2;
	_ =	strace s9  }
0x27: {  	s1 =	sld [smem:$0x3FA8]  }
0x28: {  	s2 =	sld [smem:$0x3FA9]  }
0x29: {  	s4 =	sld [smem:$0x3FAB]  }
0x2a: {  	p0 =	seq.s32 s5, $0x0;
	s5 =	sld [smem:$0x3FAC]  }
0x2b: {  	s6 =	sld [smem:$0x3FAD]  }
0x2c: {  	s7 =	sld [smem:$0x3FAE]  }
0x2d: {  	s3 =	simm.s32 $0x108;
	s8 =	sld [smem:$0x3FAF]  }
0x2e: {  	s3 =	simm.s32 @!p0 $0x1082;
	s9 =	sld [smem:$0x3FB0]  }
0x2f: {  	lr =	sadd.s32 s0, s3;
	s0 =	sld [smem:$0x3FA7]  }
0x30: {  	s3 =	sld [smem:$0x3FAA]  }
0x31: {  	[smem:$0x3FB3] =	sst s10  }
0x32: {  	s10 =	sld [smem:$0x3FB1];
	_ =	sdelay $0x3  }
0x33: {  	p0 =	seq.s32 s10, $0x1;
	s10 =	sld [smem:$0x3FB3];
	_ =	sdelay $0x3  }
0x34: {  	[smem:$0x3FB3] =	sst s10  }
0x35: {  	s10 =	sld [smem:$0x3FB2];
	_ =	sdelay $0x3  }
0x36: {  	p1 =	seq.s32 s10, $0x1;
	s10 =	sld [smem:$0x3FB3];
	_ =	sdelay $0x3  }
0x37: {  	[smem:$0x3FB3] =	sst s10  }
0x38: {  	s10 =	sld [smem:$0x3FB4]  }
0x39: {  	_ = 	snop;
	(pc) =	sbr.ind lr, $3  }
0x3a: {  	_ = 	snop  }
0x3b: {  	_ = 	snop  }
0x3c: {  	p2 =	seq.s32 s10, $0x1;
	s10 =	sld [smem:$0x3FB3]  }
0x3d: {  	_ =	shalt  }
0x3e: {  	_ =	shalt  }
0x3f: {  	_ =	shalt  }
0x40: {  	_ =	shalt  }
0x41: {  	_ =	shalt  }
0x42: {  	_ =	shalt  }
0x43: {  	_ =	shalt  }
0x44: {  	_ =	shalt  }
0x45: {  	_ =	shalt  }
0x46: {  	_ =	shalt  }
0x47: {  	_ =	shalt  }
0x48: {  	_ =	shalt  }
0x49: {  	_ =	shalt  }
0x4a: {  	_ =	shalt  }
0x4b: {  	_ =	shalt  }
0x4c: {  	_ =	shalt  }
0x4d: {  	_ =	shalt  }
0x4e: {  	_ =	shalt  }
0x4f: {  	_ =	shalt  }
0x50: {  	_ =	shalt  }
0x51: {  	_ =	shalt  }
0x52: {  	_ =	shalt  }
0x53: {  	_ =	shalt  }
0x54: {  	_ =	shalt  }
0x55: {  	_ =	shalt  }
0x56: {  	_ =	shalt  }
0x57: {  	_ =	shalt  }
0x58: {  	_ =	shalt  }
0x59: {  	_ =	shalt  }
0x5a: {  	_ =	shalt  }
0x5b: {  	_ =	shalt  }
0x5c: {  	_ =	shalt  }
0x5d: {  	_ =	shalt  }
0x5e: {  	_ =	shalt  }
0x5f: {  	_ =	shalt  }
0x60: {  	_ =	shalt  }
0x61: {  	_ =	shalt  }
0x62: {  	_ =	shalt  }
0x63: {  	_ =	shalt  }
0x64: {  	_ =	shalt  }
0x65: {  	_ =	shalt  }
0x66: {  	_ =	shalt  }
0x67: {  	_ =	shalt  }
0x68: {  	_ =	shalt  }
0x69: {  	_ =	shalt  }
0x6a: {  	_ =	shalt  }
0x6b: {  	_ =	shalt  }
0x6c: {  	_ =	shalt  }
0x6d: {  	_ =	shalt  }
0x6e: {  	_ =	shalt  }
0x6f: {  	_ =	shalt  }
0x70: {  	_ =	shalt  }
0x71: {  	_ =	shalt  }
0x72: {  	_ =	shalt  }
0x73: {  	_ =	shalt  }
0x74: {  	_ =	shalt  }
0x75: {  	_ =	shalt  }
0x76: {  	_ =	shalt  }
0x77: {  	_ =	shalt  }
0x78: {  	_ =	shalt  }
0x79: {  	_ =	shalt  }
0x7a: {  	_ =	shalt  }
0x7b: {  	_ =	shalt  }
0x7c: {  	_ =	shalt  }
0x7d: {  	_ =	shalt  }
0x7e: {  	_ =	shalt  }
0x7f: {  	_ =	shalt  }
0x80: {  	_ =	shalt  }
0x81: {  	_ =	shalt  }
0x82: {  	_ =	shalt  }
0x83: {  	_ =	shalt  }
0x84: {  	_ =	shalt  }
0x85: {  	_ =	shalt  }
0x86: {  	_ =	shalt  }
0x87: {  	_ =	shalt  }
.Lfunc_end0:
.L_simem_size_0:
called_computation_lowered:
.L_overlay_start_0:
0x88: {  	s2 =	sld [smem:$0x3FD9]  }
0x89: {  	s3 =	sld [smem:$0x3FFE];
	_ =	sdelay $0x1  }
0x8a: {  	s1 =	srdreg.scid  }
0x8b: {  	s0 =	sand.u32 $0x1, s1  }
0x8c: {  	s17 =	sshll.u32 s0, $0xA;
	s2 =	sadd.s32 s3, s2  }
0x8d: {  	s2 =	sadd.s32 s2, s17  }
0x8e: {  	[smem:$0x3FBF] =	sst s2  }
0x8f: {  	_ = 	snop  }
0x90: {  	s2 =	sld [smem:$0x3FC9];
	(tm) =	ssettm $0x1  }
0x91: {  	s18 =	sld [smem:$0x3FFB];
	_ =	sdelay $0x3  }
0x92: {  	_ =	strace s18  }
0x93: {  	s3 =	sld [smem:$0x3FFC];
	_ =	sdelay $0x3  }
0x94: {  	_ =	strace s3  }
0x95: {  	s3 =	sld [smem:$0x3FFD];
	_ =	sdelay $0x3  }
0x96: {  	_ =	strace s3  }
0x97: {  	_ =	strace $0x8FFFFFFF  }
0x98: {  	s19 =	sld [smem:$0x3FDB];
	_ =	sdelay $0x1  }
0x99: {  	s4 =	simm.s32 $_scs_section_size  }
0x9a: {  	s5 =	simm.s32 $_size__tile_overlayer_lowered;
	s6 =	simm.s32 $_tile_overlayer_lowered  }
0x9b: {  	s22 =	simm.s32 $0x1BFF;
	s21 =	sshll.u32 s6, $0x1;
	s3 =	sadd.s32 s4, s19  }
0x9c: {  	s7 =	simm.s32 $0x0;
	s20 =	sshll.u32 s5, $0x1;
	s5 =	sadd.s32 s21, s3  }
0x9d: {  	[timem:s7], [sflag:s22] =	dma.local [hbm:s5], s20  }
0x9e: {  	_ =	swait.ge [sflag:s22], s20  }
0x9f: {  	s4 =	ssub.s32 $0x0, s20;
	[sflag:s22] =	ssyncset.done $0x0  }
0xa0: {  	[sflag:s22] =	ssyncadd.s32 s4;
	_ =	sdelay $0x1  }
0xa1: {  	s23 =	simm.s32 $0x1B8B  }
0xa2: {  	_ =	swait.ge [sflag:s23], $0x1  }
0xa3: {  	[sflag:s23] =	ssyncset.done $0x0  }
0xa4: {  	s25 =	simm.s32 $0x1B8E;
	s24 =	sld [smem:$0x3FFE];
	[sflag:s23] =	ssyncadd.s32 $0xFFFFFFFF  }
0xa5: {  	s26 =	simm.s32 $execute0_lowered;
	[smem:$0x3FD2] =	sst s25  }
0xa6: {  	s5 =	sshll.u32 s26, $0x1;
	_ =	strace $0x80000046;
	[dreg:$0x1] =	wrdreg $0xFFFFFFFF  }
0xa7: {  	s28 =	simm.s32 $_size_execute0_lowered;
	s3 =	sadd.s32 s3, s5;
	[dreg:$0x0] =	wrdreg $0x0  }
0xa8: {  	s5 =	sshll.u32 s28, $0x1;
	[dreg:$0x2] =	wrdreg s3  }
0xa9: {  	[dreg:$0x3] =	wrdreg s5  }
0xaa: {  	[dreg:$0x4] =	wrdreg $0xC0  }
0xab: {  	_ =	task [dreg:s7], $0x5FFFF  }
0xac: {  	[dreg:$0x1] =	wrdreg $0xFFFFFFFF  }
0xad: {  	[dreg:$0x0] =	wrdreg $0x60  }
0xae: {  	[dreg:$0x2] =	wrdreg s2  }
0xaf: {  	[dreg:$0x3] =	wrdreg s24  }
0xb0: {  	[dreg:$0x4] =	wrdreg $0x0  }
0xb1: {  	[dreg:$0x5] =	wrdreg $0x80000  }
0xb2: {  	[dreg:$0x6] =	wrdreg $0x100000  }
0xb3: {  	[dreg:$0x7] =	wrdreg $0x180000  }
0xb4: {  	[dreg:$0x8] =	wrdreg $0x9  }
0xb5: {  	_ =	task.clear_ibuf [dreg:s7], $0x9FFFF;
	_ =	strace $0x90000046  }
0xb6: {  	s29 =	simm.s32 $0x9;
	_ =	strace $0x80000048  }
0xb7: {  	_ =	swait.ge [sflag:s29], $0x1  }
0xb8: {  	[sflag:s29] =	ssyncadd.s32 $0xFFFFFFFF  }
0xb9: {  	_ =	strace $0x90000048  }
0xba: {  	_ =	sfence  }
0xbb: {  	s30 =	sld [smem:$0x0];
	_ =	sdelay $0x2  }
0xbc: {  	s31 =	sshll.u32 s1, $0xD;
	s1 =	sshrl.u32 s1, $0x2  }
0xbd: {  	s3 =	sand.u32 $0x4000, s31;
	s1 =	sadd.s32 s1, s30  }
0xbe: {  	s0 =	sor.u32 s3, s0;
	s1 =	sshll.u32 s1, $0x11  }
0xbf: {  	s0 =	sor.u32 s1, s0  }
0xc0: {  	s0 =	sadd.s32 $0x8F2B, s0  }
0xc1: {  	[sflag:s0] =	ssyncadd.remote.s32 $0x1  }
0xc2: {  	_ =	sfence.sel $0xFFFF  }
0xc3: {  	[dreg:$0x0] =	wrdreg $0xFFFFFFFF;
	(pc) =	sbr.abs _section_cstart, $3  }
0xc4: {  	[dreg:$0x1] =	wrdreg $0xFFFFFFFF  }
0xc5: {  	_ =	task.clear_ibuf [dreg:s7], $0x2FFFF;
	_ =	strace $0x9FFFFFFF  }
0xc6: {  	(tm) =	ssettm $0x7FFFFFFF  }
0xc7: {  	_ =	shalt  }
tec
execute0_lowered:
.L_overlay_start_1:
0x0: {  	(tag) =	ssettag $0x1  }
0x1: {  	s1 =	rddreg [dreg:$0x0]  }
0x2: {  	s0 =	rddreg [dreg:$0x1]  }
0x3: {  	s2 =	rddreg [dreg:$0x2]  }
0x4: {  	s3 =	rddreg [dreg:$0x3]  }
0x5: {  	s4 =	rddreg [dreg:$0x4]  }
0x6: {  	s5 =	rddreg [dreg:$0x5]  }
0x7: {  	s6 =	simm.s32 $0x0;
	s7 =	srdreg.scid;
	s22 =	stileid.u32  }
0x8: {  	[smem:$0x7FF] =	sst s6;
	s8 =	sadd.s32 $0x29600, s0;
	s7 =	sand.u32 $0x1, s7  }
0x9: {  	s9 =	sadd.s32 $0xE00, s0;
	s11 =	sadd.s32 $0x4A600, s0;
	s12 =	sshll.u32 s22, $0x7  }
0xa: {  	_ =	strace $0x80000047;
	s10 =	ssub.s32 $0x2, s7;
	s14 =	smul.u32 $0x180000, s7  }
0xb: {  	s0 =	sadd.s32 s12, s0;
	s24 =	sshll.u32 s7, $0x4;
	s19 =	smul.u32 $0xA2000, s7  }
0xc: {  	s7 =	sshll.u32 s7, $0xB;
	s13 =	sshrl.u32 s10, $0x1;
	s12 =	sor.u32 s22, s24  }
0xd: {  	s0 =	sadd.s32 s7, s0;
	s10 =	ssub.s32 s10, s13;
	s13 =	sshll.u32 s22, $0xF  }
0xe: {  	s12 =	smul.u32 $0xA200, s12;
	s0 =	sadd.s32 $0x49600, s0;
	s15 =	sor.u32 $0x2000, s13  }
0xf: {  	s16 =	sor.u32 $0x4000, s13;
	s17 =	sor.u32 s13, s14;
	[dreg:$0x19] =	wrdreg s0  }
0x10: {  	s17 =	sshrl.u32 s17, $0x3;
	s25 =	sor.u32 s14, s16;
	s7 =	sshrl.u32 s12, $0x3  }
0x11: {  	s23 =	sadd.s32 s11, s17;
	s17 =	sshrl.u32 s25, $0x3;
	s25 =	sadd.s32 s15, s2  }
0x12: {  	s20 =	smul.u32 $0xA200, s22;
	s7 =	sadd.s32 s9, s7;
	[dreg:$0xc] =	wrdreg s25  }
0x13: {  	s21 =	sor.u32 $0x6000, s13;
	s18 =	sor.u32 s14, s15;
	[dreg:$0x18] =	wrdreg s7  }
0x14: {  	s12 =	sshll.u32 s22, $0xA;
	s25 =	sadd.s32 s13, s4;
	[dreg:$0x8] =	wrdreg s23  }
0x15: {  	s18 =	sshrl.u32 s18, $0x3;
	s22 =	sadd.s32 $0x20000, s23;
	[dreg:$0xf] =	wrdreg s25  }
0x16: {  	s14 =	sor.u32 s14, s21;
	s24 =	sadd.s32 s11, s18;
	[smem:$0x7FA] =	sst s22  }
0x17: {  	s14 =	sshrl.u32 s14, $0x3;
	s17 =	sadd.s32 s11, s17;
	[dreg:$0x9] =	wrdreg s24  }
0x18: {  	s18 =	sadd.s32 s20, s19;
	s14 =	sadd.s32 s11, s14;
	[dreg:$0xa] =	wrdreg s17  }
0x19: {  	s19 =	sadd.s32 $0x300, s18;
	s25 =	sadd.s32 s21, s4;
	[dreg:$0xb] =	wrdreg s14  }
0x1a: {  	s20 =	sshrl.u32 s19, $0x3;
	s19 =	sadd.s32 s13, s3;
	[dreg:$0x16] =	wrdreg s25  }
0x1b: {  	s26 =	sadd.s32 s13, s2;
	s13 =	sadd.s32 s16, s2;
	[dreg:$0xd] =	wrdreg s19  }
0x1c: {  	s25 =	sadd.s32 $0x20000, s14;
	[dreg:$0x11] =	wrdreg s13  }
0x1d: {  	s11 =	sadd.s32 s20, s9;
	[smem:$0x7FD] =	sst s25  }
0x1e: {  	s20 =	sadd.s32 s15, s3;
	[dreg:$0x7] =	wrdreg s11  }
0x1f: {  	s19 =	sadd.s32 s21, s2;
	[dreg:$0xe] =	wrdreg s20  }
0x20: {  	s13 =	smax.u32 s10, $0x1;
	[dreg:$0x14] =	wrdreg s19  }
0x21: {  	s11 =	sadd.s32 s15, s4;
	[dreg:$0x1a] =	wrdreg s13  }
0x22: {  	s15 =	sadd.s32 s16, s3;
	[dreg:$0x10] =	wrdreg s11  }
0x23: {  	s31 =	simm.s32 $0x18400;
	s16 =	sadd.s32 s16, s4;
	[dreg:$0x12] =	wrdreg s15  }
0x24: {  	s29 =	simm.s32 $0x40;
	s20 =	sadd.s32 s21, s3;
	[dreg:$0x13] =	wrdreg s16  }
0x25: {  	s30 =	simm.s32 $0x18880;
	s19 =	sadd.s32 $0x10000, s24;
	[dreg:$0x15] =	wrdreg s20  }
0x26: {  	s28 =	simm.s32 $0x18600;
	s21 =	sadd.s32 $0x10000, s14;
	[dreg:$0x1e] =	wrdreg s19  }
0x27: {  	s0 =	simm.s32 $0x18500;
	s11 =	sadd.s32 s12, s5;
	[smem:$0x7F9] =	sst s21  }
0x28: {  	s10 =	simm.s32 $0x18680;
	s15 =	sadd.s32 $0x200, s18;
	[dreg:$0x17] =	wrdreg s11  }
0x29: {  	s13 =	simm.s32 $0x1C880;
	s16 =	sadd.s32 $0x20, s7;
	[dreg:$0x1b] =	wrdreg s15  }
0x2a: {  	s14 =	simm.s32 $0x7;
	s18 =	sadd.s32 $0x10000, s23;
	[dreg:$0x1c] =	wrdreg s16  }
0x2b: {  	s20 =	sadd.s32 $0x10000, s17;
	s23 =	sadd.s32 $0x20000, s24;
	[dreg:$0x1d] =	wrdreg s18  }
0x2c: {  	s24 =	sadd.s32 $0x20000, s17;
	s12 =	simm.s32 $0x6;
	[dreg:$0x1f] =	wrdreg s20  }
0x2d: {  	v0 =	vlaneseq.u32;
	s7 =	simm.s32 $0x18780;
	s17 =	simm.s32 $0x1A880;
	[smem:$0x7FB] =	sst s23  }
0x2e: {  	v0 =	vmul.u32 $0x80, v0;
	s19 =	simm.s32 $0x18800;
	s21 =	simm.s32 $0x3;
	[smem:$0x7FC] =	sst s24  }
0x2f: {  	v1 =	vimm.f32 $0.0e+00;
	s11 =	simm.s32 $0x1;
	s15 =	simm.s32 $0x18700;
	s16 =	simm.s32 $0x4  }
0x30: {  	v2 =	vor.u32 $0x800, v0;
	v3 =	vor.u32 $0x1000, v0;
	v4 =	vor.u32 $0x1800, v0;
	s18 =	simm.s32 $0x5;
	s20 =	simm.s32 $0x2;
	s23 =	simm.s32 $0x0  }
.LBB2_1:
0x31: {  	s22 =	smov.u32 s26;
	s26 =	sand.u32 $0x7E00, s6  }
0x32: {  	[smem:$0x7F8] =	sst s23;
	s24 =	sand.u32 $0x70, s6;
	s25 =	sshrl.u32 s26, $0x2  }
0x33: {  	s23 =	simm.s32 $0x40;
	s25 =	sor.u32 s24, s25;
	s24 =	simm.s32 $0x0  }
.LBB2_2:
0x34: {  	p0 =	sne.s32 s23, $0x7FC0  }
0x35: {  	[tilespmem:s25+$0x1C880] =	vst v1;
	s24 =	sadd.s32 $0x10, s24;
	s25 =	smov.u32 s23;
	s23 =	sadd.s32 $0x40, s23  }
.Ltmp0:
0x36: {  	(pc) =	sbr.rel @p0 .LBB2_2-.Ltmp0, $4  }
0x37: {  	_ = 	snop  }
0x38: {  	s25 =	sand.u32 $0x7E00, s25  }
0x39: {  	s26 =	sand.u32 $0x70, s24;
	s25 =	sshrl.u32 s25, $0x2  }
0x3a: {  	s25 =	sor.u32 s26, s25  }
0x3b: {  	[tilespmem:s25+$0x1C880] =	vst v1  }
0x3c: {  	[spmem:s22] =	stream.linear.scatter [tilespmem:s13], [sflag:$0x6], $0x2000, $0x38;
	[tilespmem:$0x1E880] =	vst v63  }
0x3d: {  	s24 =	rddreg [dreg:$0xc]  }
0x3e: {  	[spmem:s24] =	stream.linear.scatter [tilespmem:s13], [sflag:$0x6], $0x2000, $0x38;
	[tilespmem:$0x1E880] =	vst v63  }
0x3f: {  	s25 =	rddreg [dreg:$0x11]  }
0x40: {  	[spmem:s25] =	stream.linear.scatter [tilespmem:s13], [sflag:$0x6], $0x2000, $0x38;
	[tilespmem:$0x1E880] =	vst v63  }
0x41: {  	s23 =	rddreg [dreg:$0x14]  }
0x42: {  	[spmem:s23] =	stream.linear.scatter [tilespmem:s13], [sflag:$0x6], $0x2000, $0x38;
	[tilespmem:$0x1E880] =	vst v63  }
0x43: {  	s24 =	rddreg [dreg:$0xd]  }
0x44: {  	[spmem:s24] =	stream.linear.scatter [tilespmem:s13], [sflag:$0x6], $0x2000, $0x38;
	[tilespmem:$0x1E880] =	vst v63  }
0x45: {  	s25 =	rddreg [dreg:$0xe]  }
0x46: {  	[spmem:s25] =	stream.linear.scatter [tilespmem:s13], [sflag:$0x6], $0x2000, $0x38;
	[tilespmem:$0x1E880] =	vst v63  }
0x47: {  	s23 =	rddreg [dreg:$0x12]  }
0x48: {  	[spmem:s23] =	stream.linear.scatter [tilespmem:s13], [sflag:$0x6], $0x2000, $0x38;
	[tilespmem:$0x1E880] =	vst v63  }
0x49: {  	s24 =	rddreg [dreg:$0x15]  }
0x4a: {  	[spmem:s24] =	stream.linear.scatter [tilespmem:s13], [sflag:$0x6], $0x2000, $0x38;
	[tilespmem:$0x1E880] =	vst v63  }
0x4b: {  	s25 =	rddreg [dreg:$0xf]  }
0x4c: {  	[spmem:s25] =	stream.linear.scatter [tilespmem:s13], [sflag:$0x6], $0x2000, $0x38;
	[tilespmem:$0x1E880] =	vst v63  }
0x4d: {  	s23 =	rddreg [dreg:$0x10]  }
0x4e: {  	[spmem:s23] =	stream.linear.scatter [tilespmem:s13], [sflag:$0x6], $0x2000, $0x38;
	[tilespmem:$0x1E880] =	vst v63  }
0x4f: {  	s24 =	rddreg [dreg:$0x13]  }
0x50: {  	[spmem:s24] =	stream.linear.scatter [tilespmem:s13], [sflag:$0x6], $0x2000, $0x38;
	[tilespmem:$0x1E880] =	vst v63  }
0x51: {  	s25 =	rddreg [dreg:$0x16]  }
0x52: {  	[spmem:s25] =	stream.linear.scatter [tilespmem:s13], [sflag:$0x6], $0x2000, $0x38;
	[tilespmem:$0x1E880] =	vst v63  }
0x53: {  	s23 =	rddreg [dreg:$0x17]  }
0x54: {  	[spmem:s23] =	stream.linear.scatter [tilespmem:s13], [sflag:$0x6], $0x400, $0x38;
	[tilespmem:$0x1E880] =	vst v63  }
0x55: {  	_ =	swait.ge [sflag:s12], $0x2000  }
0x56: {  	[sflag:s12] =	ssyncset.done $0x0  }
0x57: {  	[sflag:s12] =	ssyncadd.s32 $0xFFFFE000  }
0x58: {  	_ =	swait.ge [sflag:s12], $0x2000  }
0x59: {  	[sflag:s12] =	ssyncset.done $0x0  }
0x5a: {  	[sflag:s12] =	ssyncadd.s32 $0xFFFFE000  }
0x5b: {  	_ =	swait.ge [sflag:s12], $0x2000  }
0x5c: {  	[sflag:s12] =	ssyncset.done $0x0  }
0x5d: {  	[sflag:s12] =	ssyncadd.s32 $0xFFFFE000  }
0x5e: {  	_ =	swait.ge [sflag:s12], $0x2000  }
0x5f: {  	[sflag:s12] =	ssyncset.done $0x0  }
0x60: {  	[sflag:s12] =	ssyncadd.s32 $0xFFFFE000  }
0x61: {  	_ =	swait.ge [sflag:s12], $0x2000  }
0x62: {  	[sflag:s12] =	ssyncset.done $0x0  }
0x63: {  	[sflag:s12] =	ssyncadd.s32 $0xFFFFE000  }
0x64: {  	_ =	swait.ge [sflag:s12], $0x2000  }
0x65: {  	[sflag:s12] =	ssyncset.done $0x0  }
0x66: {  	[sflag:s12] =	ssyncadd.s32 $0xFFFFE000  }
0x67: {  	_ =	swait.ge [sflag:s12], $0x2000  }
0x68: {  	[sflag:s12] =	ssyncset.done $0x0  }
0x69: {  	[sflag:s12] =	ssyncadd.s32 $0xFFFFE000  }
0x6a: {  	_ =	swait.ge [sflag:s12], $0x2000  }
0x6b: {  	[sflag:s12] =	ssyncset.done $0x0  }
0x6c: {  	[sflag:s12] =	ssyncadd.s32 $0xFFFFE000  }
0x6d: {  	_ =	swait.ge [sflag:s12], $0x2000  }
0x6e: {  	[sflag:s12] =	ssyncset.done $0x0  }
0x6f: {  	[sflag:s12] =	ssyncadd.s32 $0xFFFFE000  }
0x70: {  	_ =	swait.ge [sflag:s12], $0x2000  }
0x71: {  	[sflag:s12] =	ssyncset.done $0x0  }
0x72: {  	[sflag:s12] =	ssyncadd.s32 $0xFFFFE000  }
0x73: {  	_ =	swait.ge [sflag:s12], $0x2000  }
0x74: {  	[sflag:s12] =	ssyncset.done $0x0  }
0x75: {  	[sflag:s12] =	ssyncadd.s32 $0xFFFFE000  }
0x76: {  	_ =	swait.ge [sflag:s12], $0x2000  }
0x77: {  	[sflag:s12] =	ssyncset.done $0x0  }
0x78: {  	[sflag:s12] =	ssyncadd.s32 $0xFFFFE000  }
0x79: {  	_ =	swait.ge [sflag:s12], $0x400  }
0x7a: {  	[sflag:s12] =	ssyncset.done $0x0  }
0x7b: {  	[sflag:s12] =	ssyncadd.s32 $0xFFFFFC00  }
0x7c: {  	[bflag:$0x0] =	sbarrier.arrive $0xFFFF  }
0x7d: {  	s23 =	simm.s32 $0x0;
	s24 =	rddreg [dreg:$0x18]  }
0x7e: {  	[tilespmem:s31], [sflag:$0x7] =	stream.linear.gather [hbm4b:s24+s23], $0x100, $0x38;
	[tilespmem:$0x1E880] =	vst v63  }
0x7f: {  	_ =	swait.ge [sflag:s14], $0x100  }
0x80: {  	[sflag:s14] =	ssyncset.done $0x0  }
0x81: {  	s25 =	rddreg [dreg:$0x1c];
	[sflag:s14] =	ssyncadd.s32 $0xFFFFFF00  }
0x82: {  	[tilespmem:s30], [sflag:$0x1] =	stream.indirect.gather [hbm4b:s1+s29], $0x80, s31, s29, $0xb8;
	[tilespmem:$0x1E880] =	vst v63  }
0x83: {  	s26 =	smov.u32 s22;
	s24 =	rddreg [dreg:$0x1b]  }
0x84: {  	[tilespmem:s0], [sflag:$0x4] =	stream.linear.gather [hbm4b:s25+s23], $0x100, $0x38;
	[tilespmem:$0x1E880] =	vst v63  }
.LBB2_4:
0x85: {  	v5 =	vld [tilespmem:$0x18480];
	_ =	sdelay $0x4  }
0x86: {  	v7 =	vld [tilespmem:$0x18490];
	v6 =	vand.u32 $0x3F, v5  }
0x87: {  	vm0 =	vgt.s32 v5, $0xF9F;
	v8 =	vadd.s32 $0xFFFFF060, v5;
	v6 =	vadd.s32 $0xFA0, v6  }
0x88: {  	vm6 =	vlt.u32 v8, $0xFA0;
	v9 =	vsel vm0, v6, v5  }
0x89: {  	vm1 =	vgt.s32 v5, $0x1F3F;
	v48 =	vadd.s32 $0xFFFFE0C0, v5;
	v8 =	vsel vm6, v8, v6;
	[tilespmem:$0x18600] =	vst v9  }
0x8a: {  	v49 =	vand.u32 $0x7F, v5;
	v6 =	vsel vm1, v48, v6;
	[tilespmem:$0x18680] =	vst v8  }
0x8b: {  	v51 =	vld [tilespmem:$0x184A0];
	v50 =	vand.u32 $0x3F, v7;
	vm7 =	vgt.s32 v7, $0xF9F;
	[tilespmem:$0x18700] =	vst v6;
	v6 =	vor.u32 v0, v49  }
0x8c: {  	v52 =	vadd.s32 $0xFFFFF060, v7;
	v5 =	vshra.s32 v5, $0x7;
	[tilespmem:$0x18780] =	vst v6;
	v6 =	vadd.s32 $0xFA0, v50  }
0x8d: {  	vm8 =	vlt.u32 v52, $0xFA0;
	[tilespmem:$0x18800] =	vst v5;
	v5 =	vsel vm7, v6, v7  }
0x8e: {  	vm9 =	vgt.s32 v7, $0x1F3F;
	v53 =	vadd.s32 $0xFFFFE0C0, v7;
	[tilespmem:$0x18610] =	vst v5;
	v5 =	vsel vm8, v52, v6  }
0x8f: {  	[tilespmem:$0x18690] =	vst v5;
	v5 =	vsel vm9, v53, v6;
	v6 =	vand.u32 $0x7F, v7  }
0x90: {  	v54 =	vld [tilespmem:$0x184B0];
	[tilespmem:$0x18710] =	vst v5;
	v5 =	vor.u32 v2, v6;
	v6 =	vshra.s32 v7, $0x7;
	v7 =	vand.u32 $0x3F, v51  }
0x91: {  	vm10 =	vgt.s32 v51, $0xF9F;
	[tilespmem:$0x18790] =	vst v5;
	v5 =	vadd.s32 $0xFA0, v7;
	v7 =	vadd.s32 $0xFFFFF060, v51  }
0x92: {  	[tilespmem:$0x18810] =	vst v6;
	v6 =	vsel vm10, v5, v51;
	vm11 =	vlt.u32 v7, $0xFA0  }
0x93: {  	vm12 =	vgt.s32 v51, $0x1F3F;
	[tilespmem:$0x18620] =	vst v6;
	v6 =	vsel vm11, v7, v5;
	v7 =	vadd.s32 $0xFFFFE0C0, v51  }
0x94: {  	[tilespmem:$0x186A0] =	vst v6;
	v5 =	vsel vm12, v7, v5;
	v6 =	vand.u32 $0x7F, v51  }
0x95: {  	vm13 =	vgt.s32 v54, $0xF9F;
	v7 =	vand.u32 $0x3F, v54;
	[tilespmem:$0x18720] =	vst v5;
	v5 =	vor.u32 v3, v6  }
0x96: {  	v6 =	vshra.s32 v51, $0x7;
	[tilespmem:$0x187A0] =	vst v5;
	v5 =	vadd.s32 $0xFA0, v7;
	v7 =	vadd.s32 $0xFFFFF060, v54  }
0x97: {  	[tilespmem:$0x18820] =	vst v6;
	v6 =	vsel vm13, v5, v54;
	vm14 =	vlt.u32 v7, $0xFA0  }
0x98: {  	vm15 =	vgt.s32 v54, $0x1F3F;
	[tilespmem:$0x18630] =	vst v6;
	v6 =	vsel vm14, v7, v5;
	v7 =	vadd.s32 $0xFFFFE0C0, v54  }
0x99: {  	[tilespmem:$0x186B0] =	vst v6;
	v5 =	vsel vm15, v7, v5;
	v6 =	vand.u32 $0x7F, v54  }
0x9a: {  	[tilespmem:$0x18730] =	vst v5;
	v5 =	vor.u32 v4, v6  }
0x9b: {  	[tilespmem:$0x187B0] =	vst v5;
	v5 =	vshra.s32 v54, $0x7  }
0x9c: {  	[tilespmem:$0x18830] =	vst v5  }
0x9d: {  	[tilespmem:s13], [sflag:$0x5] =	stream.indirect.gather [hbm4b:s8+s29], $0x80, s7, s29, $0xb8;
	[tilespmem:$0x1E880] =	vst v63  }
0x9e: {  	_ =	swait.ge [sflag:s11], $0x2000  }
0x9f: {  	[sflag:s11] =	ssyncset.done $0x0  }
0xa0: {  	[sflag:s11] =	ssyncadd.s32 $0xFFFFE000  }
0xa1: {  	[spmem:s2] =	stream.indirect.scatter.add.f32 [tilespmem:s30], [sflag:$0x6], $0x80, s28, s29, $0xb8;
	[tilespmem:$0x1E880] =	vst v63  }
0xa2: {  	_ = 	snop  }
0xa3: {  	[spmem:s3] =	stream.indirect.scatter.add.f32 [tilespmem:s30], [sflag:$0x6], $0x80, s10, s29, $0xb8;
	[tilespmem:$0x1E880] =	vst v63  }
0xa4: {  	_ = 	snop  }
0xa5: {  	[spmem:s4] =	stream.indirect.scatter.add.f32 [tilespmem:s30], [sflag:$0x6], $0x80, s15, s29, $0xb8;
	[tilespmem:$0x1E880] =	vst v63  }
0xa6: {  	_ =	swait.ge [sflag:s16], $0x100  }
0xa7: {  	[sflag:s16] =	ssyncset.done $0x0  }
0xa8: {  	s25 =	sshrl.u32 s24, $0x3;
	[sflag:s16] =	ssyncadd.s32 $0xFFFFFF00  }
0xa9: {  	[tilespmem:s17], [sflag:$0x2] =	stream.indirect.gather [hbm4b:s1+s29], $0x80, s0, s29, $0xb8;
	[tilespmem:$0x1E880] =	vst v63  }
0xaa: {  	s25 =	sadd.s32 s9, s25  }
0xab: {  	[tilespmem:s31], [sflag:$0x3] =	stream.linear.gather [hbm4b:s25+s6], $0x100, $0x38;
	[tilespmem:$0x1E880] =	vst v63  }
0xac: {  	_ =	swait.ge [sflag:s18], $0x2000  }
0xad: {  	[sflag:s18] =	ssyncset.done $0x0  }
0xae: {  	[sflag:s18] =	ssyncadd.s32 $0xFFFFE000  }
0xaf: {  	[spmem:s5] =	stream.indirect.scatter.add.f32 [tilespmem:s13], [sflag:$0x6], $0x80, s19, s29, $0xb8;
	[tilespmem:$0x1E880] =	vst v63  }
0xb0: {  	_ =	swait.ge [sflag:s12], $0x2000  }
0xb1: {  	[sflag:s12] =	ssyncset.done $0x0  }
0xb2: {  	[sflag:s12] =	ssyncadd.s32 $0xFFFFE000  }
0xb3: {  	_ =	swait.ge [sflag:s12], $0x2000  }
0xb4: {  	[sflag:s12] =	ssyncset.done $0x0  }
0xb5: {  	[sflag:s12] =	ssyncadd.s32 $0xFFFFE000  }
0xb6: {  	_ =	swait.ge [sflag:s12], $0x2000  }
0xb7: {  	[sflag:s12] =	ssyncset.done $0x0  }
0xb8: {  	[sflag:s12] =	ssyncadd.s32 $0xFFFFE000  }
0xb9: {  	_ =	swait.ge [sflag:s12], $0x2000  }
0xba: {  	[sflag:s12] =	ssyncset.done $0x0  }
0xbb: {  	[sflag:s12] =	ssyncadd.s32 $0xFFFFE000  }
0xbc: {  	v5 =	vld [tilespmem:$0x18580];
	_ =	sdelay $0x4  }
0xbd: {  	v7 =	vld [tilespmem:$0x18590];
	v6 =	vand.u32 $0x3F, v5  }
0xbe: {  	vm4 =	vgt.s32 v5, $0xF9F;
	v55 =	vadd.s32 $0xFFFFF060, v5;
	v6 =	vadd.s32 $0xFA0, v6  }
0xbf: {  	vm5 =	vlt.u32 v55, $0xFA0;
	v56 =	vsel vm4, v6, v5  }
0xc0: {  	vm6 =	vgt.s32 v5, $0x1F3F;
	v57 =	vadd.s32 $0xFFFFE0C0, v5;
	v8 =	vsel vm5, v55, v6;
	[tilespmem:$0x18600] =	vst v56  }
0xc1: {  	v58 =	vand.u32 $0x7F, v5;
	v6 =	vsel vm6, v57, v6;
	[tilespmem:$0x18680] =	vst v8  }
0xc2: {  	v60 =	vld [tilespmem:$0x185A0];
	v59 =	vand.u32 $0x3F, v7;
	vm7 =	vgt.s32 v7, $0xF9F;
	[tilespmem:$0x18700] =	vst v6;
	v6 =	vor.u32 v0, v58  }
0xc3: {  	v61 =	vadd.s32 $0xFFFFF060, v7;
	v5 =	vshra.s32 v5, $0x7;
	[tilespmem:$0x18780] =	vst v6;
	v6 =	vadd.s32 $0xFA0, v59  }
0xc4: {  	vm8 =	vlt.u32 v61, $0xFA0;
	[tilespmem:$0x18800] =	vst v5;
	v5 =	vsel vm7, v6, v7  }
0xc5: {  	vm9 =	vgt.s32 v7, $0x1F3F;
	v62 =	vadd.s32 $0xFFFFE0C0, v7;
	[tilespmem:$0x18610] =	vst v5;
	v5 =	vsel vm8, v61, v6  }
0xc6: {  	[tilespmem:$0x18690] =	vst v5;
	v5 =	vsel vm9, v62, v6;
	v6 =	vand.u32 $0x7F, v7  }
0xc7: {  	v63 =	vld [tilespmem:$0x185B0];
	[tilespmem:$0x18710] =	vst v5;
	v5 =	vor.u32 v2, v6;
	v6 =	vshra.s32 v7, $0x7;
	v7 =	vand.u32 $0x3F, v60  }
0xc8: {  	vm10 =	vgt.s32 v60, $0xF9F;
	[tilespmem:$0x18790] =	vst v5;
	v5 =	vadd.s32 $0xFA0, v7;
	v7 =	vadd.s32 $0xFFFFF060, v60  }
0xc9: {  	[tilespmem:$0x18810] =	vst v6;
	v6 =	vsel vm10, v5, v60;
	vm11 =	vlt.u32 v7, $0xFA0  }
0xca: {  	vm12 =	vgt.s32 v60, $0x1F3F;
	[tilespmem:$0x18620] =	vst v6;
	v6 =	vsel vm11, v7, v5;
	v7 =	vadd.s32 $0xFFFFE0C0, v60  }
0xcb: {  	[tilespmem:$0x186A0] =	vst v6;
	v5 =	vsel vm12, v7, v5;
	v6 =	vand.u32 $0x7F, v60  }
0xcc: {  	vm13 =	vgt.s32 v63, $0xF9F;
	v7 =	vand.u32 $0x3F, v63;
	[tilespmem:$0x18720] =	vst v5;
	v5 =	vor.u32 v3, v6  }
0xcd: {  	v6 =	vshra.s32 v60, $0x7;
	[tilespmem:$0x187A0] =	vst v5;
	v5 =	vadd.s32 $0xFA0, v7;
	v7 =	vadd.s32 $0xFFFFF060, v63  }
0xce: {  	[tilespmem:$0x18820] =	vst v6;
	v6 =	vsel vm13, v5, v63;
	vm14 =	vlt.u32 v7, $0xFA0  }
0xcf: {  	vm15 =	vgt.s32 v63, $0x1F3F;
	[tilespmem:$0x18630] =	vst v6;
	v6 =	vsel vm14, v7, v5;
	v7 =	vadd.s32 $0xFFFFE0C0, v63  }
0xd0: {  	[tilespmem:$0x186B0] =	vst v6;
	v5 =	vsel vm15, v7, v5;
	v6 =	vand.u32 $0x7F, v63  }
0xd1: {  	[tilespmem:$0x18730] =	vst v5;
	v5 =	vor.u32 v4, v6  }
0xd2: {  	[tilespmem:$0x187B0] =	vst v5;
	v5 =	vshra.s32 v63, $0x7  }
0xd3: {  	[tilespmem:$0x18830] =	vst v5  }
0xd4: {  	[tilespmem:s13], [sflag:$0x5] =	stream.indirect.gather [hbm4b:s8+s29], $0x80, s7, s29, $0xb8;
	[tilespmem:$0x1E880] =	vst v63  }
0xd5: {  	_ =	swait.ge [sflag:s20], $0x2000  }
0xd6: {  	[sflag:s20] =	ssyncset.done $0x0  }
0xd7: {  	[sflag:s20] =	ssyncadd.s32 $0xFFFFE000  }
0xd8: {  	[spmem:s2] =	stream.indirect.scatter.add.f32 [tilespmem:s17], [sflag:$0x6], $0x80, s28, s29, $0xb8;
	[tilespmem:$0x1E880] =	vst v63  }
0xd9: {  	_ = 	snop  }
0xda: {  	[spmem:s3] =	stream.indirect.scatter.add.f32 [tilespmem:s17], [sflag:$0x6], $0x80, s10, s29, $0xb8;
	[tilespmem:$0x1E880] =	vst v63  }
0xdb: {  	_ = 	snop  }
0xdc: {  	[spmem:s4] =	stream.indirect.scatter.add.f32 [tilespmem:s17], [sflag:$0x6], $0x80, s15, s29, $0xb8;
	[tilespmem:$0x1E880] =	vst v63  }
0xdd: {  	_ =	swait.ge [sflag:s21], $0x100  }
0xde: {  	[sflag:s21] =	ssyncset.done $0x0  }
0xdf: {  	s22 =	rddreg [dreg:$0x7];
	[sflag:s21] =	ssyncadd.s32 $0xFFFFFF00  }
0xe0: {  	[tilespmem:s30], [sflag:$0x1] =	stream.indirect.gather [hbm4b:s1+s29], $0x80, s31, s29, $0xb8;
	[tilespmem:$0x1E880] =	vst v63  }
0xe1: {  	s25 =	sadd.s32 s23, s22  }
0xe2: {  	[tilespmem:s0], [sflag:$0x4] =	stream.linear.gather [hbm4b:s25+s6], $0x100, $0x38;
	[tilespmem:$0x1E880] =	vst v63  }
0xe3: {  	_ =	swait.ge [sflag:s18], $0x2000  }
0xe4: {  	[sflag:s18] =	ssyncset.done $0x0  }
0xe5: {  	[sflag:s18] =	ssyncadd.s32 $0xFFFFE000  }
0xe6: {  	[spmem:s5] =	stream.indirect.scatter.add.f32 [tilespmem:s13], [sflag:$0x6], $0x80, s19, s29, $0xb8;
	[tilespmem:$0x1E880] =	vst v63  }
0xe7: {  	_ =	swait.ge [sflag:s12], $0x2000  }
0xe8: {  	[sflag:s12] =	ssyncset.done $0x0  }
0xe9: {  	[sflag:s12] =	ssyncadd.s32 $0xFFFFE000  }
0xea: {  	_ =	swait.ge [sflag:s12], $0x2000  }
0xeb: {  	[sflag:s12] =	ssyncset.done $0x0  }
0xec: {  	[sflag:s12] =	ssyncadd.s32 $0xFFFFE000  }
0xed: {  	p0 =	sne.s32 s23, $0x13C0;
	_ =	swait.ge [sflag:s12], $0x2000  }
.Ltmp1:
0xee: {  	[sflag:s12] =	ssyncset.done $0x0;
	(pc) =	sbr.rel @p0 .LBB2_4-.Ltmp1, $4  }
0xef: {  	[sflag:s12] =	ssyncadd.s32 $0xFFFFE000  }
0xf0: {  	_ =	swait.ge [sflag:s12], $0x2000  }
0xf1: {  	[sflag:s12] =	ssyncset.done $0x0  }
0xf2: {  	s24 =	sadd.s32 $0x200, s24;
	s23 =	sadd.s32 $0x40, s23;
	[sflag:s12] =	ssyncadd.s32 $0xFFFFE000  }
0xf3: {  	_ =	swait.ge [sflag:s11], $0x2000  }
0xf4: {  	[sflag:s11] =	ssyncset.done $0x0  }
0xf5: {  	[sflag:s11] =	ssyncadd.s32 $0xFFFFE000  }
0xf6: {  	_ =	swait.ge [sflag:s16], $0x100  }
0xf7: {  	[sflag:s16] =	ssyncset.done $0x0  }
0xf8: {  	[sflag:s16] =	ssyncadd.s32 $0xFFFFFF00  }
0xf9: {  	[bflag:$0x0] =	sbarrier.arrive $0xFFFF  }
0xfa: {  	[tilespmem:s30], [sflag:$0x7] =	stream.linear.gather [spmem:s26], $0x2000, $0x38;
	[tilespmem:$0x1E880] =	vst v63  }
0xfb: {  	_ =	swait.ge [sflag:s14], $0x2000  }
0xfc: {  	[sflag:s14] =	ssyncset.done $0x0  }
0xfd: {  	s22 =	rddreg [dreg:$0x8];
	[sflag:s14] =	ssyncadd.s32 $0xFFFFE000  }
0xfe: {  	[hbm4b:s22+s6] =	stream.linear.scatter [tilespmem:s30], [sflag:$0x1], $0x2000, $0x38;
	[tilespmem:$0x1E880] =	vst v63  }
0xff: {  	s25 =	rddreg [dreg:$0xc]  }
0x100: {  	[tilespmem:s17], [sflag:$0x7] =	stream.linear.gather [spmem:s25], $0x2000, $0x38;
	[tilespmem:$0x1E880] =	vst v63  }
0x101: {  	_ =	swait.ge [sflag:s14], $0x2000  }
0x102: {  	[sflag:s14] =	ssyncset.done $0x0  }
0x103: {  	s23 =	rddreg [dreg:$0x9];
	[sflag:s14] =	ssyncadd.s32 $0xFFFFE000  }
0x104: {  	[hbm4b:s23+s6] =	stream.linear.scatter [tilespmem:s17], [sflag:$0x2], $0x2000, $0x38;
	[tilespmem:$0x1E880] =	vst v63  }
0x105: {  	_ =	swait.ge [sflag:s11], $0x2000  }
0x106: {  	[sflag:s11] =	ssyncset.done $0x0  }
0x107: {  	s24 =	rddreg [dreg:$0x11];
	[sflag:s11] =	ssyncadd.s32 $0xFFFFE000  }
0x108: {  	[tilespmem:s30], [sflag:$0x7] =	stream.linear.gather [spmem:s24], $0x2000, $0x38;
	[tilespmem:$0x1E880] =	vst v63  }
0x109: {  	_ =	swait.ge [sflag:s14], $0x2000  }
0x10a: {  	[sflag:s14] =	ssyncset.done $0x0  }
0x10b: {  	s25 =	rddreg [dreg:$0xa];
	[sflag:s14] =	ssyncadd.s32 $0xFFFFE000  }
0x10c: {  	[hbm4b:s25+s6] =	stream.linear.scatter [tilespmem:s30], [sflag:$0x1], $0x2000, $0x38;
	[tilespmem:$0x1E880] =	vst v63  }
0x10d: {  	_ =	swait.ge [sflag:s20], $0x2000  }
0x10e: {  	[sflag:s20] =	ssyncset.done $0x0  }
0x10f: {  	s23 =	rddreg [dreg:$0x14];
	[sflag:s20] =	ssyncadd.s32 $0xFFFFE000  }
0x110: {  	[tilespmem:s17], [sflag:$0x7] =	stream.linear.gather [spmem:s23], $0x2000, $0x38;
	[tilespmem:$0x1E880] =	vst v63  }
0x111: {  	_ =	swait.ge [sflag:s14], $0x2000  }
0x112: {  	[sflag:s14] =	ssyncset.done $0x0  }
0x113: {  	s24 =	rddreg [dreg:$0xb];
	[sflag:s14] =	ssyncadd.s32 $0xFFFFE000  }
0x114: {  	[hbm4b:s24+s6] =	stream.linear.scatter [tilespmem:s17], [sflag:$0x2], $0x2000, $0x38;
	[tilespmem:$0x1E880] =	vst v63  }
0x115: {  	_ =	swait.ge [sflag:s11], $0x2000  }
0x116: {  	[sflag:s11] =	ssyncset.done $0x0  }
0x117: {  	s25 =	rddreg [dreg:$0xd];
	[sflag:s11] =	ssyncadd.s32 $0xFFFFE000  }
0x118: {  	[tilespmem:s30], [sflag:$0x7] =	stream.linear.gather [spmem:s25], $0x2000, $0x38;
	[tilespmem:$0x1E880] =	vst v63  }
0x119: {  	_ =	swait.ge [sflag:s14], $0x2000  }
0x11a: {  	[sflag:s14] =	ssyncset.done $0x0  }
0x11b: {  	s23 =	rddreg [dreg:$0x1d];
	[sflag:s14] =	ssyncadd.s32 $0xFFFFE000  }
0x11c: {  	[hbm4b:s23+s6] =	stream.linear.scatter [tilespmem:s30], [sflag:$0x1], $0x2000, $0x38;
	[tilespmem:$0x1E880] =	vst v63  }
0x11d: {  	_ =	swait.ge [sflag:s20], $0x2000  }
0x11e: {  	[sflag:s20] =	ssyncset.done $0x0  }
0x11f: {  	s24 =	rddreg [dreg:$0xe];
	[sflag:s20] =	ssyncadd.s32 $0xFFFFE000  }
0x120: {  	[tilespmem:s17], [sflag:$0x7] =	stream.linear.gather [spmem:s24], $0x2000, $0x38;
	[tilespmem:$0x1E880] =	vst v63  }
0x121: {  	_ =	swait.ge [sflag:s14], $0x2000  }
0x122: {  	[sflag:s14] =	ssyncset.done $0x0  }
0x123: {  	s25 =	rddreg [dreg:$0x1e];
	[sflag:s14] =	ssyncadd.s32 $0xFFFFE000  }
0x124: {  	[hbm4b:s25+s6] =	stream.linear.scatter [tilespmem:s17], [sflag:$0x2], $0x2000, $0x38;
	[tilespmem:$0x1E880] =	vst v63  }
0x125: {  	_ =	swait.ge [sflag:s11], $0x2000  }
0x126: {  	[sflag:s11] =	ssyncset.done $0x0  }
0x127: {  	s23 =	rddreg [dreg:$0x12];
	[sflag:s11] =	ssyncadd.s32 $0xFFFFE000  }
0x128: {  	[tilespmem:s30], [sflag:$0x7] =	stream.linear.gather [spmem:s23], $0x2000, $0x38;
	[tilespmem:$0x1E880] =	vst v63  }
0x129: {  	_ =	swait.ge [sflag:s14], $0x2000  }
0x12a: {  	[sflag:s14] =	ssyncset.done $0x0  }
0x12b: {  	s24 =	rddreg [dreg:$0x1f];
	[sflag:s14] =	ssyncadd.s32 $0xFFFFE000  }
0x12c: {  	[hbm4b:s24+s6] =	stream.linear.scatter [tilespmem:s30], [sflag:$0x1], $0x2000, $0x38;
	[tilespmem:$0x1E880] =	vst v63  }
0x12d: {  	_ =	swait.ge [sflag:s20], $0x2000  }
0x12e: {  	[sflag:s20] =	ssyncset.done $0x0  }
0x12f: {  	s25 =	rddreg [dreg:$0x15];
	[sflag:s20] =	ssyncadd.s32 $0xFFFFE000  }
0x130: {  	[tilespmem:s17], [sflag:$0x7] =	stream.linear.gather [spmem:s25], $0x2000, $0x38;
	[tilespmem:$0x1E880] =	vst v63  }
0x131: {  	_ =	swait.ge [sflag:s14], $0x2000  }
0x132: {  	s23 =	sld [smem:$0x7F9]  }
0x133: {  	[sflag:s14] =	ssyncset.done $0x0  }
0x134: {  	[sflag:s14] =	ssyncadd.s32 $0xFFFFE000  }
0x135: {  	[hbm4b:s23+s6] =	stream.linear.scatter [tilespmem:s17], [sflag:$0x2], $0x2000, $0x38;
	[tilespmem:$0x1E880] =	vst v63  }
0x136: {  	_ =	swait.ge [sflag:s11], $0x2000  }
0x137: {  	[sflag:s11] =	ssyncset.done $0x0  }
0x138: {  	s24 =	rddreg [dreg:$0xf];
	[sflag:s11] =	ssyncadd.s32 $0xFFFFE000  }
0x139: {  	[tilespmem:s30], [sflag:$0x7] =	stream.linear.gather [spmem:s24], $0x2000, $0x38;
	[tilespmem:$0x1E880] =	vst v63  }
0x13a: {  	_ =	swait.ge [sflag:s14], $0x2000  }
0x13b: {  	s25 =	sld [smem:$0x7FA]  }
0x13c: {  	[sflag:s14] =	ssyncset.done $0x0  }
0x13d: {  	[sflag:s14] =	ssyncadd.s32 $0xFFFFE000  }
0x13e: {  	[hbm4b:s25+s6] =	stream.linear.scatter [tilespmem:s30], [sflag:$0x1], $0x2000, $0x38;
	[tilespmem:$0x1E880] =	vst v63  }
0x13f: {  	_ =	swait.ge [sflag:s20], $0x2000  }
0x140: {  	[sflag:s20] =	ssyncset.done $0x0  }
0x141: {  	s23 =	rddreg [dreg:$0x10];
	[sflag:s20] =	ssyncadd.s32 $0xFFFFE000  }
0x142: {  	[tilespmem:s17], [sflag:$0x7] =	stream.linear.gather [spmem:s23], $0x2000, $0x38;
	[tilespmem:$0x1E880] =	vst v63  }
0x143: {  	_ =	swait.ge [sflag:s14], $0x2000  }
0x144: {  	s24 =	sld [smem:$0x7FB]  }
0x145: {  	[sflag:s14] =	ssyncset.done $0x0  }
0x146: {  	[sflag:s14] =	ssyncadd.s32 $0xFFFFE000  }
0x147: {  	[hbm4b:s24+s6] =	stream.linear.scatter [tilespmem:s17], [sflag:$0x2], $0x2000, $0x38;
	[tilespmem:$0x1E880] =	vst v63  }
0x148: {  	_ =	swait.ge [sflag:s11], $0x2000  }
0x149: {  	[sflag:s11] =	ssyncset.done $0x0  }
0x14a: {  	s25 =	rddreg [dreg:$0x13];
	[sflag:s11] =	ssyncadd.s32 $0xFFFFE000  }
0x14b: {  	[tilespmem:s30], [sflag:$0x7] =	stream.linear.gather [spmem:s25], $0x2000, $0x38;
	[tilespmem:$0x1E880] =	vst v63  }
0x14c: {  	_ =	swait.ge [sflag:s14], $0x2000  }
0x14d: {  	s23 =	sld [smem:$0x7FC]  }
0x14e: {  	[sflag:s14] =	ssyncset.done $0x0  }
0x14f: {  	[sflag:s14] =	ssyncadd.s32 $0xFFFFE000  }
0x150: {  	[hbm4b:s23+s6] =	stream.linear.scatter [tilespmem:s30], [sflag:$0x1], $0x2000, $0x38;
	[tilespmem:$0x1E880] =	vst v63  }
0x151: {  	_ =	swait.ge [sflag:s20], $0x2000  }
0x152: {  	[sflag:s20] =	ssyncset.done $0x0  }
0x153: {  	s24 =	rddreg [dreg:$0x16];
	[sflag:s20] =	ssyncadd.s32 $0xFFFFE000  }
0x154: {  	[tilespmem:s17], [sflag:$0x7] =	stream.linear.gather [spmem:s24], $0x2000, $0x38;
	[tilespmem:$0x1E880] =	vst v63  }
0x155: {  	_ =	swait.ge [sflag:s14], $0x2000  }
0x156: {  	s25 =	sld [smem:$0x7FD]  }
0x157: {  	[sflag:s14] =	ssyncset.done $0x0  }
0x158: {  	[sflag:s14] =	ssyncadd.s32 $0xFFFFE000  }
0x159: {  	[hbm4b:s25+s6] =	stream.linear.scatter [tilespmem:s17], [sflag:$0x2], $0x2000, $0x38;
	[tilespmem:$0x1E880] =	vst v63  }
0x15a: {  	_ =	swait.ge [sflag:s11], $0x2000  }
0x15b: {  	[sflag:s11] =	ssyncset.done $0x0  }
0x15c: {  	[sflag:s11] =	ssyncadd.s32 $0xFFFFE000  }
0x15d: {  	_ =	swait.ge [sflag:s20], $0x2000  }
0x15e: {  	[sflag:s20] =	ssyncset.done $0x0  }
0x15f: {  	s23 =	rddreg [dreg:$0x17];
	[sflag:s20] =	ssyncadd.s32 $0xFFFFE000  }
0x160: {  	[tilespmem:s13], [sflag:$0x7] =	stream.linear.gather [spmem:s23], $0x400, $0x38;
	[tilespmem:$0x1E880] =	vst v63  }
0x161: {  	_ =	swait.ge [sflag:s14], $0x400  }
0x162: {  	[sflag:s14] =	ssyncset.done $0x0  }
0x163: {  	s24 =	rddreg [dreg:$0x19];
	[sflag:s14] =	ssyncadd.s32 $0xFFFFFC00  }
0x164: {  	[hbm4b:s24+s6] =	stream.linear.scatter [tilespmem:s13], [sflag:$0x7], $0x400, $0x38;
	[tilespmem:$0x1E880] =	vst v63  }
0x165: {  	_ =	swait.ge [sflag:s14], $0x400  }
0x166: {  	s23 =	sld [smem:$0x7F8];
	_ =	sdelay $0x2  }
0x167: {  	s25 =	rddreg [dreg:$0x1a];
	s23 =	sadd.s32 $0x1, s23  }
0x168: {  	p0 =	sne.s32 s23, s25  }
.Ltmp2:
0x169: {  	_ = 	snop;
	(pc) =	sbr.rel @p0 .LBB2_1-.Ltmp2, $3  }
0x16a: {  	_ =	sdelay $0x1  }
0x16b: {  	[sflag:s14] =	ssyncset.done $0x0  }
0x16c: {  	[sflag:s14] =	ssyncadd.s32 $0xFFFFFC00  }
0x16d: {  	_ =	sfence.sel $0x180000  }
0x16e: {  	[bflag:$0x0] =	sbarrier.arrive $0xFFFF  }
0x16f: {  	_ =	strace $0x90000047  }
0x170: {  	s0 =	stileid.u32;
	[bflag:$0x2] =	sbarrier.arrive $0xFFFF  }
0x171: {  	p0 =	sne.s32 s0, $0x0;
	s0 =	rddreg [dreg:$0x6]  }
0x172: {  	s0 =	sadd.s32 @!p0 $0x100000, s0  }
0x173: {  	[sflag:s0] =	ssyncadd.tile.s32 @!p0 $0x1;
	_ =	shalt  }
.Lfunc_end2:
_tile_overlayer_lowered:
.L_overlay_start_2:
0x174: {  	(tag) =	ssettag $0x2  }
0x175: {  	s0 =	rddreg [dreg:$0x0];
	s2 =	stileid.u32  }
0x176: {  	s1 =	rddreg [dreg:$0x1];
	p0 =	sne.s32 s2, $0x0  }
0x177: {  	s3 =	rddreg [dreg:$0x2];
	[bflag:$0x3] =	sbarrier.arrive $0xFFFF;
	s2 =	simm.s32 @!p0 $0x1C07  }
0x178: {  	[timem:s3], [sflag:s2] =	dma.local @!p0 [hbm:s0], s1  }
0x179: {  	s0 =	simm.s32 @!p0 $0x7  }
0x17a: {  	_ =	swait.ge @!p0 [sflag:s0], s1  }
0x17b: {  	s1 =	ssub.s32 @!p0 $0x0, s1;
	[sflag:s0] =	ssyncset.done @!p0 $0x0  }
0x17c: {  	[sflag:s0] =	ssyncadd.s32 @!p0 s1  }
0x17d: {  	[bflag:$0x3] =	sbarrier.arrive $0xFFFF  }
0x17e: {  	_ =	shalt  }

</sc_bundles>
